<compile_context>
chip_gen: v7x
topology: tpu7x:2x2x1
jax: 0.10.2.dev20260603
libtpu: 0.0.44.dev20260713+nightly
codegen_flags: <defaults>
</compile_context>

<pallas_src>
import functools

import jax
import jax.numpy as jnp
from jax import lax
from jax.experimental import pallas as pl
from jax.experimental.pallas import tpu as pltpu
from jax.experimental.pallas import tpu_sc as plsc

H = 128
N_VAR = 10000
N_PAD = 10112
CHUNK = 64
CHUNK2 = 128
ZROWS = 64
ZTAIL = 56
NC = 2
NS = 16
NW = NC * NS
RPT = N_PAD // NS
NZB = RPT // ZROWS


def _sc_row_sums(x_con, src3, dst3, tpc):
    mesh = plsc.VectorSubcoreMesh(core_axis_name="c", subcore_axis_name="s")

    @functools.partial(
        pl.kernel,
        mesh=mesh,
        out_type=jax.ShapeDtypeStruct((NC, N_PAD, H), jnp.float32),
        scratch_types=[
            pltpu.VMEM_SHARED((N_PAD, H), jnp.float32),
            pltpu.VMEM((tpc, CHUNK), jnp.int32),
            pltpu.VMEM((tpc, CHUNK), jnp.int32),
            pltpu.VMEM((CHUNK, H), jnp.float32),
            pltpu.SemaphoreType.DMA,
        ],
    )
    def k(x_hbm, src_hbm, dst_hbm, s_out, acc_sh, src_all, dst_all,
          rows_v, sem):
        cid = lax.axis_index("c")
        sid = lax.axis_index("s")
        wid = sid * NC + cid
        base_r = sid * RPT

        zeros16 = jnp.zeros((16,), jnp.float32)

        def fill_zero(r, carry):
            for cc in range(H // 16):
                rows_v[r, pl.ds(cc * 16, 16)] = zeros16
            return carry
        lax.fori_loop(0, CHUNK, fill_zero, 0)

        for i in range(NZB):
            pltpu.sync_copy(rows_v, acc_sh.at[pl.ds(base_r + i * ZROWS, ZROWS)])
        pltpu.sync_copy(rows_v.at[pl.ds(0, ZTAIL)],
                        acc_sh.at[pl.ds(base_r + NZB * ZROWS, ZTAIL)])

        pltpu.sync_copy(src_hbm.at[wid], src_all)
        pltpu.sync_copy(dst_hbm.at[wid], dst_all)

        plsc.subcore_barrier()

        def body(j, carry):
            pltpu.async_copy(x_hbm.at[src_all.at[j]], rows_v, sem).wait()
            pltpu.sync_copy(rows_v, acc_sh.at[dst_all.at[j]], add=True)
            return carry
        lax.fori_loop(0, tpc, body, 0)

        plsc.subcore_barrier()

        for i in range(NZB):
            r = base_r + i * ZROWS
            pltpu.sync_copy(acc_sh.at[pl.ds(r, ZROWS)], rows_v)
            pltpu.sync_copy(rows_v, s_out.at[cid, pl.ds(r, ZROWS)])
        r = base_r + NZB * ZROWS
        pltpu.sync_copy(acc_sh.at[pl.ds(r, ZTAIL)], rows_v.at[pl.ds(0, ZTAIL)])
        pltpu.sync_copy(rows_v.at[pl.ds(0, ZTAIL)], s_out.at[cid, pl.ds(r, ZTAIL)])

    return k(x_con, src3, dst3)


def _sc_counts(dst3, tpc):
    mesh = plsc.VectorSubcoreMesh(core_axis_name="c", subcore_axis_name="s")

    @functools.partial(
        pl.kernel,
        mesh=mesh,
        out_type=jax.ShapeDtypeStruct((NC, N_PAD, H), jnp.float32),
        scratch_types=[
            pltpu.VMEM_SHARED((N_PAD, H), jnp.float32),
            pltpu.VMEM((tpc, CHUNK2), jnp.int32),
            pltpu.VMEM((CHUNK2, H), jnp.float32),
        ],
    )
    def k(dst_hbm, c_out, cnt_sh, dst_all, ones_v):
        cid = lax.axis_index("c")
        sid = lax.axis_index("s")
        wid = sid * NC + cid
        base_r = sid * RPT

        zeros16 = jnp.zeros((16,), jnp.float32)
        ones16 = jnp.ones((16,), jnp.float32)

        def fill_zero(r, carry):
            for cc in range(H // 16):
                ones_v[r, pl.ds(cc * 16, 16)] = zeros16
            return carry
        lax.fori_loop(0, CHUNK2, fill_zero, 0)

        for i in range(NZB):
            pltpu.sync_copy(ones_v.at[pl.ds(0, ZROWS)],
                            cnt_sh.at[pl.ds(base_r + i * ZROWS, ZROWS)])
        pltpu.sync_copy(ones_v.at[pl.ds(0, ZTAIL)],
                        cnt_sh.at[pl.ds(base_r + NZB * ZROWS, ZTAIL)])

        def fill_one(r, carry):
            for cc in range(H // 16):
                ones_v[r, pl.ds(cc * 16, 16)] = ones16
            return carry
        lax.fori_loop(0, CHUNK2, fill_one, 0)

        pltpu.sync_copy(dst_hbm.at[wid], dst_all)

        plsc.subcore_barrier()

        def body(j, carry):
            pltpu.sync_copy(ones_v, cnt_sh.at[dst_all.at[j]], add=True)
            return carry
        lax.fori_loop(0, tpc, body, 0)

        plsc.subcore_barrier()

        for i in range(NZB):
            r = base_r + i * ZROWS
            pltpu.sync_copy(cnt_sh.at[pl.ds(r, ZROWS)], ones_v.at[pl.ds(0, ZROWS)])
            pltpu.sync_copy(ones_v.at[pl.ds(0, ZROWS)], c_out.at[cid, pl.ds(r, ZROWS)])
        r = base_r + NZB * ZROWS
        pltpu.sync_copy(cnt_sh.at[pl.ds(r, ZTAIL)], ones_v.at[pl.ds(0, ZTAIL)])
        pltpu.sync_copy(ones_v.at[pl.ds(0, ZTAIL)], c_out.at[cid, pl.ds(r, ZTAIL)])

    return k(dst3)


def _tc_finish(sa, sb, ca, cb, W, b, gamma, beta):
    R = 1000

    def body(sa_ref, sb_ref, ca_ref, cb_ref, w_ref, b_ref, g_ref, be_ref, o_ref):
        s = sa_ref[...] + sb_ref[...]
        cnt = ca_ref[...] + cb_ref[...]
        y = lax.dot_general(s, w_ref[...], (((1,), (1,)), ((), ())),
                            preferred_element_type=jnp.float32)
        agg = (y + cnt * b_ref[...]) / (cnt + 1e-6)
        h = jnp.maximum(agg, 0.0)
        mean = jnp.mean(h, axis=1, keepdims=True)
        cen = h - mean
        var = jnp.mean(cen * cen, axis=1, keepdims=True)
        o_ref[...] = cen * lax.rsqrt(var + 1e-5) * g_ref[...] + be_ref[...]

    return pl.pallas_call(
        body,
        grid=(N_VAR // R,),
        in_specs=[
            pl.BlockSpec((R, H), lambda i: (i, 0)),
            pl.BlockSpec((R, H), lambda i: (i, 0)),
            pl.BlockSpec((R, H), lambda i: (i, 0)),
            pl.BlockSpec((R, H), lambda i: (i, 0)),
            pl.BlockSpec((H, H), lambda i: (0, 0)),
            pl.BlockSpec((1, H), lambda i: (0, 0)),
            pl.BlockSpec((1, H), lambda i: (0, 0)),
            pl.BlockSpec((1, H), lambda i: (0, 0)),
        ],
        out_specs=pl.BlockSpec((R, H), lambda i: (i, 0)),
        out_shape=jax.ShapeDtypeStruct((N_VAR, H), jnp.float32),
    )(sa, sb, ca, cb, W, b.reshape(1, H), gamma.reshape(1, H), beta.reshape(1, H))


def kernel(x_con, edge_index, num_var, W, b, gamma, beta):
    src = edge_index[0].astype(jnp.int32)
    dst = jnp.minimum(edge_index[1], num_var - 1).astype(jnp.int32)

    e = src.shape[0]
    e_pad = -e % (CHUNK * NW)
    src1 = jnp.concatenate([src, jnp.zeros((e_pad,), jnp.int32)]) if e_pad else src
    dst1 = jnp.concatenate([dst, jnp.full((e_pad,), N_PAD - 1, jnp.int32)]) if e_pad else dst
    tpc = (e + e_pad) // (CHUNK * NW)
    src3 = src1.reshape(NW, tpc, CHUNK)
    dst3 = dst1.reshape(NW, tpc, CHUNK)

    e_pad2 = -e % (CHUNK2 * NW)
    dst2 = jnp.concatenate([dst, jnp.full((e_pad2,), N_PAD - 1, jnp.int32)]) if e_pad2 else dst
    tpc2 = (e + e_pad2) // (CHUNK2 * NW)
    dst3b = dst2.reshape(NW, tpc2, CHUNK2)

    s_part = _sc_row_sums(x_con, src3, dst3, tpc)
    c_part = _sc_counts(dst3b, tpc2)
    return _tc_finish(s_part[0, :N_VAR], s_part[1, :N_VAR],
                      c_part[0, :N_VAR], c_part[1, :N_VAR],
                      W, b, gamma, beta)

# --- scband reference (transcript-rebuilt; emitter-appended) ---
"""Pipeline reference for scband-con-to-var-39298950759064 (READ-ONLY COPY).

The authoritative reference and input builder live on the scoring server;
editing this copy changes nothing except your own understanding.
"""

import jax, jax.numpy as jnp
import numpy as np

H = 128
N_CON = 10000
NUM_VAR = 10000
E = 320000


def setup_inputs(seed: int = 0) -> dict:
    key = jax.random.key(seed)
    k_x, k_src, k_dst, k_w, k_b, k_g, k_beta = jax.random.split(key, 7)
    x_con = jax.random.normal(k_x, (N_CON, H), dtype=jnp.float32)
    src = jax.random.randint(k_src, (E,), 0, N_CON, dtype=jnp.int64)
    dst = jax.random.randint(k_dst, (E,), 0, NUM_VAR, dtype=jnp.int64)
    edge_index = jnp.stack([src, dst], axis=0)
    # nn.Linear(hidden_dim, hidden_dim): W is (out, in), y = x @ W.T + b
    bound = 1.0 / np.sqrt(H)
    W = jax.random.uniform(k_w, (H, H), minval=-bound, maxval=bound, dtype=jnp.float32)
    b = jax.random.uniform(k_b, (H,), minval=-bound, maxval=bound, dtype=jnp.float32)
    gamma = jnp.ones((H,), dtype=jnp.float32)
    beta = jnp.zeros((H,), dtype=jnp.float32)
    return {"x_con": x_con, "edge_index": edge_index, "num_var": NUM_VAR,
            "W": W, "b": b, "gamma": gamma, "beta": beta}


def reference(x_con, edge_index, num_var, W, b, gamma, beta):
    src = edge_index[0]
    dst = jnp.minimum(edge_index[1], num_var - 1)
    # con_messages = Linear(x_con[src])
    con_messages = x_con[src] @ W.T + b
    # dst_count = bincount(dst, minlength=num_var)
    dst_count = jnp.bincount(dst, length=NUM_VAR).astype(jnp.float32)
    # normalized scatter-add
    agg = jnp.zeros((NUM_VAR, con_messages.shape[1]), dtype=con_messages.dtype)
    agg = agg.at[dst].add(con_messages)
    agg = agg / (dst_count[:, None] + 1e-6)
    # LN(ReLU(agg))
    h = jax.nn.relu(agg)
    mean = jnp.mean(h, axis=-1, keepdims=True)
    var = jnp.var(h, axis=-1, keepdims=True)
    out = (h - mean) / jnp.sqrt(var + 1e-5) * gamma + beta
    return out

if __name__ == "__main__":
    import jax
    _d = setup_inputs()
    print(jax.jit(kernel)(*tuple(_d.values())))

</pallas_src>

<mosaic_0001>
#map = affine_map<(d0, d1) -> (0, 0)>
#map1 = affine_map<(d0, d1) -> (0, 0, 0)>
module attributes {stable_mosaic.version = 14 : i64} {
  func.func @k(%arg0: i32, %arg1: i32, %arg2: memref<10000x128xf32, #tpu.memory_space<hbm>>, %arg3: memref<32x157x64xi32, #tpu.memory_space<hbm>>, %arg4: memref<32x157x64xi32, #tpu.memory_space<hbm>>, %arg5: memref<2x10112x128xf32, #tpu.memory_space<hbm>>, %arg6: memref<10112x128xf32, #tpu.memory_space<vmem_shared>>, %arg7: memref<157x64xi32, #tpu.memory_space<vmem>>, %arg8: memref<157x64xi32, #tpu.memory_space<vmem>>, %arg9: memref<64x128xf32, #tpu.memory_space<vmem>>, %arg10: memref<!tpu.dma_semaphore, #tpu.memory_space<semaphore_mem>>) attributes {dimension_semantics = [#tpu.dimension_semantics<core_parallel>, #tpu.dimension_semantics<subcore_parallel>], iteration_bounds = array<i64: 2, 16>, scalar_prefetch = 0 : i64, scratch_operands = 5 : i64, tpu.core_type = #tpu.core_type<sc_vector_subcore>, window_params = [{transform_indices = #map}, {transform_indices = #map1}, {transform_indices = #map1}, {transform_indices = #map1}]} {
    %mul3A = arith.constant 2 : i32
    %mul3A_0 = arith.muli %arg1, %mul3A : i32
    %add3A = arith.addi %mul3A_0, %arg0 : i32
    %mul3A_1 = arith.constant 632 : i32
    %mul3A_2 = arith.muli %arg1, %mul3A_1 : i32
    %broadcast_in_dim3A = arith.constant 0.000000e+00 : f32
    %broadcast_in_dim3A_3 = vector.broadcast %broadcast_in_dim3A : f32 to vector<16xf32>
    %scan3A = arith.constant 0 : i32
    %scan3A_4 = arith.constant 0 : i32
    %scan3A_5 = arith.constant 64 : i32
    %scan3A_6 = arith.addi %scan3A_4, %scan3A_5 : i32
    %scan3A_7 = arith.constant 1 : i32
    scf.for %scan3A_56 = %scan3A_4 to %scan3A_6 step %scan3A_7  : i32 {
      %swap3A = arith.index_cast %scan3A_56 : i32 to index
      %swap3A_57 = arith.constant 0 : index
      %swap3A_58 = tpu.vector_load %arg9[%swap3A, %swap3A_57] {strides = array<i32>} : memref<64x128xf32, #tpu.memory_space<vmem>>, vector<1x16xf32>,
      %swap3A_59 = vector.shape_cast %swap3A_58 : vector<1x16xf32> to vector<16xf32>
      %swap3A_60 = vector.shape_cast %broadcast_in_dim3A_3 : vector<16xf32> to vector<1x16xf32>
      tpu.vector_store %arg9[%swap3A, %swap3A_57], %swap3A_60 {strides = array<i32>} : memref<64x128xf32, #tpu.memory_space<vmem>>, vector<1x16xf32>,
      %swap3A_61 = arith.index_cast %scan3A_56 : i32 to index
      %swap3A_62 = arith.constant 16 : index
      %swap3A_63 = tpu.vector_load %arg9[%swap3A_61, %swap3A_62] {strides = array<i32>} : memref<64x128xf32, #tpu.memory_space<vmem>>, vector<1x16xf32>,
      %swap3A_64 = vector.shape_cast %swap3A_63 : vector<1x16xf32> to vector<16xf32>
      %swap3A_65 = vector.shape_cast %broadcast_in_dim3A_3 : vector<16xf32> to vector<1x16xf32>
      tpu.vector_store %arg9[%swap3A_61, %swap3A_62], %swap3A_65 {strides = array<i32>} : memref<64x128xf32, #tpu.memory_space<vmem>>, vector<1x16xf32>,
      %swap3A_66 = arith.index_cast %scan3A_56 : i32 to index
      %swap3A_67 = arith.constant 32 : index
      %swap3A_68 = tpu.vector_load %arg9[%swap3A_66, %swap3A_67] {strides = array<i32>} : memref<64x128xf32, #tpu.memory_space<vmem>>, vector<1x16xf32>,
      %swap3A_69 = vector.shape_cast %swap3A_68 : vector<1x16xf32> to vector<16xf32>
      %swap3A_70 = vector.shape_cast %broadcast_in_dim3A_3 : vector<16xf32> to vector<1x16xf32>
      tpu.vector_store %arg9[%swap3A_66, %swap3A_67], %swap3A_70 {strides = array<i32>} : memref<64x128xf32, #tpu.memory_space<vmem>>, vector<1x16xf32>,
      %swap3A_71 = arith.index_cast %scan3A_56 : i32 to index
      %swap3A_72 = arith.constant 48 : index
      %swap3A_73 = tpu.vector_load %arg9[%swap3A_71, %swap3A_72] {strides = array<i32>} : memref<64x128xf32, #tpu.memory_space<vmem>>, vector<1x16xf32>,
      %swap3A_74 = vector.shape_cast %swap3A_73 : vector<1x16xf32> to vector<16xf32>
      %swap3A_75 = vector.shape_cast %broadcast_in_dim3A_3 : vector<16xf32> to vector<1x16xf32>
      tpu.vector_store %arg9[%swap3A_71, %swap3A_72], %swap3A_75 {strides = array<i32>} : memref<64x128xf32, #tpu.memory_space<vmem>>, vector<1x16xf32>,
      %swap3A_76 = arith.index_cast %scan3A_56 : i32 to index
      %swap3A_77 = arith.constant 64 : index
      %swap3A_78 = tpu.vector_load %arg9[%swap3A_76, %swap3A_77] {strides = array<i32>} : memref<64x128xf32, #tpu.memory_space<vmem>>, vector<1x16xf32>,
      %swap3A_79 = vector.shape_cast %swap3A_78 : vector<1x16xf32> to vector<16xf32>
      %swap3A_80 = vector.shape_cast %broadcast_in_dim3A_3 : vector<16xf32> to vector<1x16xf32>
      tpu.vector_store %arg9[%swap3A_76, %swap3A_77], %swap3A_80 {strides = array<i32>} : memref<64x128xf32, #tpu.memory_space<vmem>>, vector<1x16xf32>,
      %swap3A_81 = arith.index_cast %scan3A_56 : i32 to index
      %swap3A_82 = arith.constant 80 : index
      %swap3A_83 = tpu.vector_load %arg9[%swap3A_81, %swap3A_82] {strides = array<i32>} : memref<64x128xf32, #tpu.memory_space<vmem>>, vector<1x16xf32>,
      %swap3A_84 = vector.shape_cast %swap3A_83 : vector<1x16xf32> to vector<16xf32>
      %swap3A_85 = vector.shape_cast %broadcast_in_dim3A_3 : vector<16xf32> to vector<1x16xf32>
      tpu.vector_store %arg9[%swap3A_81, %swap3A_82], %swap3A_85 {strides = array<i32>} : memref<64x128xf32, #tpu.memory_space<vmem>>, vector<1x16xf32>,
      %swap3A_86 = arith.index_cast %scan3A_56 : i32 to index
      %swap3A_87 = arith.constant 96 : index
      %swap3A_88 = tpu.vector_load %arg9[%swap3A_86, %swap3A_87] {strides = array<i32>} : memref<64x128xf32, #tpu.memory_space<vmem>>, vector<1x16xf32>,
      %swap3A_89 = vector.shape_cast %swap3A_88 : vector<1x16xf32> to vector<16xf32>
      %swap3A_90 = vector.shape_cast %broadcast_in_dim3A_3 : vector<16xf32> to vector<1x16xf32>
      tpu.vector_store %arg9[%swap3A_86, %swap3A_87], %swap3A_90 {strides = array<i32>} : memref<64x128xf32, #tpu.memory_space<vmem>>, vector<1x16xf32>,
      %swap3A_91 = arith.index_cast %scan3A_56 : i32 to index
      %swap3A_92 = arith.constant 112 : index
      %swap3A_93 = tpu.vector_load %arg9[%swap3A_91, %swap3A_92] {strides = array<i32>} : memref<64x128xf32, #tpu.memory_space<vmem>>, vector<1x16xf32>,
      %swap3A_94 = vector.shape_cast %swap3A_93 : vector<1x16xf32> to vector<16xf32>
      %swap3A_95 = vector.shape_cast %broadcast_in_dim3A_3 : vector<16xf32> to vector<1x16xf32>
      tpu.vector_store %arg9[%swap3A_91, %swap3A_92], %swap3A_95 {strides = array<i32>} : memref<64x128xf32, #tpu.memory_space<vmem>>, vector<1x16xf32>,
    }
    %scan3A_8 = arith.constant 64 : i32
    %add3A_9 = arith.constant 0 : i32
    %add3A_10 = arith.addi %mul3A_2, %add3A_9 : i32
    "tpu.region"() ({
      %run_scoped3A = tpu.sem_alloc : memref<!tpu.dma_semaphore, #tpu.memory_space<semaphore_mem>>
      %dma_start3A = arith.constant 0 : i32
      %dma_start3A_56 = tpu.memref_slice %arg6[%add3A_10, %dma_start3A] : memref<10112x128xf32, #tpu.memory_space<vmem_shared>> -> memref<64x128xf32, #tpu.memory_space<vmem_shared>>
      %dma_start3A_57 = arith.constant 0 : i32
      %dma_start3A_58 = tpu.memref_slice %arg6[%add3A_10, %dma_start3A_57] : memref<10112x128xf32, #tpu.memory_space<vmem_shared>> -> memref<64x128xf32, #tpu.memory_space<vmem_shared>>
      tpu.enqueue_dma source(%arg9 : memref<64x128xf32, #tpu.memory_space<vmem>>) target(%dma_start3A_58 : memref<64x128xf32, #tpu.memory_space<vmem_shared>>) target_semaphore(%run_scoped3A : memref<!tpu.dma_semaphore, #tpu.memory_space<semaphore_mem>>)
      %dma_wait3A = arith.constant 0 : i32
      %dma_wait3A_59 = tpu.memref_slice %arg6[%add3A_10, %dma_wait3A] : memref<10112x128xf32, #tpu.memory_space<vmem_shared>> -> memref<64x128xf32, #tpu.memory_space<vmem_shared>>
      %dma_wait3A_60 = arith.constant 0 : i32
      %dma_wait3A_61 = tpu.memref_slice %arg6[%add3A_10, %dma_wait3A_60] : memref<10112x128xf32, #tpu.memory_space<vmem_shared>> -> memref<64x128xf32, #tpu.memory_space<vmem_shared>>
      tpu.wait_dma2 semaphore(%run_scoped3A : memref<!tpu.dma_semaphore, #tpu.memory_space<semaphore_mem>>) src(%arg9 : memref<64x128xf32, #tpu.memory_space<vmem>>) dst(%dma_wait3A_61 : memref<64x128xf32, #tpu.memory_space<vmem_shared>>)
      tpu.yield
    }) : () -> ()
    %add3A_11 = arith.constant 64 : i32
    %add3A_12 = arith.addi %mul3A_2, %add3A_11 : i32
    "tpu.region"() ({
      %run_scoped3A = tpu.sem_alloc : memref<!tpu.dma_semaphore, #tpu.memory_space<semaphore_mem>>
      %dma_start3A = arith.constant 0 : i32
      %dma_start3A_56 = tpu.memref_slice %arg6[%add3A_12, %dma_start3A] : memref<10112x128xf32, #tpu.memory_space<vmem_shared>> -> memref<64x128xf32, #tpu.memory_space<vmem_shared>>
      %dma_start3A_57 = arith.constant 0 : i32
      %dma_start3A_58 = tpu.memref_slice %arg6[%add3A_12, %dma_start3A_57] : memref<10112x128xf32, #tpu.memory_space<vmem_shared>> -> memref<64x128xf32, #tpu.memory_space<vmem_shared>>
      tpu.enqueue_dma source(%arg9 : memref<64x128xf32, #tpu.memory_space<vmem>>) target(%dma_start3A_58 : memref<64x128xf32, #tpu.memory_space<vmem_shared>>) target_semaphore(%run_scoped3A : memref<!tpu.dma_semaphore, #tpu.memory_space<semaphore_mem>>)
      %dma_wait3A = arith.constant 0 : i32
      %dma_wait3A_59 = tpu.memref_slice %arg6[%add3A_12, %dma_wait3A] : memref<10112x128xf32, #tpu.memory_space<vmem_shared>> -> memref<64x128xf32, #tpu.memory_space<vmem_shared>>
      %dma_wait3A_60 = arith.constant 0 : i32
      %dma_wait3A_61 = tpu.memref_slice %arg6[%add3A_12, %dma_wait3A_60] : memref<10112x128xf32, #tpu.memory_space<vmem_shared>> -> memref<64x128xf32, #tpu.memory_space<vmem_shared>>
      tpu.wait_dma2 semaphore(%run_scoped3A : memref<!tpu.dma_semaphore, #tpu.memory_space<semaphore_mem>>) src(%arg9 : memref<64x128xf32, #tpu.memory_space<vmem>>) dst(%dma_wait3A_61 : memref<64x128xf32, #tpu.memory_space<vmem_shared>>)
      tpu.yield
    }) : () -> ()
    %add3A_13 = arith.constant 128 : i32
    %add3A_14 = arith.addi %mul3A_2, %add3A_13 : i32
    "tpu.region"() ({
      %run_scoped3A = tpu.sem_alloc : memref<!tpu.dma_semaphore, #tpu.memory_space<semaphore_mem>>
      %dma_start3A = arith.constant 0 : i32
      %dma_start3A_56 = tpu.memref_slice %arg6[%add3A_14, %dma_start3A] : memref<10112x128xf32, #tpu.memory_space<vmem_shared>> -> memref<64x128xf32, #tpu.memory_space<vmem_shared>>
      %dma_start3A_57 = arith.constant 0 : i32
      %dma_start3A_58 = tpu.memref_slice %arg6[%add3A_14, %dma_start3A_57] : memref<10112x128xf32, #tpu.memory_space<vmem_shared>> -> memref<64x128xf32, #tpu.memory_space<vmem_shared>>
      tpu.enqueue_dma source(%arg9 : memref<64x128xf32, #tpu.memory_space<vmem>>) target(%dma_start3A_58 : memref<64x128xf32, #tpu.memory_space<vmem_shared>>) target_semaphore(%run_scoped3A : memref<!tpu.dma_semaphore, #tpu.memory_space<semaphore_mem>>)
      %dma_wait3A = arith.constant 0 : i32
      %dma_wait3A_59 = tpu.memref_slice %arg6[%add3A_14, %dma_wait3A] : memref<10112x128xf32, #tpu.memory_space<vmem_shared>> -> memref<64x128xf32, #tpu.memory_space<vmem_shared>>
      %dma_wait3A_60 = arith.constant 0 : i32
      %dma_wait3A_61 = tpu.memref_slice %arg6[%add3A_14, %dma_wait3A_60] : memref<10112x128xf32, #tpu.memory_space<vmem_shared>> -> memref<64x128xf32, #tpu.memory_space<vmem_shared>>
      tpu.wait_dma2 semaphore(%run_scoped3A : memref<!tpu.dma_semaphore, #tpu.memory_space<semaphore_mem>>) src(%arg9 : memref<64x128xf32, #tpu.memory_space<vmem>>) dst(%dma_wait3A_61 : memref<64x128xf32, #tpu.memory_space<vmem_shared>>)
      tpu.yield
    }) : () -> ()
    %add3A_15 = arith.constant 192 : i32
    %add3A_16 = arith.addi %mul3A_2, %add3A_15 : i32
    "tpu.region"() ({
      %run_scoped3A = tpu.sem_alloc : memref<!tpu.dma_semaphore, #tpu.memory_space<semaphore_mem>>
      %dma_start3A = arith.constant 0 : i32
      %dma_start3A_56 = tpu.memref_slice %arg6[%add3A_16, %dma_start3A] : memref<10112x128xf32, #tpu.memory_space<vmem_shared>> -> memref<64x128xf32, #tpu.memory_space<vmem_shared>>
      %dma_start3A_57 = arith.constant 0 : i32
      %dma_start3A_58 = tpu.memref_slice %arg6[%add3A_16, %dma_start3A_57] : memref<10112x128xf32, #tpu.memory_space<vmem_shared>> -> memref<64x128xf32, #tpu.memory_space<vmem_shared>>
      tpu.enqueue_dma source(%arg9 : memref<64x128xf32, #tpu.memory_space<vmem>>) target(%dma_start3A_58 : memref<64x128xf32, #tpu.memory_space<vmem_shared>>) target_semaphore(%run_scoped3A : memref<!tpu.dma_semaphore, #tpu.memory_space<semaphore_mem>>)
      %dma_wait3A = arith.constant 0 : i32
      %dma_wait3A_59 = tpu.memref_slice %arg6[%add3A_16, %dma_wait3A] : memref<10112x128xf32, #tpu.memory_space<vmem_shared>> -> memref<64x128xf32, #tpu.memory_space<vmem_shared>>
      %dma_wait3A_60 = arith.constant 0 : i32
      %dma_wait3A_61 = tpu.memref_slice %arg6[%add3A_16, %dma_wait3A_60] : memref<10112x128xf32, #tpu.memory_space<vmem_shared>> -> memref<64x128xf32, #tpu.memory_space<vmem_shared>>
      tpu.wait_dma2 semaphore(%run_scoped3A : memref<!tpu.dma_semaphore, #tpu.memory_space<semaphore_mem>>) src(%arg9 : memref<64x128xf32, #tpu.memory_space<vmem>>) dst(%dma_wait3A_61 : memref<64x128xf32, #tpu.memory_space<vmem_shared>>)
      tpu.yield
    }) : () -> ()
    %add3A_17 = arith.constant 256 : i32
    %add3A_18 = arith.addi %mul3A_2, %add3A_17 : i32
    "tpu.region"() ({
      %run_scoped3A = tpu.sem_alloc : memref<!tpu.dma_semaphore, #tpu.memory_space<semaphore_mem>>
      %dma_start3A = arith.constant 0 : i32
      %dma_start3A_56 = tpu.memref_slice %arg6[%add3A_18, %dma_start3A] : memref<10112x128xf32, #tpu.memory_space<vmem_shared>> -> memref<64x128xf32, #tpu.memory_space<vmem_shared>>
      %dma_start3A_57 = arith.constant 0 : i32
      %dma_start3A_58 = tpu.memref_slice %arg6[%add3A_18, %dma_start3A_57] : memref<10112x128xf32, #tpu.memory_space<vmem_shared>> -> memref<64x128xf32, #tpu.memory_space<vmem_shared>>
      tpu.enqueue_dma source(%arg9 : memref<64x128xf32, #tpu.memory_space<vmem>>) target(%dma_start3A_58 : memref<64x128xf32, #tpu.memory_space<vmem_shared>>) target_semaphore(%run_scoped3A : memref<!tpu.dma_semaphore, #tpu.memory_space<semaphore_mem>>)
      %dma_wait3A = arith.constant 0 : i32
      %dma_wait3A_59 = tpu.memref_slice %arg6[%add3A_18, %dma_wait3A] : memref<10112x128xf32, #tpu.memory_space<vmem_shared>> -> memref<64x128xf32, #tpu.memory_space<vmem_shared>>
      %dma_wait3A_60 = arith.constant 0 : i32
      %dma_wait3A_61 = tpu.memref_slice %arg6[%add3A_18, %dma_wait3A_60] : memref<10112x128xf32, #tpu.memory_space<vmem_shared>> -> memref<64x128xf32, #tpu.memory_space<vmem_shared>>
      tpu.wait_dma2 semaphore(%run_scoped3A : memref<!tpu.dma_semaphore, #tpu.memory_space<semaphore_mem>>) src(%arg9 : memref<64x128xf32, #tpu.memory_space<vmem>>) dst(%dma_wait3A_61 : memref<64x128xf32, #tpu.memory_space<vmem_shared>>)
      tpu.yield
    }) : () -> ()
    %add3A_19 = arith.constant 320 : i32
    %add3A_20 = arith.addi %mul3A_2, %add3A_19 : i32
    "tpu.region"() ({
      %run_scoped3A = tpu.sem_alloc : memref<!tpu.dma_semaphore, #tpu.memory_space<semaphore_mem>>
      %dma_start3A = arith.constant 0 : i32
      %dma_start3A_56 = tpu.memref_slice %arg6[%add3A_20, %dma_start3A] : memref<10112x128xf32, #tpu.memory_space<vmem_shared>> -> memref<64x128xf32, #tpu.memory_space<vmem_shared>>
      %dma_start3A_57 = arith.constant 0 : i32
      %dma_start3A_58 = tpu.memref_slice %arg6[%add3A_20, %dma_start3A_57] : memref<10112x128xf32, #tpu.memory_space<vmem_shared>> -> memref<64x128xf32, #tpu.memory_space<vmem_shared>>
      tpu.enqueue_dma source(%arg9 : memref<64x128xf32, #tpu.memory_space<vmem>>) target(%dma_start3A_58 : memref<64x128xf32, #tpu.memory_space<vmem_shared>>) target_semaphore(%run_scoped3A : memref<!tpu.dma_semaphore, #tpu.memory_space<semaphore_mem>>)
      %dma_wait3A = arith.constant 0 : i32
      %dma_wait3A_59 = tpu.memref_slice %arg6[%add3A_20, %dma_wait3A] : memref<10112x128xf32, #tpu.memory_space<vmem_shared>> -> memref<64x128xf32, #tpu.memory_space<vmem_shared>>
      %dma_wait3A_60 = arith.constant 0 : i32
      %dma_wait3A_61 = tpu.memref_slice %arg6[%add3A_20, %dma_wait3A_60] : memref<10112x128xf32, #tpu.memory_space<vmem_shared>> -> memref<64x128xf32, #tpu.memory_space<vmem_shared>>
      tpu.wait_dma2 semaphore(%run_scoped3A : memref<!tpu.dma_semaphore, #tpu.memory_space<semaphore_mem>>) src(%arg9 : memref<64x128xf32, #tpu.memory_space<vmem>>) dst(%dma_wait3A_61 : memref<64x128xf32, #tpu.memory_space<vmem_shared>>)
      tpu.yield
    }) : () -> ()
    %add3A_21 = arith.constant 384 : i32
    %add3A_22 = arith.addi %mul3A_2, %add3A_21 : i32
    "tpu.region"() ({
      %run_scoped3A = tpu.sem_alloc : memref<!tpu.dma_semaphore, #tpu.memory_space<semaphore_mem>>
      %dma_start3A = arith.constant 0 : i32
      %dma_start3A_56 = tpu.memref_slice %arg6[%add3A_22, %dma_start3A] : memref<10112x128xf32, #tpu.memory_space<vmem_shared>> -> memref<64x128xf32, #tpu.memory_space<vmem_shared>>
      %dma_start3A_57 = arith.constant 0 : i32
      %dma_start3A_58 = tpu.memref_slice %arg6[%add3A_22, %dma_start3A_57] : memref<10112x128xf32, #tpu.memory_space<vmem_shared>> -> memref<64x128xf32, #tpu.memory_space<vmem_shared>>
      tpu.enqueue_dma source(%arg9 : memref<64x128xf32, #tpu.memory_space<vmem>>) target(%dma_start3A_58 : memref<64x128xf32, #tpu.memory_space<vmem_shared>>) target_semaphore(%run_scoped3A : memref<!tpu.dma_semaphore, #tpu.memory_space<semaphore_mem>>)
      %dma_wait3A = arith.constant 0 : i32
      %dma_wait3A_59 = tpu.memref_slice %arg6[%add3A_22, %dma_wait3A] : memref<10112x128xf32, #tpu.memory_space<vmem_shared>> -> memref<64x128xf32, #tpu.memory_space<vmem_shared>>
      %dma_wait3A_60 = arith.constant 0 : i32
      %dma_wait3A_61 = tpu.memref_slice %arg6[%add3A_22, %dma_wait3A_60] : memref<10112x128xf32, #tpu.memory_space<vmem_shared>> -> memref<64x128xf32, #tpu.memory_space<vmem_shared>>
      tpu.wait_dma2 semaphore(%run_scoped3A : memref<!tpu.dma_semaphore, #tpu.memory_space<semaphore_mem>>) src(%arg9 : memref<64x128xf32, #tpu.memory_space<vmem>>) dst(%dma_wait3A_61 : memref<64x128xf32, #tpu.memory_space<vmem_shared>>)
      tpu.yield
    }) : () -> ()
    %add3A_23 = arith.constant 448 : i32
    %add3A_24 = arith.addi %mul3A_2, %add3A_23 : i32
    "tpu.region"() ({
      %run_scoped3A = tpu.sem_alloc : memref<!tpu.dma_semaphore, #tpu.memory_space<semaphore_mem>>
      %dma_start3A = arith.constant 0 : i32
      %dma_start3A_56 = tpu.memref_slice %arg6[%add3A_24, %dma_start3A] : memref<10112x128xf32, #tpu.memory_space<vmem_shared>> -> memref<64x128xf32, #tpu.memory_space<vmem_shared>>
      %dma_start3A_57 = arith.constant 0 : i32
      %dma_start3A_58 = tpu.memref_slice %arg6[%add3A_24, %dma_start3A_57] : memref<10112x128xf32, #tpu.memory_space<vmem_shared>> -> memref<64x128xf32, #tpu.memory_space<vmem_shared>>
      tpu.enqueue_dma source(%arg9 : memref<64x128xf32, #tpu.memory_space<vmem>>) target(%dma_start3A_58 : memref<64x128xf32, #tpu.memory_space<vmem_shared>>) target_semaphore(%run_scoped3A : memref<!tpu.dma_semaphore, #tpu.memory_space<semaphore_mem>>)
      %dma_wait3A = arith.constant 0 : i32
      %dma_wait3A_59 = tpu.memref_slice %arg6[%add3A_24, %dma_wait3A] : memref<10112x128xf32, #tpu.memory_space<vmem_shared>> -> memref<64x128xf32, #tpu.memory_space<vmem_shared>>
      %dma_wait3A_60 = arith.constant 0 : i32
      %dma_wait3A_61 = tpu.memref_slice %arg6[%add3A_24, %dma_wait3A_60] : memref<10112x128xf32, #tpu.memory_space<vmem_shared>> -> memref<64x128xf32, #tpu.memory_space<vmem_shared>>
      tpu.wait_dma2 semaphore(%run_scoped3A : memref<!tpu.dma_semaphore, #tpu.memory_space<semaphore_mem>>) src(%arg9 : memref<64x128xf32, #tpu.memory_space<vmem>>) dst(%dma_wait3A_61 : memref<64x128xf32, #tpu.memory_space<vmem_shared>>)
      tpu.yield
    }) : () -> ()
    %add3A_25 = arith.constant 512 : i32
    %add3A_26 = arith.addi %mul3A_2, %add3A_25 : i32
    "tpu.region"() ({
      %run_scoped3A = tpu.sem_alloc : memref<!tpu.dma_semaphore, #tpu.memory_space<semaphore_mem>>
      %dma_start3A = arith.constant 0 : i32
      %dma_start3A_56 = tpu.memref_slice %arg6[%add3A_26, %dma_start3A] : memref<10112x128xf32, #tpu.memory_space<vmem_shared>> -> memref<64x128xf32, #tpu.memory_space<vmem_shared>>
      %dma_start3A_57 = arith.constant 0 : i32
      %dma_start3A_58 = tpu.memref_slice %arg6[%add3A_26, %dma_start3A_57] : memref<10112x128xf32, #tpu.memory_space<vmem_shared>> -> memref<64x128xf32, #tpu.memory_space<vmem_shared>>
      tpu.enqueue_dma source(%arg9 : memref<64x128xf32, #tpu.memory_space<vmem>>) target(%dma_start3A_58 : memref<64x128xf32, #tpu.memory_space<vmem_shared>>) target_semaphore(%run_scoped3A : memref<!tpu.dma_semaphore, #tpu.memory_space<semaphore_mem>>)
      %dma_wait3A = arith.constant 0 : i32
      %dma_wait3A_59 = tpu.memref_slice %arg6[%add3A_26, %dma_wait3A] : memref<10112x128xf32, #tpu.memory_space<vmem_shared>> -> memref<64x128xf32, #tpu.memory_space<vmem_shared>>
      %dma_wait3A_60 = arith.constant 0 : i32
      %dma_wait3A_61 = tpu.memref_slice %arg6[%add3A_26, %dma_wait3A_60] : memref<10112x128xf32, #tpu.memory_space<vmem_shared>> -> memref<64x128xf32, #tpu.memory_space<vmem_shared>>
      tpu.wait_dma2 semaphore(%run_scoped3A : memref<!tpu.dma_semaphore, #tpu.memory_space<semaphore_mem>>) src(%arg9 : memref<64x128xf32, #tpu.memory_space<vmem>>) dst(%dma_wait3A_61 : memref<64x128xf32, #tpu.memory_space<vmem_shared>>)
      tpu.yield
    }) : () -> ()
    %add3A_27 = arith.constant 576 : i32
    %add3A_28 = arith.addi %mul3A_2, %add3A_27 : i32
    "tpu.region"() ({
      %run_scoped3A = tpu.sem_alloc : memref<!tpu.dma_semaphore, #tpu.memory_space<semaphore_mem>>
      %dma_start3A = arith.constant 0 : i32
      %dma_start3A_56 = arith.constant 0 : i32
      %dma_start3A_57 = tpu.memref_slice %arg9[%dma_start3A, %dma_start3A_56] : memref<64x128xf32, #tpu.memory_space<vmem>> -> memref<56x128xf32, #tpu.memory_space<vmem>>
      %dma_start3A_58 = arith.constant 0 : i32
      %dma_start3A_59 = tpu.memref_slice %arg6[%add3A_28, %dma_start3A_58] : memref<10112x128xf32, #tpu.memory_space<vmem_shared>> -> memref<56x128xf32, #tpu.memory_space<vmem_shared>>
      %dma_start3A_60 = arith.constant 0 : i32
      %dma_start3A_61 = tpu.memref_slice %arg6[%add3A_28, %dma_start3A_60] : memref<10112x128xf32, #tpu.memory_space<vmem_shared>> -> memref<56x128xf32, #tpu.memory_space<vmem_shared>>
      %dma_start3A_62 = arith.constant 0 : i32
      %dma_start3A_63 = arith.constant 0 : i32
      %dma_start3A_64 = tpu.memref_slice %arg9[%dma_start3A_62, %dma_start3A_63] : memref<64x128xf32, #tpu.memory_space<vmem>> -> memref<56x128xf32, #tpu.memory_space<vmem>>
      tpu.enqueue_dma source(%dma_start3A_64 : memref<56x128xf32, #tpu.memory_space<vmem>>) target(%dma_start3A_61 : memref<56x128xf32, #tpu.memory_space<vmem_shared>>) target_semaphore(%run_scoped3A : memref<!tpu.dma_semaphore, #tpu.memory_space<semaphore_mem>>)
      %dma_wait3A = arith.constant 0 : i32
      %dma_wait3A_65 = arith.constant 0 : i32
      %dma_wait3A_66 = tpu.memref_slice %arg9[%dma_wait3A, %dma_wait3A_65] : memref<64x128xf32, #tpu.memory_space<vmem>> -> memref<56x128xf32, #tpu.memory_space<vmem>>
      %dma_wait3A_67 = arith.constant 0 : i32
      %dma_wait3A_68 = tpu.memref_slice %arg6[%add3A_28, %dma_wait3A_67] : memref<10112x128xf32, #tpu.memory_space<vmem_shared>> -> memref<56x128xf32, #tpu.memory_space<vmem_shared>>
      %dma_wait3A_69 = arith.constant 0 : i32
      %dma_wait3A_70 = tpu.memref_slice %arg6[%add3A_28, %dma_wait3A_69] : memref<10112x128xf32, #tpu.memory_space<vmem_shared>> -> memref<56x128xf32, #tpu.memory_space<vmem_shared>>
      %dma_wait3A_71 = arith.constant 0 : i32
      %dma_wait3A_72 = arith.constant 0 : i32
      %dma_wait3A_73 = tpu.memref_slice %arg9[%dma_wait3A_71, %dma_wait3A_72] : memref<64x128xf32, #tpu.memory_space<vmem>> -> memref<56x128xf32, #tpu.memory_space<vmem>>
      tpu.wait_dma2 semaphore(%run_scoped3A : memref<!tpu.dma_semaphore, #tpu.memory_space<semaphore_mem>>) src(%dma_wait3A_73 : memref<56x128xf32, #tpu.memory_space<vmem>>) dst(%dma_wait3A_70 : memref<56x128xf32, #tpu.memory_space<vmem_shared>>)
      tpu.yield
    }) : () -> ()
    "tpu.region"() ({
      %run_scoped3A = tpu.sem_alloc : memref<!tpu.dma_semaphore, #tpu.memory_space<semaphore_mem>>
      %dma_start3A = arith.constant 0 : i32
      %dma_start3A_56 = arith.constant 0 : i32
      %dma_start3A_57 = tpu.memref_slice %arg3[%add3A, %dma_start3A, %dma_start3A_56] : memref<32x157x64xi32, #tpu.memory_space<hbm>> -> memref<1x157x64xi32, #tpu.memory_space<hbm>>
      %dma_start3A_58 = tpu.memref_squeeze %dma_start3A_57 : memref<1x157x64xi32, #tpu.memory_space<hbm>> -> memref<157x64xi32, #tpu.memory_space<hbm>>
      %dma_start3A_59 = arith.constant 0 : i32
      %dma_start3A_60 = arith.constant 0 : i32
      %dma_start3A_61 = tpu.memref_slice %arg3[%add3A, %dma_start3A_59, %dma_start3A_60] : memref<32x157x64xi32, #tpu.memory_space<hbm>> -> memref<1x157x64xi32, #tpu.memory_space<hbm>>
      %dma_start3A_62 = tpu.memref_squeeze %dma_start3A_61 : memref<1x157x64xi32, #tpu.memory_space<hbm>> -> memref<157x64xi32, #tpu.memory_space<hbm>>
      tpu.enqueue_dma source(%dma_start3A_62 : memref<157x64xi32, #tpu.memory_space<hbm>>) target(%arg7 : memref<157x64xi32, #tpu.memory_space<vmem>>) target_semaphore(%run_scoped3A : memref<!tpu.dma_semaphore, #tpu.memory_space<semaphore_mem>>)
      %dma_wait3A = arith.constant 0 : i32
      %dma_wait3A_63 = arith.constant 0 : i32
      %dma_wait3A_64 = tpu.memref_slice %arg3[%add3A, %dma_wait3A, %dma_wait3A_63] : memref<32x157x64xi32, #tpu.memory_space<hbm>> -> memref<1x157x64xi32, #tpu.memory_space<hbm>>
      %dma_wait3A_65 = tpu.memref_squeeze %dma_wait3A_64 : memref<1x157x64xi32, #tpu.memory_space<hbm>> -> memref<157x64xi32, #tpu.memory_space<hbm>>
      %dma_wait3A_66 = arith.constant 0 : i32
      %dma_wait3A_67 = arith.constant 0 : i32
      %dma_wait3A_68 = tpu.memref_slice %arg3[%add3A, %dma_wait3A_66, %dma_wait3A_67] : memref<32x157x64xi32, #tpu.memory_space<hbm>> -> memref<1x157x64xi32, #tpu.memory_space<hbm>>
      %dma_wait3A_69 = tpu.memref_squeeze %dma_wait3A_68 : memref<1x157x64xi32, #tpu.memory_space<hbm>> -> memref<157x64xi32, #tpu.memory_space<hbm>>
      tpu.wait_dma2 semaphore(%run_scoped3A : memref<!tpu.dma_semaphore, #tpu.memory_space<semaphore_mem>>) src(%dma_wait3A_69 : memref<157x64xi32, #tpu.memory_space<hbm>>) dst(%arg7 : memref<157x64xi32, #tpu.memory_space<vmem>>)
      tpu.yield
    }) : () -> ()
    "tpu.region"() ({
      %run_scoped3A = tpu.sem_alloc : memref<!tpu.dma_semaphore, #tpu.memory_space<semaphore_mem>>
      %dma_start3A = arith.constant 0 : i32
      %dma_start3A_56 = arith.constant 0 : i32
      %dma_start3A_57 = tpu.memref_slice %arg4[%add3A, %dma_start3A, %dma_start3A_56] : memref<32x157x64xi32, #tpu.memory_space<hbm>> -> memref<1x157x64xi32, #tpu.memory_space<hbm>>
      %dma_start3A_58 = tpu.memref_squeeze %dma_start3A_57 : memref<1x157x64xi32, #tpu.memory_space<hbm>> -> memref<157x64xi32, #tpu.memory_space<hbm>>
      %dma_start3A_59 = arith.constant 0 : i32
      %dma_start3A_60 = arith.constant 0 : i32
      %dma_start3A_61 = tpu.memref_slice %arg4[%add3A, %dma_start3A_59, %dma_start3A_60] : memref<32x157x64xi32, #tpu.memory_space<hbm>> -> memref<1x157x64xi32, #tpu.memory_space<hbm>>
      %dma_start3A_62 = tpu.memref_squeeze %dma_start3A_61 : memref<1x157x64xi32, #tpu.memory_space<hbm>> -> memref<157x64xi32, #tpu.memory_space<hbm>>
      tpu.enqueue_dma source(%dma_start3A_62 : memref<157x64xi32, #tpu.memory_space<hbm>>) target(%arg8 : memref<157x64xi32, #tpu.memory_space<vmem>>) target_semaphore(%run_scoped3A : memref<!tpu.dma_semaphore, #tpu.memory_space<semaphore_mem>>)
      %dma_wait3A = arith.constant 0 : i32
      %dma_wait3A_63 = arith.constant 0 : i32
      %dma_wait3A_64 = tpu.memref_slice %arg4[%add3A, %dma_wait3A, %dma_wait3A_63] : memref<32x157x64xi32, #tpu.memory_space<hbm>> -> memref<1x157x64xi32, #tpu.memory_space<hbm>>
      %dma_wait3A_65 = tpu.memref_squeeze %dma_wait3A_64 : memref<1x157x64xi32, #tpu.memory_space<hbm>> -> memref<157x64xi32, #tpu.memory_space<hbm>>
      %dma_wait3A_66 = arith.constant 0 : i32
      %dma_wait3A_67 = arith.constant 0 : i32
      %dma_wait3A_68 = tpu.memref_slice %arg4[%add3A, %dma_wait3A_66, %dma_wait3A_67] : memref<32x157x64xi32, #tpu.memory_space<hbm>> -> memref<1x157x64xi32, #tpu.memory_space<hbm>>
      %dma_wait3A_69 = tpu.memref_squeeze %dma_wait3A_68 : memref<1x157x64xi32, #tpu.memory_space<hbm>> -> memref<157x64xi32, #tpu.memory_space<hbm>>
      tpu.wait_dma2 semaphore(%run_scoped3A : memref<!tpu.dma_semaphore, #tpu.memory_space<semaphore_mem>>) src(%dma_wait3A_69 : memref<157x64xi32, #tpu.memory_space<hbm>>) dst(%arg8 : memref<157x64xi32, #tpu.memory_space<vmem>>)
      tpu.yield
    }) : () -> ()
    %barrier3A = arith.constant 0 : index
    tpu.barrier barrier_id(%barrier3A)
    %scan3A_29 = arith.constant 0 : i32
    %scan3A_30 = arith.constant 0 : i32
    %scan3A_31 = arith.constant 157 : i32
    %scan3A_32 = arith.addi %scan3A_30, %scan3A_31 : i32
    %scan3A_33 = arith.constant 1 : i32
    scf.for %scan3A_56 = %scan3A_30 to %scan3A_32 step %scan3A_33  : i32 {
      %dma_start3A = arith.constant 0 : i32
      %dma_start3A_57 = tpu.memref_slice %arg7[%scan3A_56, %dma_start3A] : memref<157x64xi32, #tpu.memory_space<vmem>> -> memref<1x64xi32, #tpu.memory_space<vmem>>
      %dma_start3A_58 = tpu.memref_squeeze %dma_start3A_57 : memref<1x64xi32, #tpu.memory_space<vmem>> -> memref<64xi32, #tpu.memory_space<vmem>>
      %dma_start3A_59 = arith.constant 0 : i32
      %dma_start3A_60 = arith.constant 0 : i32
      %dma_start3A_61 = tpu.memref_slice %arg2[%dma_start3A_59, %dma_start3A_60] : memref<10000x128xf32, #tpu.memory_space<hbm>> -> memref<10000x128xf32, #tpu.memory_space<hbm>>
      tpu.enqueue_indirect_dma source(%dma_start3A_61 : memref<10000x128xf32, #tpu.memory_space<hbm>>) target(%arg9 : memref<64x128xf32, #tpu.memory_space<vmem>>) offsets(%dma_start3A_58 : memref<64xi32, #tpu.memory_space<vmem>>) semaphore(%arg10 : memref<!tpu.dma_semaphore, #tpu.memory_space<semaphore_mem>>)
      %dma_wait3A = arith.constant 0 : i32
      %dma_wait3A_62 = tpu.memref_slice %arg7[%scan3A_56, %dma_wait3A] : memref<157x64xi32, #tpu.memory_space<vmem>> -> memref<1x64xi32, #tpu.memory_space<vmem>>
      %dma_wait3A_63 = tpu.memref_squeeze %dma_wait3A_62 : memref<1x64xi32, #tpu.memory_space<vmem>> -> memref<64xi32, #tpu.memory_space<vmem>>
      %dma_wait3A_64 = arith.constant 0 : i32
      %dma_wait3A_65 = arith.constant 0 : i32
      %dma_wait3A_66 = tpu.memref_slice %arg2[%dma_wait3A_64, %dma_wait3A_65] : memref<10000x128xf32, #tpu.memory_space<hbm>> -> memref<10000x128xf32, #tpu.memory_space<hbm>>
      tpu.wait_indirect_dma semaphore(%arg10 : memref<!tpu.dma_semaphore, #tpu.memory_space<semaphore_mem>>) src(%dma_wait3A_66 : memref<10000x128xf32, #tpu.memory_space<hbm>>) dst(%arg9 : memref<64x128xf32, #tpu.memory_space<vmem>>)
      "tpu.region"() ({
        %run_scoped3A = tpu.sem_alloc : memref<!tpu.dma_semaphore, #tpu.memory_space<semaphore_mem>>
        %dma_start3A_67 = arith.constant 0 : i32
        %dma_start3A_68 = tpu.memref_slice %arg8[%scan3A_56, %dma_start3A_67] : memref<157x64xi32, #tpu.memory_space<vmem>> -> memref<1x64xi32, #tpu.memory_space<vmem>>
        %dma_start3A_69 = tpu.memref_squeeze %dma_start3A_68 : memref<1x64xi32, #tpu.memory_space<vmem>> -> memref<64xi32, #tpu.memory_space<vmem>>
        %dma_start3A_70 = arith.constant 0 : i32
        %dma_start3A_71 = arith.constant 0 : i32
        %dma_start3A_72 = tpu.memref_slice %arg6[%dma_start3A_70, %dma_start3A_71] : memref<10112x128xf32, #tpu.memory_space<vmem_shared>> -> memref<10112x128xf32, #tpu.memory_space<vmem_shared>>
        tpu.enqueue_indirect_dma source(%arg9 : memref<64x128xf32, #tpu.memory_space<vmem>>) target(%dma_start3A_72 : memref<10112x128xf32, #tpu.memory_space<vmem_shared>>) offsets(%dma_start3A_69 : memref<64xi32, #tpu.memory_space<vmem>>) semaphore(%run_scoped3A : memref<!tpu.dma_semaphore, #tpu.memory_space<semaphore_mem>>) {add = true}
        %dma_wait3A_73 = arith.constant 0 : i32
        %dma_wait3A_74 = tpu.memref_slice %arg8[%scan3A_56, %dma_wait3A_73] : memref<157x64xi32, #tpu.memory_space<vmem>> -> memref<1x64xi32, #tpu.memory_space<vmem>>
        %dma_wait3A_75 = tpu.memref_squeeze %dma_wait3A_74 : memref<1x64xi32, #tpu.memory_space<vmem>> -> memref<64xi32, #tpu.memory_space<vmem>>
        %dma_wait3A_76 = arith.constant 0 : i32
        %dma_wait3A_77 = arith.constant 0 : i32
        %dma_wait3A_78 = tpu.memref_slice %arg6[%dma_wait3A_76, %dma_wait3A_77] : memref<10112x128xf32, #tpu.memory_space<vmem_shared>> -> memref<10112x128xf32, #tpu.memory_space<vmem_shared>>
        tpu.wait_indirect_dma semaphore(%run_scoped3A : memref<!tpu.dma_semaphore, #tpu.memory_space<semaphore_mem>>) src(%arg9 : memref<64x128xf32, #tpu.memory_space<vmem>>) dst(%dma_wait3A_78 : memref<10112x128xf32, #tpu.memory_space<vmem_shared>>)
        tpu.yield
      }) : () -> ()
    }
    %scan3A_34 = arith.constant 157 : i32
    %barrier3A_35 = arith.constant 0 : index
    tpu.barrier barrier_id(%barrier3A_35)
    %add3A_36 = arith.constant 0 : i32
    %add3A_37 = arith.addi %mul3A_2, %add3A_36 : i32
    "tpu.region"() ({
      %run_scoped3A = tpu.sem_alloc : memref<!tpu.dma_semaphore, #tpu.memory_space<semaphore_mem>>
      %dma_start3A = arith.constant 0 : i32
      %dma_start3A_56 = tpu.memref_slice %arg6[%add3A_37, %dma_start3A] : memref<10112x128xf32, #tpu.memory_space<vmem_shared>> -> memref<64x128xf32, #tpu.memory_space<vmem_shared>>
      %dma_start3A_57 = arith.constant 0 : i32
      %dma_start3A_58 = tpu.memref_slice %arg6[%add3A_37, %dma_start3A_57] : memref<10112x128xf32, #tpu.memory_space<vmem_shared>> -> memref<64x128xf32, #tpu.memory_space<vmem_shared>>
      tpu.enqueue_dma source(%dma_start3A_58 : memref<64x128xf32, #tpu.memory_space<vmem_shared>>) target(%arg9 : memref<64x128xf32, #tpu.memory_space<vmem>>) target_semaphore(%run_scoped3A : memref<!tpu.dma_semaphore, #tpu.memory_space<semaphore_mem>>)
      %dma_wait3A = arith.constant 0 : i32
      %dma_wait3A_59 = tpu.memref_slice %arg6[%add3A_37, %dma_wait3A] : memref<10112x128xf32, #tpu.memory_space<vmem_shared>> -> memref<64x128xf32, #tpu.memory_space<vmem_shared>>
      %dma_wait3A_60 = arith.constant 0 : i32
      %dma_wait3A_61 = tpu.memref_slice %arg6[%add3A_37, %dma_wait3A_60] : memref<10112x128xf32, #tpu.memory_space<vmem_shared>> -> memref<64x128xf32, #tpu.memory_space<vmem_shared>>
      tpu.wait_dma2 semaphore(%run_scoped3A : memref<!tpu.dma_semaphore, #tpu.memory_space<semaphore_mem>>) src(%dma_wait3A_61 : memref<64x128xf32, #tpu.memory_space<vmem_shared>>) dst(%arg9 : memref<64x128xf32, #tpu.memory_space<vmem>>)
      tpu.yield
    }) : () -> ()
    "tpu.region"() ({
      %run_scoped3A = tpu.sem_alloc : memref<!tpu.dma_semaphore, #tpu.memory_space<semaphore_mem>>
      %dma_start3A = arith.constant 0 : i32
      %dma_start3A_56 = tpu.memref_slice %arg5[%arg0, %add3A_37, %dma_start3A] : memref<2x10112x128xf32, #tpu.memory_space<hbm>> -> memref<1x64x128xf32, #tpu.memory_space<hbm>>
      %dma_start3A_57 = tpu.memref_squeeze %dma_start3A_56 : memref<1x64x128xf32, #tpu.memory_space<hbm>> -> memref<64x128xf32, #tpu.memory_space<hbm>>
      %dma_start3A_58 = arith.constant 0 : i32
      %dma_start3A_59 = tpu.memref_slice %arg5[%arg0, %add3A_37, %dma_start3A_58] : memref<2x10112x128xf32, #tpu.memory_space<hbm>> -> memref<1x64x128xf32, #tpu.memory_space<hbm>>
      %dma_start3A_60 = tpu.memref_squeeze %dma_start3A_59 : memref<1x64x128xf32, #tpu.memory_space<hbm>> -> memref<64x128xf32, #tpu.memory_space<hbm>>
      tpu.enqueue_dma source(%arg9 : memref<64x128xf32, #tpu.memory_space<vmem>>) target(%dma_start3A_60 : memref<64x128xf32, #tpu.memory_space<hbm>>) target_semaphore(%run_scoped3A : memref<!tpu.dma_semaphore, #tpu.memory_space<semaphore_mem>>)
      %dma_wait3A = arith.constant 0 : i32
      %dma_wait3A_61 = tpu.memref_slice %arg5[%arg0, %add3A_37, %dma_wait3A] : memref<2x10112x128xf32, #tpu.memory_space<hbm>> -> memref<1x64x128xf32, #tpu.memory_space<hbm>>
      %dma_wait3A_62 = tpu.memref_squeeze %dma_wait3A_61 : memref<1x64x128xf32, #tpu.memory_space<hbm>> -> memref<64x128xf32, #tpu.memory_space<hbm>>
      %dma_wait3A_63 = arith.constant 0 : i32
      %dma_wait3A_64 = tpu.memref_slice %arg5[%arg0, %add3A_37, %dma_wait3A_63] : memref<2x10112x128xf32, #tpu.memory_space<hbm>> -> memref<1x64x128xf32, #tpu.memory_space<hbm>>
      %dma_wait3A_65 = tpu.memref_squeeze %dma_wait3A_64 : memref<1x64x128xf32, #tpu.memory_space<hbm>> -> memref<64x128xf32, #tpu.memory_space<hbm>>
      tpu.wait_dma2 semaphore(%run_scoped3A : memref<!tpu.dma_semaphore, #tpu.memory_space<semaphore_mem>>) src(%arg9 : memref<64x128xf32, #tpu.memory_space<vmem>>) dst(%dma_wait3A_65 : memref<64x128xf32, #tpu.memory_space<hbm>>)
      tpu.yield
    }) : () -> ()
    %add3A_38 = arith.constant 64 : i32
    %add3A_39 = arith.addi %mul3A_2, %add3A_38 : i32
    "tpu.region"() ({
      %run_scoped3A = tpu.sem_alloc : memref<!tpu.dma_semaphore, #tpu.memory_space<semaphore_mem>>
      %dma_start3A = arith.constant 0 : i32
      %dma_start3A_56 = tpu.memref_slice %arg6[%add3A_39, %dma_start3A] : memref<10112x128xf32, #tpu.memory_space<vmem_shared>> -> memref<64x128xf32, #tpu.memory_space<vmem_shared>>
      %dma_start3A_57 = arith.constant 0 : i32
      %dma_start3A_58 = tpu.memref_slice %arg6[%add3A_39, %dma_start3A_57] : memref<10112x128xf32, #tpu.memory_space<vmem_shared>> -> memref<64x128xf32, #tpu.memory_space<vmem_shared>>
      tpu.enqueue_dma source(%dma_start3A_58 : memref<64x128xf32, #tpu.memory_space<vmem_shared>>) target(%arg9 : memref<64x128xf32, #tpu.memory_space<vmem>>) target_semaphore(%run_scoped3A : memref<!tpu.dma_semaphore, #tpu.memory_space<semaphore_mem>>)
      %dma_wait3A = arith.constant 0 : i32
      %dma_wait3A_59 = tpu.memref_slice %arg6[%add3A_39, %dma_wait3A] : memref<10112x128xf32, #tpu.memory_space<vmem_shared>> -> memref<64x128xf32, #tpu.memory_space<vmem_shared>>
      %dma_wait3A_60 = arith.constant 0 : i32
      %dma_wait3A_61 = tpu.memref_slice %arg6[%add3A_39, %dma_wait3A_60] : memref<10112x128xf32, #tpu.memory_space<vmem_shared>> -> memref<64x128xf32, #tpu.memory_space<vmem_shared>>
      tpu.wait_dma2 semaphore(%run_scoped3A : memref<!tpu.dma_semaphore, #tpu.memory_space<semaphore_mem>>) src(%dma_wait3A_61 : memref<64x128xf32, #tpu.memory_space<vmem_shared>>) dst(%arg9 : memref<64x128xf32, #tpu.memory_space<vmem>>)
      tpu.yield
    }) : () -> ()
    "tpu.region"() ({
      %run_scoped3A = tpu.sem_alloc : memref<!tpu.dma_semaphore, #tpu.memory_space<semaphore_mem>>
      %dma_start3A = arith.constant 0 : i32
      %dma_start3A_56 = tpu.memref_slice %arg5[%arg0, %add3A_39, %dma_start3A] : memref<2x10112x128xf32, #tpu.memory_space<hbm>> -> memref<1x64x128xf32, #tpu.memory_space<hbm>>
      %dma_start3A_57 = tpu.memref_squeeze %dma_start3A_56 : memref<1x64x128xf32, #tpu.memory_space<hbm>> -> memref<64x128xf32, #tpu.memory_space<hbm>>
      %dma_start3A_58 = arith.constant 0 : i32
      %dma_start3A_59 = tpu.memref_slice %arg5[%arg0, %add3A_39, %dma_start3A_58] : memref<2x10112x128xf32, #tpu.memory_space<hbm>> -> memref<1x64x128xf32, #tpu.memory_space<hbm>>
      %dma_start3A_60 = tpu.memref_squeeze %dma_start3A_59 : memref<1x64x128xf32, #tpu.memory_space<hbm>> -> memref<64x128xf32, #tpu.memory_space<hbm>>
      tpu.enqueue_dma source(%arg9 : memref<64x128xf32, #tpu.memory_space<vmem>>) target(%dma_start3A_60 : memref<64x128xf32, #tpu.memory_space<hbm>>) target_semaphore(%run_scoped3A : memref<!tpu.dma_semaphore, #tpu.memory_space<semaphore_mem>>)
      %dma_wait3A = arith.constant 0 : i32
      %dma_wait3A_61 = tpu.memref_slice %arg5[%arg0, %add3A_39, %dma_wait3A] : memref<2x10112x128xf32, #tpu.memory_space<hbm>> -> memref<1x64x128xf32, #tpu.memory_space<hbm>>
      %dma_wait3A_62 = tpu.memref_squeeze %dma_wait3A_61 : memref<1x64x128xf32, #tpu.memory_space<hbm>> -> memref<64x128xf32, #tpu.memory_space<hbm>>
      %dma_wait3A_63 = arith.constant 0 : i32
      %dma_wait3A_64 = tpu.memref_slice %arg5[%arg0, %add3A_39, %dma_wait3A_63] : memref<2x10112x128xf32, #tpu.memory_space<hbm>> -> memref<1x64x128xf32, #tpu.memory_space<hbm>>
      %dma_wait3A_65 = tpu.memref_squeeze %dma_wait3A_64 : memref<1x64x128xf32, #tpu.memory_space<hbm>> -> memref<64x128xf32, #tpu.memory_space<hbm>>
      tpu.wait_dma2 semaphore(%run_scoped3A : memref<!tpu.dma_semaphore, #tpu.memory_space<semaphore_mem>>) src(%arg9 : memref<64x128xf32, #tpu.memory_space<vmem>>) dst(%dma_wait3A_65 : memref<64x128xf32, #tpu.memory_space<hbm>>)
      tpu.yield
    }) : () -> ()
    %add3A_40 = arith.constant 128 : i32
    %add3A_41 = arith.addi %mul3A_2, %add3A_40 : i32
    "tpu.region"() ({
      %run_scoped3A = tpu.sem_alloc : memref<!tpu.dma_semaphore, #tpu.memory_space<semaphore_mem>>
      %dma_start3A = arith.constant 0 : i32
      %dma_start3A_56 = tpu.memref_slice %arg6[%add3A_41, %dma_start3A] : memref<10112x128xf32, #tpu.memory_space<vmem_shared>> -> memref<64x128xf32, #tpu.memory_space<vmem_shared>>
      %dma_start3A_57 = arith.constant 0 : i32
      %dma_start3A_58 = tpu.memref_slice %arg6[%add3A_41, %dma_start3A_57] : memref<10112x128xf32, #tpu.memory_space<vmem_shared>> -> memref<64x128xf32, #tpu.memory_space<vmem_shared>>
      tpu.enqueue_dma source(%dma_start3A_58 : memref<64x128xf32, #tpu.memory_space<vmem_shared>>) target(%arg9 : memref<64x128xf32, #tpu.memory_space<vmem>>) target_semaphore(%run_scoped3A : memref<!tpu.dma_semaphore, #tpu.memory_space<semaphore_mem>>)
      %dma_wait3A = arith.constant 0 : i32
      %dma_wait3A_59 = tpu.memref_slice %arg6[%add3A_41, %dma_wait3A] : memref<10112x128xf32, #tpu.memory_space<vmem_shared>> -> memref<64x128xf32, #tpu.memory_space<vmem_shared>>
      %dma_wait3A_60 = arith.constant 0 : i32
      %dma_wait3A_61 = tpu.memref_slice %arg6[%add3A_41, %dma_wait3A_60] : memref<10112x128xf32, #tpu.memory_space<vmem_shared>> -> memref<64x128xf32, #tpu.memory_space<vmem_shared>>
      tpu.wait_dma2 semaphore(%run_scoped3A : memref<!tpu.dma_semaphore, #tpu.memory_space<semaphore_mem>>) src(%dma_wait3A_61 : memref<64x128xf32, #tpu.memory_space<vmem_shared>>) dst(%arg9 : memref<64x128xf32, #tpu.memory_space<vmem>>)
      tpu.yield
    }) : () -> ()
    "tpu.region"() ({
      %run_scoped3A = tpu.sem_alloc : memref<!tpu.dma_semaphore, #tpu.memory_space<semaphore_mem>>
      %dma_start3A = arith.constant 0 : i32
      %dma_start3A_56 = tpu.memref_slice %arg5[%arg0, %add3A_41, %dma_start3A] : memref<2x10112x128xf32, #tpu.memory_space<hbm>> -> memref<1x64x128xf32, #tpu.memory_space<hbm>>
      %dma_start3A_57 = tpu.memref_squeeze %dma_start3A_56 : memref<1x64x128xf32, #tpu.memory_space<hbm>> -> memref<64x128xf32, #tpu.memory_space<hbm>>
      %dma_start3A_58 = arith.constant 0 : i32
      %dma_start3A_59 = tpu.memref_slice %arg5[%arg0, %add3A_41, %dma_start3A_58] : memref<2x10112x128xf32, #tpu.memory_space<hbm>> -> memref<1x64x128xf32, #tpu.memory_space<hbm>>
      %dma_start3A_60 = tpu.memref_squeeze %dma_start3A_59 : memref<1x64x128xf32, #tpu.memory_space<hbm>> -> memref<64x128xf32, #tpu.memory_space<hbm>>
      tpu.enqueue_dma source(%arg9 : memref<64x128xf32, #tpu.memory_space<vmem>>) target(%dma_start3A_60 : memref<64x128xf32, #tpu.memory_space<hbm>>) target_semaphore(%run_scoped3A : memref<!tpu.dma_semaphore, #tpu.memory_space<semaphore_mem>>)
      %dma_wait3A = arith.constant 0 : i32
      %dma_wait3A_61 = tpu.memref_slice %arg5[%arg0, %add3A_41, %dma_wait3A] : memref<2x10112x128xf32, #tpu.memory_space<hbm>> -> memref<1x64x128xf32, #tpu.memory_space<hbm>>
      %dma_wait3A_62 = tpu.memref_squeeze %dma_wait3A_61 : memref<1x64x128xf32, #tpu.memory_space<hbm>> -> memref<64x128xf32, #tpu.memory_space<hbm>>
      %dma_wait3A_63 = arith.constant 0 : i32
      %dma_wait3A_64 = tpu.memref_slice %arg5[%arg0, %add3A_41, %dma_wait3A_63] : memref<2x10112x128xf32, #tpu.memory_space<hbm>> -> memref<1x64x128xf32, #tpu.memory_space<hbm>>
      %dma_wait3A_65 = tpu.memref_squeeze %dma_wait3A_64 : memref<1x64x128xf32, #tpu.memory_space<hbm>> -> memref<64x128xf32, #tpu.memory_space<hbm>>
      tpu.wait_dma2 semaphore(%run_scoped3A : memref<!tpu.dma_semaphore, #tpu.memory_space<semaphore_mem>>) src(%arg9 : memref<64x128xf32, #tpu.memory_space<vmem>>) dst(%dma_wait3A_65 : memref<64x128xf32, #tpu.memory_space<hbm>>)
      tpu.yield
    }) : () -> ()
    %add3A_42 = arith.constant 192 : i32
    %add3A_43 = arith.addi %mul3A_2, %add3A_42 : i32
    "tpu.region"() ({
      %run_scoped3A = tpu.sem_alloc : memref<!tpu.dma_semaphore, #tpu.memory_space<semaphore_mem>>
      %dma_start3A = arith.constant 0 : i32
      %dma_start3A_56 = tpu.memref_slice %arg6[%add3A_43, %dma_start3A] : memref<10112x128xf32, #tpu.memory_space<vmem_shared>> -> memref<64x128xf32, #tpu.memory_space<vmem_shared>>
      %dma_start3A_57 = arith.constant 0 : i32
      %dma_start3A_58 = tpu.memref_slice %arg6[%add3A_43, %dma_start3A_57] : memref<10112x128xf32, #tpu.memory_space<vmem_shared>> -> memref<64x128xf32, #tpu.memory_space<vmem_shared>>
      tpu.enqueue_dma source(%dma_start3A_58 : memref<64x128xf32, #tpu.memory_space<vmem_shared>>) target(%arg9 : memref<64x128xf32, #tpu.memory_space<vmem>>) target_semaphore(%run_scoped3A : memref<!tpu.dma_semaphore, #tpu.memory_space<semaphore_mem>>)
      %dma_wait3A = arith.constant 0 : i32
      %dma_wait3A_59 = tpu.memref_slice %arg6[%add3A_43, %dma_wait3A] : memref<10112x128xf32, #tpu.memory_space<vmem_shared>> -> memref<64x128xf32, #tpu.memory_space<vmem_shared>>
      %dma_wait3A_60 = arith.constant 0 : i32
      %dma_wait3A_61 = tpu.memref_slice %arg6[%add3A_43, %dma_wait3A_60] : memref<10112x128xf32, #tpu.memory_space<vmem_shared>> -> memref<64x128xf32, #tpu.memory_space<vmem_shared>>
      tpu.wait_dma2 semaphore(%run_scoped3A : memref<!tpu.dma_semaphore, #tpu.memory_space<semaphore_mem>>) src(%dma_wait3A_61 : memref<64x128xf32, #tpu.memory_space<vmem_shared>>) dst(%arg9 : memref<64x128xf32, #tpu.memory_space<vmem>>)
      tpu.yield
    }) : () -> ()
    "tpu.region"() ({
      %run_scoped3A = tpu.sem_alloc : memref<!tpu.dma_semaphore, #tpu.memory_space<semaphore_mem>>
      %dma_start3A = arith.constant 0 : i32
      %dma_start3A_56 = tpu.memref_slice %arg5[%arg0, %add3A_43, %dma_start3A] : memref<2x10112x128xf32, #tpu.memory_space<hbm>> -> memref<1x64x128xf32, #tpu.memory_space<hbm>>
      %dma_start3A_57 = tpu.memref_squeeze %dma_start3A_56 : memref<1x64x128xf32, #tpu.memory_space<hbm>> -> memref<64x128xf32, #tpu.memory_space<hbm>>
      %dma_start3A_58 = arith.constant 0 : i32
      %dma_start3A_59 = tpu.memref_slice %arg5[%arg0, %add3A_43, %dma_start3A_58] : memref<2x10112x128xf32, #tpu.memory_space<hbm>> -> memref<1x64x128xf32, #tpu.memory_space<hbm>>
      %dma_start3A_60 = tpu.memref_squeeze %dma_start3A_59 : memref<1x64x128xf32, #tpu.memory_space<hbm>> -> memref<64x128xf32, #tpu.memory_space<hbm>>
      tpu.enqueue_dma source(%arg9 : memref<64x128xf32, #tpu.memory_space<vmem>>) target(%dma_start3A_60 : memref<64x128xf32, #tpu.memory_space<hbm>>) target_semaphore(%run_scoped3A : memref<!tpu.dma_semaphore, #tpu.memory_space<semaphore_mem>>)
      %dma_wait3A = arith.constant 0 : i32
      %dma_wait3A_61 = tpu.memref_slice %arg5[%arg0, %add3A_43, %dma_wait3A] : memref<2x10112x128xf32, #tpu.memory_space<hbm>> -> memref<1x64x128xf32, #tpu.memory_space<hbm>>
      %dma_wait3A_62 = tpu.memref_squeeze %dma_wait3A_61 : memref<1x64x128xf32, #tpu.memory_space<hbm>> -> memref<64x128xf32, #tpu.memory_space<hbm>>
      %dma_wait3A_63 = arith.constant 0 : i32
      %dma_wait3A_64 = tpu.memref_slice %arg5[%arg0, %add3A_43, %dma_wait3A_63] : memref<2x10112x128xf32, #tpu.memory_space<hbm>> -> memref<1x64x128xf32, #tpu.memory_space<hbm>>
      %dma_wait3A_65 = tpu.memref_squeeze %dma_wait3A_64 : memref<1x64x128xf32, #tpu.memory_space<hbm>> -> memref<64x128xf32, #tpu.memory_space<hbm>>
      tpu.wait_dma2 semaphore(%run_scoped3A : memref<!tpu.dma_semaphore, #tpu.memory_space<semaphore_mem>>) src(%arg9 : memref<64x128xf32, #tpu.memory_space<vmem>>) dst(%dma_wait3A_65 : memref<64x128xf32, #tpu.memory_space<hbm>>)
      tpu.yield
    }) : () -> ()
    %add3A_44 = arith.constant 256 : i32
    %add3A_45 = arith.addi %mul3A_2, %add3A_44 : i32
    "tpu.region"() ({
      %run_scoped3A = tpu.sem_alloc : memref<!tpu.dma_semaphore, #tpu.memory_space<semaphore_mem>>
      %dma_start3A = arith.constant 0 : i32
      %dma_start3A_56 = tpu.memref_slice %arg6[%add3A_45, %dma_start3A] : memref<10112x128xf32, #tpu.memory_space<vmem_shared>> -> memref<64x128xf32, #tpu.memory_space<vmem_shared>>
      %dma_start3A_57 = arith.constant 0 : i32
      %dma_start3A_58 = tpu.memref_slice %arg6[%add3A_45, %dma_start3A_57] : memref<10112x128xf32, #tpu.memory_space<vmem_shared>> -> memref<64x128xf32, #tpu.memory_space<vmem_shared>>
      tpu.enqueue_dma source(%dma_start3A_58 : memref<64x128xf32, #tpu.memory_space<vmem_shared>>) target(%arg9 : memref<64x128xf32, #tpu.memory_space<vmem>>) target_semaphore(%run_scoped3A : memref<!tpu.dma_semaphore, #tpu.memory_space<semaphore_mem>>)
      %dma_wait3A = arith.constant 0 : i32
      %dma_wait3A_59 = tpu.memref_slice %arg6[%add3A_45, %dma_wait3A] : memref<10112x128xf32, #tpu.memory_space<vmem_shared>> -> memref<64x128xf32, #tpu.memory_space<vmem_shared>>
      %dma_wait3A_60 = arith.constant 0 : i32
      %dma_wait3A_61 = tpu.memref_slice %arg6[%add3A_45, %dma_wait3A_60] : memref<10112x128xf32, #tpu.memory_space<vmem_shared>> -> memref<64x128xf32, #tpu.memory_space<vmem_shared>>
      tpu.wait_dma2 semaphore(%run_scoped3A : memref<!tpu.dma_semaphore, #tpu.memory_space<semaphore_mem>>) src(%dma_wait3A_61 : memref<64x128xf32, #tpu.memory_space<vmem_shared>>) dst(%arg9 : memref<64x128xf32, #tpu.memory_space<vmem>>)
      tpu.yield
    }) : () -> ()
    "tpu.region"() ({
      %run_scoped3A = tpu.sem_alloc : memref<!tpu.dma_semaphore, #tpu.memory_space<semaphore_mem>>
      %dma_start3A = arith.constant 0 : i32
      %dma_start3A_56 = tpu.memref_slice %arg5[%arg0, %add3A_45, %dma_start3A] : memref<2x10112x128xf32, #tpu.memory_space<hbm>> -> memref<1x64x128xf32, #tpu.memory_space<hbm>>
      %dma_start3A_57 = tpu.memref_squeeze %dma_start3A_56 : memref<1x64x128xf32, #tpu.memory_space<hbm>> -> memref<64x128xf32, #tpu.memory_space<hbm>>
      %dma_start3A_58 = arith.constant 0 : i32
      %dma_start3A_59 = tpu.memref_slice %arg5[%arg0, %add3A_45, %dma_start3A_58] : memref<2x10112x128xf32, #tpu.memory_space<hbm>> -> memref<1x64x128xf32, #tpu.memory_space<hbm>>
      %dma_start3A_60 = tpu.memref_squeeze %dma_start3A_59 : memref<1x64x128xf32, #tpu.memory_space<hbm>> -> memref<64x128xf32, #tpu.memory_space<hbm>>
      tpu.enqueue_dma source(%arg9 : memref<64x128xf32, #tpu.memory_space<vmem>>) target(%dma_start3A_60 : memref<64x128xf32, #tpu.memory_space<hbm>>) target_semaphore(%run_scoped3A : memref<!tpu.dma_semaphore, #tpu.memory_space<semaphore_mem>>)
      %dma_wait3A = arith.constant 0 : i32
      %dma_wait3A_61 = tpu.memref_slice %arg5[%arg0, %add3A_45, %dma_wait3A] : memref<2x10112x128xf32, #tpu.memory_space<hbm>> -> memref<1x64x128xf32, #tpu.memory_space<hbm>>
      %dma_wait3A_62 = tpu.memref_squeeze %dma_wait3A_61 : memref<1x64x128xf32, #tpu.memory_space<hbm>> -> memref<64x128xf32, #tpu.memory_space<hbm>>
      %dma_wait3A_63 = arith.constant 0 : i32
      %dma_wait3A_64 = tpu.memref_slice %arg5[%arg0, %add3A_45, %dma_wait3A_63] : memref<2x10112x128xf32, #tpu.memory_space<hbm>> -> memref<1x64x128xf32, #tpu.memory_space<hbm>>
      %dma_wait3A_65 = tpu.memref_squeeze %dma_wait3A_64 : memref<1x64x128xf32, #tpu.memory_space<hbm>> -> memref<64x128xf32, #tpu.memory_space<hbm>>
      tpu.wait_dma2 semaphore(%run_scoped3A : memref<!tpu.dma_semaphore, #tpu.memory_space<semaphore_mem>>) src(%arg9 : memref<64x128xf32, #tpu.memory_space<vmem>>) dst(%dma_wait3A_65 : memref<64x128xf32, #tpu.memory_space<hbm>>)
      tpu.yield
    }) : () -> ()
    %add3A_46 = arith.constant 320 : i32
    %add3A_47 = arith.addi %mul3A_2, %add3A_46 : i32
    "tpu.region"() ({
      %run_scoped3A = tpu.sem_alloc : memref<!tpu.dma_semaphore, #tpu.memory_space<semaphore_mem>>
      %dma_start3A = arith.constant 0 : i32
      %dma_start3A_56 = tpu.memref_slice %arg6[%add3A_47, %dma_start3A] : memref<10112x128xf32, #tpu.memory_space<vmem_shared>> -> memref<64x128xf32, #tpu.memory_space<vmem_shared>>
      %dma_start3A_57 = arith.constant 0 : i32
      %dma_start3A_58 = tpu.memref_slice %arg6[%add3A_47, %dma_start3A_57] : memref<10112x128xf32, #tpu.memory_space<vmem_shared>> -> memref<64x128xf32, #tpu.memory_space<vmem_shared>>
      tpu.enqueue_dma source(%dma_start3A_58 : memref<64x128xf32, #tpu.memory_space<vmem_shared>>) target(%arg9 : memref<64x128xf32, #tpu.memory_space<vmem>>) target_semaphore(%run_scoped3A : memref<!tpu.dma_semaphore, #tpu.memory_space<semaphore_mem>>)
      %dma_wait3A = arith.constant 0 : i32
      %dma_wait3A_59 = tpu.memref_slice %arg6[%add3A_47, %dma_wait3A] : memref<10112x128xf32, #tpu.memory_space<vmem_shared>> -> memref<64x128xf32, #tpu.memory_space<vmem_shared>>
      %dma_wait3A_60 = arith.constant 0 : i32
      %dma_wait3A_61 = tpu.memref_slice %arg6[%add3A_47, %dma_wait3A_60] : memref<10112x128xf32, #tpu.memory_space<vmem_shared>> -> memref<64x128xf32, #tpu.memory_space<vmem_shared>>
      tpu.wait_dma2 semaphore(%run_scoped3A : memref<!tpu.dma_semaphore, #tpu.memory_space<semaphore_mem>>) src(%dma_wait3A_61 : memref<64x128xf32, #tpu.memory_space<vmem_shared>>) dst(%arg9 : memref<64x128xf32, #tpu.memory_space<vmem>>)
      tpu.yield
    }) : () -> ()
    "tpu.region"() ({
      %run_scoped3A = tpu.sem_alloc : memref<!tpu.dma_semaphore, #tpu.memory_space<semaphore_mem>>
      %dma_start3A = arith.constant 0 : i32
      %dma_start3A_56 = tpu.memref_slice %arg5[%arg0, %add3A_47, %dma_start3A] : memref<2x10112x128xf32, #tpu.memory_space<hbm>> -> memref<1x64x128xf32, #tpu.memory_space<hbm>>
      %dma_start3A_57 = tpu.memref_squeeze %dma_start3A_56 : memref<1x64x128xf32, #tpu.memory_space<hbm>> -> memref<64x128xf32, #tpu.memory_space<hbm>>
      %dma_start3A_58 = arith.constant 0 : i32
      %dma_start3A_59 = tpu.memref_slice %arg5[%arg0, %add3A_47, %dma_start3A_58] : memref<2x10112x128xf32, #tpu.memory_space<hbm>> -> memref<1x64x128xf32, #tpu.memory_space<hbm>>
      %dma_start3A_60 = tpu.memref_squeeze %dma_start3A_59 : memref<1x64x128xf32, #tpu.memory_space<hbm>> -> memref<64x128xf32, #tpu.memory_space<hbm>>
      tpu.enqueue_dma source(%arg9 : memref<64x128xf32, #tpu.memory_space<vmem>>) target(%dma_start3A_60 : memref<64x128xf32, #tpu.memory_space<hbm>>) target_semaphore(%run_scoped3A : memref<!tpu.dma_semaphore, #tpu.memory_space<semaphore_mem>>)
      %dma_wait3A = arith.constant 0 : i32
      %dma_wait3A_61 = tpu.memref_slice %arg5[%arg0, %add3A_47, %dma_wait3A] : memref<2x10112x128xf32, #tpu.memory_space<hbm>> -> memref<1x64x128xf32, #tpu.memory_space<hbm>>
      %dma_wait3A_62 = tpu.memref_squeeze %dma_wait3A_61 : memref<1x64x128xf32, #tpu.memory_space<hbm>> -> memref<64x128xf32, #tpu.memory_space<hbm>>
      %dma_wait3A_63 = arith.constant 0 : i32
      %dma_wait3A_64 = tpu.memref_slice %arg5[%arg0, %add3A_47, %dma_wait3A_63] : memref<2x10112x128xf32, #tpu.memory_space<hbm>> -> memref<1x64x128xf32, #tpu.memory_space<hbm>>
      %dma_wait3A_65 = tpu.memref_squeeze %dma_wait3A_64 : memref<1x64x128xf32, #tpu.memory_space<hbm>> -> memref<64x128xf32, #tpu.memory_space<hbm>>
      tpu.wait_dma2 semaphore(%run_scoped3A : memref<!tpu.dma_semaphore, #tpu.memory_space<semaphore_mem>>) src(%arg9 : memref<64x128xf32, #tpu.memory_space<vmem>>) dst(%dma_wait3A_65 : memref<64x128xf32, #tpu.memory_space<hbm>>)
      tpu.yield
    }) : () -> ()
    %add3A_48 = arith.constant 384 : i32
    %add3A_49 = arith.addi %mul3A_2, %add3A_48 : i32
    "tpu.region"() ({
      %run_scoped3A = tpu.sem_alloc : memref<!tpu.dma_semaphore, #tpu.memory_space<semaphore_mem>>
      %dma_start3A = arith.constant 0 : i32
      %dma_start3A_56 = tpu.memref_slice %arg6[%add3A_49, %dma_start3A] : memref<10112x128xf32, #tpu.memory_space<vmem_shared>> -> memref<64x128xf32, #tpu.memory_space<vmem_shared>>
      %dma_start3A_57 = arith.constant 0 : i32
      %dma_start3A_58 = tpu.memref_slice %arg6[%add3A_49, %dma_start3A_57] : memref<10112x128xf32, #tpu.memory_space<vmem_shared>> -> memref<64x128xf32, #tpu.memory_space<vmem_shared>>
      tpu.enqueue_dma source(%dma_start3A_58 : memref<64x128xf32, #tpu.memory_space<vmem_shared>>) target(%arg9 : memref<64x128xf32, #tpu.memory_space<vmem>>) target_semaphore(%run_scoped3A : memref<!tpu.dma_semaphore, #tpu.memory_space<semaphore_mem>>)
      %dma_wait3A = arith.constant 0 : i32
      %dma_wait3A_59 = tpu.memref_slice %arg6[%add3A_49, %dma_wait3A] : memref<10112x128xf32, #tpu.memory_space<vmem_shared>> -> memref<64x128xf32, #tpu.memory_space<vmem_shared>>
      %dma_wait3A_60 = arith.constant 0 : i32
      %dma_wait3A_61 = tpu.memref_slice %arg6[%add3A_49, %dma_wait3A_60] : memref<10112x128xf32, #tpu.memory_space<vmem_shared>> -> memref<64x128xf32, #tpu.memory_space<vmem_shared>>
      tpu.wait_dma2 semaphore(%run_scoped3A : memref<!tpu.dma_semaphore, #tpu.memory_space<semaphore_mem>>) src(%dma_wait3A_61 : memref<64x128xf32, #tpu.memory_space<vmem_shared>>) dst(%arg9 : memref<64x128xf32, #tpu.memory_space<vmem>>)
      tpu.yield
    }) : () -> ()
    "tpu.region"() ({
      %run_scoped3A = tpu.sem_alloc : memref<!tpu.dma_semaphore, #tpu.memory_space<semaphore_mem>>
      %dma_start3A = arith.constant 0 : i32
      %dma_start3A_56 = tpu.memref_slice %arg5[%arg0, %add3A_49, %dma_start3A] : memref<2x10112x128xf32, #tpu.memory_space<hbm>> -> memref<1x64x128xf32, #tpu.memory_space<hbm>>
      %dma_start3A_57 = tpu.memref_squeeze %dma_start3A_56 : memref<1x64x128xf32, #tpu.memory_space<hbm>> -> memref<64x128xf32, #tpu.memory_space<hbm>>
      %dma_start3A_58 = arith.constant 0 : i32
      %dma_start3A_59 = tpu.memref_slice %arg5[%arg0, %add3A_49, %dma_start3A_58] : memref<2x10112x128xf32, #tpu.memory_space<hbm>> -> memref<1x64x128xf32, #tpu.memory_space<hbm>>
      %dma_start3A_60 = tpu.memref_squeeze %dma_start3A_59 : memref<1x64x128xf32, #tpu.memory_space<hbm>> -> memref<64x128xf32, #tpu.memory_space<hbm>>
      tpu.enqueue_dma source(%arg9 : memref<64x128xf32, #tpu.memory_space<vmem>>) target(%dma_start3A_60 : memref<64x128xf32, #tpu.memory_space<hbm>>) target_semaphore(%run_scoped3A : memref<!tpu.dma_semaphore, #tpu.memory_space<semaphore_mem>>)
      %dma_wait3A = arith.constant 0 : i32
      %dma_wait3A_61 = tpu.memref_slice %arg5[%arg0, %add3A_49, %dma_wait3A] : memref<2x10112x128xf32, #tpu.memory_space<hbm>> -> memref<1x64x128xf32, #tpu.memory_space<hbm>>
      %dma_wait3A_62 = tpu.memref_squeeze %dma_wait3A_61 : memref<1x64x128xf32, #tpu.memory_space<hbm>> -> memref<64x128xf32, #tpu.memory_space<hbm>>
      %dma_wait3A_63 = arith.constant 0 : i32
      %dma_wait3A_64 = tpu.memref_slice %arg5[%arg0, %add3A_49, %dma_wait3A_63] : memref<2x10112x128xf32, #tpu.memory_space<hbm>> -> memref<1x64x128xf32, #tpu.memory_space<hbm>>
      %dma_wait3A_65 = tpu.memref_squeeze %dma_wait3A_64 : memref<1x64x128xf32, #tpu.memory_space<hbm>> -> memref<64x128xf32, #tpu.memory_space<hbm>>
      tpu.wait_dma2 semaphore(%run_scoped3A : memref<!tpu.dma_semaphore, #tpu.memory_space<semaphore_mem>>) src(%arg9 : memref<64x128xf32, #tpu.memory_space<vmem>>) dst(%dma_wait3A_65 : memref<64x128xf32, #tpu.memory_space<hbm>>)
      tpu.yield
    }) : () -> ()
    %add3A_50 = arith.constant 448 : i32
    %add3A_51 = arith.addi %mul3A_2, %add3A_50 : i32
    "tpu.region"() ({
      %run_scoped3A = tpu.sem_alloc : memref<!tpu.dma_semaphore, #tpu.memory_space<semaphore_mem>>
      %dma_start3A = arith.constant 0 : i32
      %dma_start3A_56 = tpu.memref_slice %arg6[%add3A_51, %dma_start3A] : memref<10112x128xf32, #tpu.memory_space<vmem_shared>> -> memref<64x128xf32, #tpu.memory_space<vmem_shared>>
      %dma_start3A_57 = arith.constant 0 : i32
      %dma_start3A_58 = tpu.memref_slice %arg6[%add3A_51, %dma_start3A_57] : memref<10112x128xf32, #tpu.memory_space<vmem_shared>> -> memref<64x128xf32, #tpu.memory_space<vmem_shared>>
      tpu.enqueue_dma source(%dma_start3A_58 : memref<64x128xf32, #tpu.memory_space<vmem_shared>>) target(%arg9 : memref<64x128xf32, #tpu.memory_space<vmem>>) target_semaphore(%run_scoped3A : memref<!tpu.dma_semaphore, #tpu.memory_space<semaphore_mem>>)
      %dma_wait3A = arith.constant 0 : i32
      %dma_wait3A_59 = tpu.memref_slice %arg6[%add3A_51, %dma_wait3A] : memref<10112x128xf32, #tpu.memory_space<vmem_shared>> -> memref<64x128xf32, #tpu.memory_space<vmem_shared>>
      %dma_wait3A_60 = arith.constant 0 : i32
      %dma_wait3A_61 = tpu.memref_slice %arg6[%add3A_51, %dma_wait3A_60] : memref<10112x128xf32, #tpu.memory_space<vmem_shared>> -> memref<64x128xf32, #tpu.memory_space<vmem_shared>>
      tpu.wait_dma2 semaphore(%run_scoped3A : memref<!tpu.dma_semaphore, #tpu.memory_space<semaphore_mem>>) src(%dma_wait3A_61 : memref<64x128xf32, #tpu.memory_space<vmem_shared>>) dst(%arg9 : memref<64x128xf32, #tpu.memory_space<vmem>>)
      tpu.yield
    }) : () -> ()
    "tpu.region"() ({
      %run_scoped3A = tpu.sem_alloc : memref<!tpu.dma_semaphore, #tpu.memory_space<semaphore_mem>>
      %dma_start3A = arith.constant 0 : i32
      %dma_start3A_56 = tpu.memref_slice %arg5[%arg0, %add3A_51, %dma_start3A] : memref<2x10112x128xf32, #tpu.memory_space<hbm>> -> memref<1x64x128xf32, #tpu.memory_space<hbm>>
      %dma_start3A_57 = tpu.memref_squeeze %dma_start3A_56 : memref<1x64x128xf32, #tpu.memory_space<hbm>> -> memref<64x128xf32, #tpu.memory_space<hbm>>
      %dma_start3A_58 = arith.constant 0 : i32
      %dma_start3A_59 = tpu.memref_slice %arg5[%arg0, %add3A_51, %dma_start3A_58] : memref<2x10112x128xf32, #tpu.memory_space<hbm>> -> memref<1x64x128xf32, #tpu.memory_space<hbm>>
      %dma_start3A_60 = tpu.memref_squeeze %dma_start3A_59 : memref<1x64x128xf32, #tpu.memory_space<hbm>> -> memref<64x128xf32, #tpu.memory_space<hbm>>
      tpu.enqueue_dma source(%arg9 : memref<64x128xf32, #tpu.memory_space<vmem>>) target(%dma_start3A_60 : memref<64x128xf32, #tpu.memory_space<hbm>>) target_semaphore(%run_scoped3A : memref<!tpu.dma_semaphore, #tpu.memory_space<semaphore_mem>>)
      %dma_wait3A = arith.constant 0 : i32
      %dma_wait3A_61 = tpu.memref_slice %arg5[%arg0, %add3A_51, %dma_wait3A] : memref<2x10112x128xf32, #tpu.memory_space<hbm>> -> memref<1x64x128xf32, #tpu.memory_space<hbm>>
      %dma_wait3A_62 = tpu.memref_squeeze %dma_wait3A_61 : memref<1x64x128xf32, #tpu.memory_space<hbm>> -> memref<64x128xf32, #tpu.memory_space<hbm>>
      %dma_wait3A_63 = arith.constant 0 : i32
      %dma_wait3A_64 = tpu.memref_slice %arg5[%arg0, %add3A_51, %dma_wait3A_63] : memref<2x10112x128xf32, #tpu.memory_space<hbm>> -> memref<1x64x128xf32, #tpu.memory_space<hbm>>
      %dma_wait3A_65 = tpu.memref_squeeze %dma_wait3A_64 : memref<1x64x128xf32, #tpu.memory_space<hbm>> -> memref<64x128xf32, #tpu.memory_space<hbm>>
      tpu.wait_dma2 semaphore(%run_scoped3A : memref<!tpu.dma_semaphore, #tpu.memory_space<semaphore_mem>>) src(%arg9 : memref<64x128xf32, #tpu.memory_space<vmem>>) dst(%dma_wait3A_65 : memref<64x128xf32, #tpu.memory_space<hbm>>)
      tpu.yield
    }) : () -> ()
    %add3A_52 = arith.constant 512 : i32
    %add3A_53 = arith.addi %mul3A_2, %add3A_52 : i32
    "tpu.region"() ({
      %run_scoped3A = tpu.sem_alloc : memref<!tpu.dma_semaphore, #tpu.memory_space<semaphore_mem>>
      %dma_start3A = arith.constant 0 : i32
      %dma_start3A_56 = tpu.memref_slice %arg6[%add3A_53, %dma_start3A] : memref<10112x128xf32, #tpu.memory_space<vmem_shared>> -> memref<64x128xf32, #tpu.memory_space<vmem_shared>>
      %dma_start3A_57 = arith.constant 0 : i32
      %dma_start3A_58 = tpu.memref_slice %arg6[%add3A_53, %dma_start3A_57] : memref<10112x128xf32, #tpu.memory_space<vmem_shared>> -> memref<64x128xf32, #tpu.memory_space<vmem_shared>>
      tpu.enqueue_dma source(%dma_start3A_58 : memref<64x128xf32, #tpu.memory_space<vmem_shared>>) target(%arg9 : memref<64x128xf32, #tpu.memory_space<vmem>>) target_semaphore(%run_scoped3A : memref<!tpu.dma_semaphore, #tpu.memory_space<semaphore_mem>>)
      %dma_wait3A = arith.constant 0 : i32
      %dma_wait3A_59 = tpu.memref_slice %arg6[%add3A_53, %dma_wait3A] : memref<10112x128xf32, #tpu.memory_space<vmem_shared>> -> memref<64x128xf32, #tpu.memory_space<vmem_shared>>
      %dma_wait3A_60 = arith.constant 0 : i32
      %dma_wait3A_61 = tpu.memref_slice %arg6[%add3A_53, %dma_wait3A_60] : memref<10112x128xf32, #tpu.memory_space<vmem_shared>> -> memref<64x128xf32, #tpu.memory_space<vmem_shared>>
      tpu.wait_dma2 semaphore(%run_scoped3A : memref<!tpu.dma_semaphore, #tpu.memory_space<semaphore_mem>>) src(%dma_wait3A_61 : memref<64x128xf32, #tpu.memory_space<vmem_shared>>) dst(%arg9 : memref<64x128xf32, #tpu.memory_space<vmem>>)
      tpu.yield
    }) : () -> ()
    "tpu.region"() ({
      %run_scoped3A = tpu.sem_alloc : memref<!tpu.dma_semaphore, #tpu.memory_space<semaphore_mem>>
      %dma_start3A = arith.constant 0 : i32
      %dma_start3A_56 = tpu.memref_slice %arg5[%arg0, %add3A_53, %dma_start3A] : memref<2x10112x128xf32, #tpu.memory_space<hbm>> -> memref<1x64x128xf32, #tpu.memory_space<hbm>>
      %dma_start3A_57 = tpu.memref_squeeze %dma_start3A_56 : memref<1x64x128xf32, #tpu.memory_space<hbm>> -> memref<64x128xf32, #tpu.memory_space<hbm>>
      %dma_start3A_58 = arith.constant 0 : i32
      %dma_start3A_59 = tpu.memref_slice %arg5[%arg0, %add3A_53, %dma_start3A_58] : memref<2x10112x128xf32, #tpu.memory_space<hbm>> -> memref<1x64x128xf32, #tpu.memory_space<hbm>>
      %dma_start3A_60 = tpu.memref_squeeze %dma_start3A_59 : memref<1x64x128xf32, #tpu.memory_space<hbm>> -> memref<64x128xf32, #tpu.memory_space<hbm>>
      tpu.enqueue_dma source(%arg9 : memref<64x128xf32, #tpu.memory_space<vmem>>) target(%dma_start3A_60 : memref<64x128xf32, #tpu.memory_space<hbm>>) target_semaphore(%run_scoped3A : memref<!tpu.dma_semaphore, #tpu.memory_space<semaphore_mem>>)
      %dma_wait3A = arith.constant 0 : i32
      %dma_wait3A_61 = tpu.memref_slice %arg5[%arg0, %add3A_53, %dma_wait3A] : memref<2x10112x128xf32, #tpu.memory_space<hbm>> -> memref<1x64x128xf32, #tpu.memory_space<hbm>>
      %dma_wait3A_62 = tpu.memref_squeeze %dma_wait3A_61 : memref<1x64x128xf32, #tpu.memory_space<hbm>> -> memref<64x128xf32, #tpu.memory_space<hbm>>
      %dma_wait3A_63 = arith.constant 0 : i32
      %dma_wait3A_64 = tpu.memref_slice %arg5[%arg0, %add3A_53, %dma_wait3A_63] : memref<2x10112x128xf32, #tpu.memory_space<hbm>> -> memref<1x64x128xf32, #tpu.memory_space<hbm>>
      %dma_wait3A_65 = tpu.memref_squeeze %dma_wait3A_64 : memref<1x64x128xf32, #tpu.memory_space<hbm>> -> memref<64x128xf32, #tpu.memory_space<hbm>>
      tpu.wait_dma2 semaphore(%run_scoped3A : memref<!tpu.dma_semaphore, #tpu.memory_space<semaphore_mem>>) src(%arg9 : memref<64x128xf32, #tpu.memory_space<vmem>>) dst(%dma_wait3A_65 : memref<64x128xf32, #tpu.memory_space<hbm>>)
      tpu.yield
    }) : () -> ()
    %add3A_54 = arith.constant 576 : i32
    %add3A_55 = arith.addi %mul3A_2, %add3A_54 : i32
    "tpu.region"() ({
      %run_scoped3A = tpu.sem_alloc : memref<!tpu.dma_semaphore, #tpu.memory_space<semaphore_mem>>
      %dma_start3A = arith.constant 0 : i32
      %dma_start3A_56 = arith.constant 0 : i32
      %dma_start3A_57 = tpu.memref_slice %arg9[%dma_start3A, %dma_start3A_56] : memref<64x128xf32, #tpu.memory_space<vmem>> -> memref<56x128xf32, #tpu.memory_space<vmem>>
      %dma_start3A_58 = arith.constant 0 : i32
      %dma_start3A_59 = tpu.memref_slice %arg6[%add3A_55, %dma_start3A_58] : memref<10112x128xf32, #tpu.memory_space<vmem_shared>> -> memref<56x128xf32, #tpu.memory_space<vmem_shared>>
      %dma_start3A_60 = arith.constant 0 : i32
      %dma_start3A_61 = arith.constant 0 : i32
      %dma_start3A_62 = tpu.memref_slice %arg9[%dma_start3A_60, %dma_start3A_61] : memref<64x128xf32, #tpu.memory_space<vmem>> -> memref<56x128xf32, #tpu.memory_space<vmem>>
      %dma_start3A_63 = arith.constant 0 : i32
      %dma_start3A_64 = tpu.memref_slice %arg6[%add3A_55, %dma_start3A_63] : memref<10112x128xf32, #tpu.memory_space<vmem_shared>> -> memref<56x128xf32, #tpu.memory_space<vmem_shared>>
      tpu.enqueue_dma source(%dma_start3A_64 : memref<56x128xf32, #tpu.memory_space<vmem_shared>>) target(%dma_start3A_62 : memref<56x128xf32, #tpu.memory_space<vmem>>) target_semaphore(%run_scoped3A : memref<!tpu.dma_semaphore, #tpu.memory_space<semaphore_mem>>)
      %dma_wait3A = arith.constant 0 : i32
      %dma_wait3A_65 = arith.constant 0 : i32
      %dma_wait3A_66 = tpu.memref_slice %arg9[%dma_wait3A, %dma_wait3A_65] : memref<64x128xf32, #tpu.memory_space<vmem>> -> memref<56x128xf32, #tpu.memory_space<vmem>>
      %dma_wait3A_67 = arith.constant 0 : i32
      %dma_wait3A_68 = tpu.memref_slice %arg6[%add3A_55, %dma_wait3A_67] : memref<10112x128xf32, #tpu.memory_space<vmem_shared>> -> memref<56x128xf32, #tpu.memory_space<vmem_shared>>
      %dma_wait3A_69 = arith.constant 0 : i32
      %dma_wait3A_70 = arith.constant 0 : i32
      %dma_wait3A_71 = tpu.memref_slice %arg9[%dma_wait3A_69, %dma_wait3A_70] : memref<64x128xf32, #tpu.memory_space<vmem>> -> memref<56x128xf32, #tpu.memory_space<vmem>>
      %dma_wait3A_72 = arith.constant 0 : i32
      %dma_wait3A_73 = tpu.memref_slice %arg6[%add3A_55, %dma_wait3A_72] : memref<10112x128xf32, #tpu.memory_space<vmem_shared>> -> memref<56x128xf32, #tpu.memory_space<vmem_shared>>
      tpu.wait_dma2 semaphore(%run_scoped3A : memref<!tpu.dma_semaphore, #tpu.memory_space<semaphore_mem>>) src(%dma_wait3A_73 : memref<56x128xf32, #tpu.memory_space<vmem_shared>>) dst(%dma_wait3A_71 : memref<56x128xf32, #tpu.memory_space<vmem>>)
      tpu.yield
    }) : () -> ()
    "tpu.region"() ({
      %run_scoped3A = tpu.sem_alloc : memref<!tpu.dma_semaphore, #tpu.memory_space<semaphore_mem>>
      %dma_start3A = arith.constant 0 : i32
      %dma_start3A_56 = arith.constant 0 : i32
      %dma_start3A_57 = tpu.memref_slice %arg9[%dma_start3A, %dma_start3A_56] : memref<64x128xf32, #tpu.memory_space<vmem>> -> memref<56x128xf32, #tpu.memory_space<vmem>>
      %dma_start3A_58 = arith.constant 0 : i32
      %dma_start3A_59 = tpu.memref_slice %arg5[%arg0, %add3A_55, %dma_start3A_58] : memref<2x10112x128xf32, #tpu.memory_space<hbm>> -> memref<1x56x128xf32, #tpu.memory_space<hbm>>
      %dma_start3A_60 = tpu.memref_squeeze %dma_start3A_59 : memref<1x56x128xf32, #tpu.memory_space<hbm>> -> memref<56x128xf32, #tpu.memory_space<hbm>>
      %dma_start3A_61 = arith.constant 0 : i32
      %dma_start3A_62 = tpu.memref_slice %arg5[%arg0, %add3A_55, %dma_start3A_61] : memref<2x10112x128xf32, #tpu.memory_space<hbm>> -> memref<1x56x128xf32, #tpu.memory_space<hbm>>
      %dma_start3A_63 = tpu.memref_squeeze %dma_start3A_62 : memref<1x56x128xf32, #tpu.memory_space<hbm>> -> memref<56x128xf32, #tpu.memory_space<hbm>>
      %dma_start3A_64 = arith.constant 0 : i32
      %dma_start3A_65 = arith.constant 0 : i32
      %dma_start3A_66 = tpu.memref_slice %arg9[%dma_start3A_64, %dma_start3A_65] : memref<64x128xf32, #tpu.memory_space<vmem>> -> memref<56x128xf32, #tpu.memory_space<vmem>>
      tpu.enqueue_dma source(%dma_start3A_66 : memref<56x128xf32, #tpu.memory_space<vmem>>) target(%dma_start3A_63 : memref<56x128xf32, #tpu.memory_space<hbm>>) target_semaphore(%run_scoped3A : memref<!tpu.dma_semaphore, #tpu.memory_space<semaphore_mem>>)
      %dma_wait3A = arith.constant 0 : i32
      %dma_wait3A_67 = arith.constant 0 : i32
      %dma_wait3A_68 = tpu.memref_slice %arg9[%dma_wait3A, %dma_wait3A_67] : memref<64x128xf32, #tpu.memory_space<vmem>> -> memref<56x128xf32, #tpu.memory_space<vmem>>
      %dma_wait3A_69 = arith.constant 0 : i32
      %dma_wait3A_70 = tpu.memref_slice %arg5[%arg0, %add3A_55, %dma_wait3A_69] : memref<2x10112x128xf32, #tpu.memory_space<hbm>> -> memref<1x56x128xf32, #tpu.memory_space<hbm>>
      %dma_wait3A_71 = tpu.memref_squeeze %dma_wait3A_70 : memref<1x56x128xf32, #tpu.memory_space<hbm>> -> memref<56x128xf32, #tpu.memory_space<hbm>>
      %dma_wait3A_72 = arith.constant 0 : i32
      %dma_wait3A_73 = tpu.memref_slice %arg5[%arg0, %add3A_55, %dma_wait3A_72] : memref<2x10112x128xf32, #tpu.memory_space<hbm>> -> memref<1x56x128xf32, #tpu.memory_space<hbm>>
      %dma_wait3A_74 = tpu.memref_squeeze %dma_wait3A_73 : memref<1x56x128xf32, #tpu.memory_space<hbm>> -> memref<56x128xf32, #tpu.memory_space<hbm>>
      %dma_wait3A_75 = arith.constant 0 : i32
      %dma_wait3A_76 = arith.constant 0 : i32
      %dma_wait3A_77 = tpu.memref_slice %arg9[%dma_wait3A_75, %dma_wait3A_76] : memref<64x128xf32, #tpu.memory_space<vmem>> -> memref<56x128xf32, #tpu.memory_space<vmem>>
      tpu.wait_dma2 semaphore(%run_scoped3A : memref<!tpu.dma_semaphore, #tpu.memory_space<semaphore_mem>>) src(%dma_wait3A_77 : memref<56x128xf32, #tpu.memory_space<vmem>>) dst(%dma_wait3A_74 : memref<56x128xf32, #tpu.memory_space<hbm>>)
      tpu.yield
    }) : () -> ()
    return
  }
}

#map = affine_map<(d0, d1) -> (0, 0, 0)>
module attributes {stable_mosaic.version = 14 : i64} {
  func.func @k(%arg0: i32, %arg1: i32, %arg2: memref<32x79x128xi32, #tpu.memory_space<hbm>>, %arg3: memref<2x10112x128xf32, #tpu.memory_space<hbm>>, %arg4: memref<10112x128xf32, #tpu.memory_space<vmem_shared>>, %arg5: memref<79x128xi32, #tpu.memory_space<vmem>>, %arg6: memref<128x128xf32, #tpu.memory_space<vmem>>) attributes {dimension_semantics = [#tpu.dimension_semantics<core_parallel>, #tpu.dimension_semantics<subcore_parallel>], iteration_bounds = array<i64: 2, 16>, scalar_prefetch = 0 : i64, scratch_operands = 3 : i64, tpu.core_type = #tpu.core_type<sc_vector_subcore>, window_params = [{transform_indices = #map}, {transform_indices = #map}]} {
    %mul3A = arith.constant 2 : i32
    %mul3A_0 = arith.muli %arg1, %mul3A : i32
    %add3A = arith.addi %mul3A_0, %arg0 : i32
    %mul3A_1 = arith.constant 632 : i32
    %mul3A_2 = arith.muli %arg1, %mul3A_1 : i32
    %broadcast_in_dim3A = arith.constant 0.000000e+00 : f32
    %broadcast_in_dim3A_3 = vector.broadcast %broadcast_in_dim3A : f32 to vector<16xf32>
    %broadcast_in_dim3A_4 = arith.constant 1.000000e+00 : f32
    %broadcast_in_dim3A_5 = vector.broadcast %broadcast_in_dim3A_4 : f32 to vector<16xf32>
    %scan3A = arith.constant 0 : i32
    %scan3A_6 = arith.constant 0 : i32
    %scan3A_7 = arith.constant 128 : i32
    %scan3A_8 = arith.addi %scan3A_6, %scan3A_7 : i32
    %scan3A_9 = arith.constant 1 : i32
    scf.for %scan3A_64 = %scan3A_6 to %scan3A_8 step %scan3A_9  : i32 {
      %swap3A = arith.index_cast %scan3A_64 : i32 to index
      %swap3A_65 = arith.constant 0 : index
      %swap3A_66 = tpu.vector_load %arg6[%swap3A, %swap3A_65] {strides = array<i32>} : memref<128x128xf32, #tpu.memory_space<vmem>>, vector<1x16xf32>,
      %swap3A_67 = vector.shape_cast %swap3A_66 : vector<1x16xf32> to vector<16xf32>
      %swap3A_68 = vector.shape_cast %broadcast_in_dim3A_3 : vector<16xf32> to vector<1x16xf32>
      tpu.vector_store %arg6[%swap3A, %swap3A_65], %swap3A_68 {strides = array<i32>} : memref<128x128xf32, #tpu.memory_space<vmem>>, vector<1x16xf32>,
      %swap3A_69 = arith.index_cast %scan3A_64 : i32 to index
      %swap3A_70 = arith.constant 16 : index
      %swap3A_71 = tpu.vector_load %arg6[%swap3A_69, %swap3A_70] {strides = array<i32>} : memref<128x128xf32, #tpu.memory_space<vmem>>, vector<1x16xf32>,
      %swap3A_72 = vector.shape_cast %swap3A_71 : vector<1x16xf32> to vector<16xf32>
      %swap3A_73 = vector.shape_cast %broadcast_in_dim3A_3 : vector<16xf32> to vector<1x16xf32>
      tpu.vector_store %arg6[%swap3A_69, %swap3A_70], %swap3A_73 {strides = array<i32>} : memref<128x128xf32, #tpu.memory_space<vmem>>, vector<1x16xf32>,
      %swap3A_74 = arith.index_cast %scan3A_64 : i32 to index
      %swap3A_75 = arith.constant 32 : index
      %swap3A_76 = tpu.vector_load %arg6[%swap3A_74, %swap3A_75] {strides = array<i32>} : memref<128x128xf32, #tpu.memory_space<vmem>>, vector<1x16xf32>,
      %swap3A_77 = vector.shape_cast %swap3A_76 : vector<1x16xf32> to vector<16xf32>
      %swap3A_78 = vector.shape_cast %broadcast_in_dim3A_3 : vector<16xf32> to vector<1x16xf32>
      tpu.vector_store %arg6[%swap3A_74, %swap3A_75], %swap3A_78 {strides = array<i32>} : memref<128x128xf32, #tpu.memory_space<vmem>>, vector<1x16xf32>,
      %swap3A_79 = arith.index_cast %scan3A_64 : i32 to index
      %swap3A_80 = arith.constant 48 : index
      %swap3A_81 = tpu.vector_load %arg6[%swap3A_79, %swap3A_80] {strides = array<i32>} : memref<128x128xf32, #tpu.memory_space<vmem>>, vector<1x16xf32>,
      %swap3A_82 = vector.shape_cast %swap3A_81 : vector<1x16xf32> to vector<16xf32>
      %swap3A_83 = vector.shape_cast %broadcast_in_dim3A_3 : vector<16xf32> to vector<1x16xf32>
      tpu.vector_store %arg6[%swap3A_79, %swap3A_80], %swap3A_83 {strides = array<i32>} : memref<128x128xf32, #tpu.memory_space<vmem>>, vector<1x16xf32>,
      %swap3A_84 = arith.index_cast %scan3A_64 : i32 to index
      %swap3A_85 = arith.constant 64 : index
      %swap3A_86 = tpu.vector_load %arg6[%swap3A_84, %swap3A_85] {strides = array<i32>} : memref<128x128xf32, #tpu.memory_space<vmem>>, vector<1x16xf32>,
      %swap3A_87 = vector.shape_cast %swap3A_86 : vector<1x16xf32> to vector<16xf32>
      %swap3A_88 = vector.shape_cast %broadcast_in_dim3A_3 : vector<16xf32> to vector<1x16xf32>
      tpu.vector_store %arg6[%swap3A_84, %swap3A_85], %swap3A_88 {strides = array<i32>} : memref<128x128xf32, #tpu.memory_space<vmem>>, vector<1x16xf32>,
      %swap3A_89 = arith.index_cast %scan3A_64 : i32 to index
      %swap3A_90 = arith.constant 80 : index
      %swap3A_91 = tpu.vector_load %arg6[%swap3A_89, %swap3A_90] {strides = array<i32>} : memref<128x128xf32, #tpu.memory_space<vmem>>, vector<1x16xf32>,
      %swap3A_92 = vector.shape_cast %swap3A_91 : vector<1x16xf32> to vector<16xf32>
      %swap3A_93 = vector.shape_cast %broadcast_in_dim3A_3 : vector<16xf32> to vector<1x16xf32>
      tpu.vector_store %arg6[%swap3A_89, %swap3A_90], %swap3A_93 {strides = array<i32>} : memref<128x128xf32, #tpu.memory_space<vmem>>, vector<1x16xf32>,
      %swap3A_94 = arith.index_cast %scan3A_64 : i32 to index
      %swap3A_95 = arith.constant 96 : index
      %swap3A_96 = tpu.vector_load %arg6[%swap3A_94, %swap3A_95] {strides = array<i32>} : memref<128x128xf32, #tpu.memory_space<vmem>>, vector<1x16xf32>,
      %swap3A_97 = vector.shape_cast %swap3A_96 : vector<1x16xf32> to vector<16xf32>
      %swap3A_98 = vector.shape_cast %broadcast_in_dim3A_3 : vector<16xf32> to vector<1x16xf32>
      tpu.vector_store %arg6[%swap3A_94, %swap3A_95], %swap3A_98 {strides = array<i32>} : memref<128x128xf32, #tpu.memory_space<vmem>>, vector<1x16xf32>,
      %swap3A_99 = arith.index_cast %scan3A_64 : i32 to index
      %swap3A_100 = arith.constant 112 : index
      %swap3A_101 = tpu.vector_load %arg6[%swap3A_99, %swap3A_100] {strides = array<i32>} : memref<128x128xf32, #tpu.memory_space<vmem>>, vector<1x16xf32>,
      %swap3A_102 = vector.shape_cast %swap3A_101 : vector<1x16xf32> to vector<16xf32>
      %swap3A_103 = vector.shape_cast %broadcast_in_dim3A_3 : vector<16xf32> to vector<1x16xf32>
      tpu.vector_store %arg6[%swap3A_99, %swap3A_100], %swap3A_103 {strides = array<i32>} : memref<128x128xf32, #tpu.memory_space<vmem>>, vector<1x16xf32>,
    }
    %scan3A_10 = arith.constant 128 : i32
    %add3A_11 = arith.constant 0 : i32
    %add3A_12 = arith.addi %mul3A_2, %add3A_11 : i32
    "tpu.region"() ({
      %run_scoped3A = tpu.sem_alloc : memref<!tpu.dma_semaphore, #tpu.memory_space<semaphore_mem>>
      %dma_start3A = arith.constant 0 : i32
      %dma_start3A_64 = arith.constant 0 : i32
      %dma_start3A_65 = tpu.memref_slice %arg6[%dma_start3A, %dma_start3A_64] : memref<128x128xf32, #tpu.memory_space<vmem>> -> memref<64x128xf32, #tpu.memory_space<vmem>>
      %dma_start3A_66 = arith.constant 0 : i32
      %dma_start3A_67 = tpu.memref_slice %arg4[%add3A_12, %dma_start3A_66] : memref<10112x128xf32, #tpu.memory_space<vmem_shared>> -> memref<64x128xf32, #tpu.memory_space<vmem_shared>>
      %dma_start3A_68 = arith.constant 0 : i32
      %dma_start3A_69 = tpu.memref_slice %arg4[%add3A_12, %dma_start3A_68] : memref<10112x128xf32, #tpu.memory_space<vmem_shared>> -> memref<64x128xf32, #tpu.memory_space<vmem_shared>>
      %dma_start3A_70 = arith.constant 0 : i32
      %dma_start3A_71 = arith.constant 0 : i32
      %dma_start3A_72 = tpu.memref_slice %arg6[%dma_start3A_70, %dma_start3A_71] : memref<128x128xf32, #tpu.memory_space<vmem>> -> memref<64x128xf32, #tpu.memory_space<vmem>>
      tpu.enqueue_dma source(%dma_start3A_72 : memref<64x128xf32, #tpu.memory_space<vmem>>) target(%dma_start3A_69 : memref<64x128xf32, #tpu.memory_space<vmem_shared>>) target_semaphore(%run_scoped3A : memref<!tpu.dma_semaphore, #tpu.memory_space<semaphore_mem>>)
      %dma_wait3A = arith.constant 0 : i32
      %dma_wait3A_73 = arith.constant 0 : i32
      %dma_wait3A_74 = tpu.memref_slice %arg6[%dma_wait3A, %dma_wait3A_73] : memref<128x128xf32, #tpu.memory_space<vmem>> -> memref<64x128xf32, #tpu.memory_space<vmem>>
      %dma_wait3A_75 = arith.constant 0 : i32
      %dma_wait3A_76 = tpu.memref_slice %arg4[%add3A_12, %dma_wait3A_75] : memref<10112x128xf32, #tpu.memory_space<vmem_shared>> -> memref<64x128xf32, #tpu.memory_space<vmem_shared>>
      %dma_wait3A_77 = arith.constant 0 : i32
      %dma_wait3A_78 = tpu.memref_slice %arg4[%add3A_12, %dma_wait3A_77] : memref<10112x128xf32, #tpu.memory_space<vmem_shared>> -> memref<64x128xf32, #tpu.memory_space<vmem_shared>>
      %dma_wait3A_79 = arith.constant 0 : i32
      %dma_wait3A_80 = arith.constant 0 : i32
      %dma_wait3A_81 = tpu.memref_slice %arg6[%dma_wait3A_79, %dma_wait3A_80] : memref<128x128xf32, #tpu.memory_space<vmem>> -> memref<64x128xf32, #tpu.memory_space<vmem>>
      tpu.wait_dma2 semaphore(%run_scoped3A : memref<!tpu.dma_semaphore, #tpu.memory_space<semaphore_mem>>) src(%dma_wait3A_81 : memref<64x128xf32, #tpu.memory_space<vmem>>) dst(%dma_wait3A_78 : memref<64x128xf32, #tpu.memory_space<vmem_shared>>)
      tpu.yield
    }) : () -> ()
    %add3A_13 = arith.constant 64 : i32
    %add3A_14 = arith.addi %mul3A_2, %add3A_13 : i32
    "tpu.region"() ({
      %run_scoped3A = tpu.sem_alloc : memref<!tpu.dma_semaphore, #tpu.memory_space<semaphore_mem>>
      %dma_start3A = arith.constant 0 : i32
      %dma_start3A_64 = arith.constant 0 : i32
      %dma_start3A_65 = tpu.memref_slice %arg6[%dma_start3A, %dma_start3A_64] : memref<128x128xf32, #tpu.memory_space<vmem>> -> memref<64x128xf32, #tpu.memory_space<vmem>>
      %dma_start3A_66 = arith.constant 0 : i32
      %dma_start3A_67 = tpu.memref_slice %arg4[%add3A_14, %dma_start3A_66] : memref<10112x128xf32, #tpu.memory_space<vmem_shared>> -> memref<64x128xf32, #tpu.memory_space<vmem_shared>>
      %dma_start3A_68 = arith.constant 0 : i32
      %dma_start3A_69 = tpu.memref_slice %arg4[%add3A_14, %dma_start3A_68] : memref<10112x128xf32, #tpu.memory_space<vmem_shared>> -> memref<64x128xf32, #tpu.memory_space<vmem_shared>>
      %dma_start3A_70 = arith.constant 0 : i32
      %dma_start3A_71 = arith.constant 0 : i32
      %dma_start3A_72 = tpu.memref_slice %arg6[%dma_start3A_70, %dma_start3A_71] : memref<128x128xf32, #tpu.memory_space<vmem>> -> memref<64x128xf32, #tpu.memory_space<vmem>>
      tpu.enqueue_dma source(%dma_start3A_72 : memref<64x128xf32, #tpu.memory_space<vmem>>) target(%dma_start3A_69 : memref<64x128xf32, #tpu.memory_space<vmem_shared>>) target_semaphore(%run_scoped3A : memref<!tpu.dma_semaphore, #tpu.memory_space<semaphore_mem>>)
      %dma_wait3A = arith.constant 0 : i32
      %dma_wait3A_73 = arith.constant 0 : i32
      %dma_wait3A_74 = tpu.memref_slice %arg6[%dma_wait3A, %dma_wait3A_73] : memref<128x128xf32, #tpu.memory_space<vmem>> -> memref<64x128xf32, #tpu.memory_space<vmem>>
      %dma_wait3A_75 = arith.constant 0 : i32
      %dma_wait3A_76 = tpu.memref_slice %arg4[%add3A_14, %dma_wait3A_75] : memref<10112x128xf32, #tpu.memory_space<vmem_shared>> -> memref<64x128xf32, #tpu.memory_space<vmem_shared>>
      %dma_wait3A_77 = arith.constant 0 : i32
      %dma_wait3A_78 = tpu.memref_slice %arg4[%add3A_14, %dma_wait3A_77] : memref<10112x128xf32, #tpu.memory_space<vmem_shared>> -> memref<64x128xf32, #tpu.memory_space<vmem_shared>>
      %dma_wait3A_79 = arith.constant 0 : i32
      %dma_wait3A_80 = arith.constant 0 : i32
      %dma_wait3A_81 = tpu.memref_slice %arg6[%dma_wait3A_79, %dma_wait3A_80] : memref<128x128xf32, #tpu.memory_space<vmem>> -> memref<64x128xf32, #tpu.memory_space<vmem>>
      tpu.wait_dma2 semaphore(%run_scoped3A : memref<!tpu.dma_semaphore, #tpu.memory_space<semaphore_mem>>) src(%dma_wait3A_81 : memref<64x128xf32, #tpu.memory_space<vmem>>) dst(%dma_wait3A_78 : memref<64x128xf32, #tpu.memory_space<vmem_shared>>)
      tpu.yield
    }) : () -> ()
    %add3A_15 = arith.constant 128 : i32
    %add3A_16 = arith.addi %mul3A_2, %add3A_15 : i32
    "tpu.region"() ({
      %run_scoped3A = tpu.sem_alloc : memref<!tpu.dma_semaphore, #tpu.memory_space<semaphore_mem>>
      %dma_start3A = arith.constant 0 : i32
      %dma_start3A_64 = arith.constant 0 : i32
      %dma_start3A_65 = tpu.memref_slice %arg6[%dma_start3A, %dma_start3A_64] : memref<128x128xf32, #tpu.memory_space<vmem>> -> memref<64x128xf32, #tpu.memory_space<vmem>>
      %dma_start3A_66 = arith.constant 0 : i32
      %dma_start3A_67 = tpu.memref_slice %arg4[%add3A_16, %dma_start3A_66] : memref<10112x128xf32, #tpu.memory_space<vmem_shared>> -> memref<64x128xf32, #tpu.memory_space<vmem_shared>>
      %dma_start3A_68 = arith.constant 0 : i32
      %dma_start3A_69 = tpu.memref_slice %arg4[%add3A_16, %dma_start3A_68] : memref<10112x128xf32, #tpu.memory_space<vmem_shared>> -> memref<64x128xf32, #tpu.memory_space<vmem_shared>>
      %dma_start3A_70 = arith.constant 0 : i32
      %dma_start3A_71 = arith.constant 0 : i32
      %dma_start3A_72 = tpu.memref_slice %arg6[%dma_start3A_70, %dma_start3A_71] : memref<128x128xf32, #tpu.memory_space<vmem>> -> memref<64x128xf32, #tpu.memory_space<vmem>>
      tpu.enqueue_dma source(%dma_start3A_72 : memref<64x128xf32, #tpu.memory_space<vmem>>) target(%dma_start3A_69 : memref<64x128xf32, #tpu.memory_space<vmem_shared>>) target_semaphore(%run_scoped3A : memref<!tpu.dma_semaphore, #tpu.memory_space<semaphore_mem>>)
      %dma_wait3A = arith.constant 0 : i32
      %dma_wait3A_73 = arith.constant 0 : i32
      %dma_wait3A_74 = tpu.memref_slice %arg6[%dma_wait3A, %dma_wait3A_73] : memref<128x128xf32, #tpu.memory_space<vmem>> -> memref<64x128xf32, #tpu.memory_space<vmem>>
      %dma_wait3A_75 = arith.constant 0 : i32
      %dma_wait3A_76 = tpu.memref_slice %arg4[%add3A_16, %dma_wait3A_75] : memref<10112x128xf32, #tpu.memory_space<vmem_shared>> -> memref<64x128xf32, #tpu.memory_space<vmem_shared>>
      %dma_wait3A_77 = arith.constant 0 : i32
      %dma_wait3A_78 = tpu.memref_slice %arg4[%add3A_16, %dma_wait3A_77] : memref<10112x128xf32, #tpu.memory_space<vmem_shared>> -> memref<64x128xf32, #tpu.memory_space<vmem_shared>>
      %dma_wait3A_79 = arith.constant 0 : i32
      %dma_wait3A_80 = arith.constant 0 : i32
      %dma_wait3A_81 = tpu.memref_slice %arg6[%dma_wait3A_79, %dma_wait3A_80] : memref<128x128xf32, #tpu.memory_space<vmem>> -> memref<64x128xf32, #tpu.memory_space<vmem>>
      tpu.wait_dma2 semaphore(%run_scoped3A : memref<!tpu.dma_semaphore, #tpu.memory_space<semaphore_mem>>) src(%dma_wait3A_81 : memref<64x128xf32, #tpu.memory_space<vmem>>) dst(%dma_wait3A_78 : memref<64x128xf32, #tpu.memory_space<vmem_shared>>)
      tpu.yield
    }) : () -> ()
    %add3A_17 = arith.constant 192 : i32
    %add3A_18 = arith.addi %mul3A_2, %add3A_17 : i32
    "tpu.region"() ({
      %run_scoped3A = tpu.sem_alloc : memref<!tpu.dma_semaphore, #tpu.memory_space<semaphore_mem>>
      %dma_start3A = arith.constant 0 : i32
      %dma_start3A_64 = arith.constant 0 : i32
      %dma_start3A_65 = tpu.memref_slice %arg6[%dma_start3A, %dma_start3A_64] : memref<128x128xf32, #tpu.memory_space<vmem>> -> memref<64x128xf32, #tpu.memory_space<vmem>>
      %dma_start3A_66 = arith.constant 0 : i32
      %dma_start3A_67 = tpu.memref_slice %arg4[%add3A_18, %dma_start3A_66] : memref<10112x128xf32, #tpu.memory_space<vmem_shared>> -> memref<64x128xf32, #tpu.memory_space<vmem_shared>>
      %dma_start3A_68 = arith.constant 0 : i32
      %dma_start3A_69 = tpu.memref_slice %arg4[%add3A_18, %dma_start3A_68] : memref<10112x128xf32, #tpu.memory_space<vmem_shared>> -> memref<64x128xf32, #tpu.memory_space<vmem_shared>>
      %dma_start3A_70 = arith.constant 0 : i32
      %dma_start3A_71 = arith.constant 0 : i32
      %dma_start3A_72 = tpu.memref_slice %arg6[%dma_start3A_70, %dma_start3A_71] : memref<128x128xf32, #tpu.memory_space<vmem>> -> memref<64x128xf32, #tpu.memory_space<vmem>>
      tpu.enqueue_dma source(%dma_start3A_72 : memref<64x128xf32, #tpu.memory_space<vmem>>) target(%dma_start3A_69 : memref<64x128xf32, #tpu.memory_space<vmem_shared>>) target_semaphore(%run_scoped3A : memref<!tpu.dma_semaphore, #tpu.memory_space<semaphore_mem>>)
      %dma_wait3A = arith.constant 0 : i32
      %dma_wait3A_73 = arith.constant 0 : i32
      %dma_wait3A_74 = tpu.memref_slice %arg6[%dma_wait3A, %dma_wait3A_73] : memref<128x128xf32, #tpu.memory_space<vmem>> -> memref<64x128xf32, #tpu.memory_space<vmem>>
      %dma_wait3A_75 = arith.constant 0 : i32
      %dma_wait3A_76 = tpu.memref_slice %arg4[%add3A_18, %dma_wait3A_75] : memref<10112x128xf32, #tpu.memory_space<vmem_shared>> -> memref<64x128xf32, #tpu.memory_space<vmem_shared>>
      %dma_wait3A_77 = arith.constant 0 : i32
      %dma_wait3A_78 = tpu.memref_slice %arg4[%add3A_18, %dma_wait3A_77] : memref<10112x128xf32, #tpu.memory_space<vmem_shared>> -> memref<64x128xf32, #tpu.memory_space<vmem_shared>>
      %dma_wait3A_79 = arith.constant 0 : i32
      %dma_wait3A_80 = arith.constant 0 : i32
      %dma_wait3A_81 = tpu.memref_slice %arg6[%dma_wait3A_79, %dma_wait3A_80] : memref<128x128xf32, #tpu.memory_space<vmem>> -> memref<64x128xf32, #tpu.memory_space<vmem>>
      tpu.wait_dma2 semaphore(%run_scoped3A : memref<!tpu.dma_semaphore, #tpu.memory_space<semaphore_mem>>) src(%dma_wait3A_81 : memref<64x128xf32, #tpu.memory_space<vmem>>) dst(%dma_wait3A_78 : memref<64x128xf32, #tpu.memory_space<vmem_shared>>)
      tpu.yield
    }) : () -> ()
    %add3A_19 = arith.constant 256 : i32
    %add3A_20 = arith.addi %mul3A_2, %add3A_19 : i32
    "tpu.region"() ({
      %run_scoped3A = tpu.sem_alloc : memref<!tpu.dma_semaphore, #tpu.memory_space<semaphore_mem>>
      %dma_start3A = arith.constant 0 : i32
      %dma_start3A_64 = arith.constant 0 : i32
      %dma_start3A_65 = tpu.memref_slice %arg6[%dma_start3A, %dma_start3A_64] : memref<128x128xf32, #tpu.memory_space<vmem>> -> memref<64x128xf32, #tpu.memory_space<vmem>>
      %dma_start3A_66 = arith.constant 0 : i32
      %dma_start3A_67 = tpu.memref_slice %arg4[%add3A_20, %dma_start3A_66] : memref<10112x128xf32, #tpu.memory_space<vmem_shared>> -> memref<64x128xf32, #tpu.memory_space<vmem_shared>>
      %dma_start3A_68 = arith.constant 0 : i32
      %dma_start3A_69 = tpu.memref_slice %arg4[%add3A_20, %dma_start3A_68] : memref<10112x128xf32, #tpu.memory_space<vmem_shared>> -> memref<64x128xf32, #tpu.memory_space<vmem_shared>>
      %dma_start3A_70 = arith.constant 0 : i32
      %dma_start3A_71 = arith.constant 0 : i32
      %dma_start3A_72 = tpu.memref_slice %arg6[%dma_start3A_70, %dma_start3A_71] : memref<128x128xf32, #tpu.memory_space<vmem>> -> memref<64x128xf32, #tpu.memory_space<vmem>>
      tpu.enqueue_dma source(%dma_start3A_72 : memref<64x128xf32, #tpu.memory_space<vmem>>) target(%dma_start3A_69 : memref<64x128xf32, #tpu.memory_space<vmem_shared>>) target_semaphore(%run_scoped3A : memref<!tpu.dma_semaphore, #tpu.memory_space<semaphore_mem>>)
      %dma_wait3A = arith.constant 0 : i32
      %dma_wait3A_73 = arith.constant 0 : i32
      %dma_wait3A_74 = tpu.memref_slice %arg6[%dma_wait3A, %dma_wait3A_73] : memref<128x128xf32, #tpu.memory_space<vmem>> -> memref<64x128xf32, #tpu.memory_space<vmem>>
      %dma_wait3A_75 = arith.constant 0 : i32
      %dma_wait3A_76 = tpu.memref_slice %arg4[%add3A_20, %dma_wait3A_75] : memref<10112x128xf32, #tpu.memory_space<vmem_shared>> -> memref<64x128xf32, #tpu.memory_space<vmem_shared>>
      %dma_wait3A_77 = arith.constant 0 : i32
      %dma_wait3A_78 = tpu.memref_slice %arg4[%add3A_20, %dma_wait3A_77] : memref<10112x128xf32, #tpu.memory_space<vmem_shared>> -> memref<64x128xf32, #tpu.memory_space<vmem_shared>>
      %dma_wait3A_79 = arith.constant 0 : i32
      %dma_wait3A_80 = arith.constant 0 : i32
      %dma_wait3A_81 = tpu.memref_slice %arg6[%dma_wait3A_79, %dma_wait3A_80] : memref<128x128xf32, #tpu.memory_space<vmem>> -> memref<64x128xf32, #tpu.memory_space<vmem>>
      tpu.wait_dma2 semaphore(%run_scoped3A : memref<!tpu.dma_semaphore, #tpu.memory_space<semaphore_mem>>) src(%dma_wait3A_81 : memref<64x128xf32, #tpu.memory_space<vmem>>) dst(%dma_wait3A_78 : memref<64x128xf32, #tpu.memory_space<vmem_shared>>)
      tpu.yield
    }) : () -> ()
    %add3A_21 = arith.constant 320 : i32
    %add3A_22 = arith.addi %mul3A_2, %add3A_21 : i32
    "tpu.region"() ({
      %run_scoped3A = tpu.sem_alloc : memref<!tpu.dma_semaphore, #tpu.memory_space<semaphore_mem>>
      %dma_start3A = arith.constant 0 : i32
      %dma_start3A_64 = arith.constant 0 : i32
      %dma_start3A_65 = tpu.memref_slice %arg6[%dma_start3A, %dma_start3A_64] : memref<128x128xf32, #tpu.memory_space<vmem>> -> memref<64x128xf32, #tpu.memory_space<vmem>>
      %dma_start3A_66 = arith.constant 0 : i32
      %dma_start3A_67 = tpu.memref_slice %arg4[%add3A_22, %dma_start3A_66] : memref<10112x128xf32, #tpu.memory_space<vmem_shared>> -> memref<64x128xf32, #tpu.memory_space<vmem_shared>>
      %dma_start3A_68 = arith.constant 0 : i32
      %dma_start3A_69 = tpu.memref_slice %arg4[%add3A_22, %dma_start3A_68] : memref<10112x128xf32, #tpu.memory_space<vmem_shared>> -> memref<64x128xf32, #tpu.memory_space<vmem_shared>>
      %dma_start3A_70 = arith.constant 0 : i32
      %dma_start3A_71 = arith.constant 0 : i32
      %dma_start3A_72 = tpu.memref_slice %arg6[%dma_start3A_70, %dma_start3A_71] : memref<128x128xf32, #tpu.memory_space<vmem>> -> memref<64x128xf32, #tpu.memory_space<vmem>>
      tpu.enqueue_dma source(%dma_start3A_72 : memref<64x128xf32, #tpu.memory_space<vmem>>) target(%dma_start3A_69 : memref<64x128xf32, #tpu.memory_space<vmem_shared>>) target_semaphore(%run_scoped3A : memref<!tpu.dma_semaphore, #tpu.memory_space<semaphore_mem>>)
      %dma_wait3A = arith.constant 0 : i32
      %dma_wait3A_73 = arith.constant 0 : i32
      %dma_wait3A_74 = tpu.memref_slice %arg6[%dma_wait3A, %dma_wait3A_73] : memref<128x128xf32, #tpu.memory_space<vmem>> -> memref<64x128xf32, #tpu.memory_space<vmem>>
      %dma_wait3A_75 = arith.constant 0 : i32
      %dma_wait3A_76 = tpu.memref_slice %arg4[%add3A_22, %dma_wait3A_75] : memref<10112x128xf32, #tpu.memory_space<vmem_shared>> -> memref<64x128xf32, #tpu.memory_space<vmem_shared>>
      %dma_wait3A_77 = arith.constant 0 : i32
      %dma_wait3A_78 = tpu.memref_slice %arg4[%add3A_22, %dma_wait3A_77] : memref<10112x128xf32, #tpu.memory_space<vmem_shared>> -> memref<64x128xf32, #tpu.memory_space<vmem_shared>>
      %dma_wait3A_79 = arith.constant 0 : i32
      %dma_wait3A_80 = arith.constant 0 : i32
      %dma_wait3A_81 = tpu.memref_slice %arg6[%dma_wait3A_79, %dma_wait3A_80] : memref<128x128xf32, #tpu.memory_space<vmem>> -> memref<64x128xf32, #tpu.memory_space<vmem>>
      tpu.wait_dma2 semaphore(%run_scoped3A : memref<!tpu.dma_semaphore, #tpu.memory_space<semaphore_mem>>) src(%dma_wait3A_81 : memref<64x128xf32, #tpu.memory_space<vmem>>) dst(%dma_wait3A_78 : memref<64x128xf32, #tpu.memory_space<vmem_shared>>)
      tpu.yield
    }) : () -> ()
    %add3A_23 = arith.constant 384 : i32
    %add3A_24 = arith.addi %mul3A_2, %add3A_23 : i32
    "tpu.region"() ({
      %run_scoped3A = tpu.sem_alloc : memref<!tpu.dma_semaphore, #tpu.memory_space<semaphore_mem>>
      %dma_start3A = arith.constant 0 : i32
      %dma_start3A_64 = arith.constant 0 : i32
      %dma_start3A_65 = tpu.memref_slice %arg6[%dma_start3A, %dma_start3A_64] : memref<128x128xf32, #tpu.memory_space<vmem>> -> memref<64x128xf32, #tpu.memory_space<vmem>>
      %dma_start3A_66 = arith.constant 0 : i32
      %dma_start3A_67 = tpu.memref_slice %arg4[%add3A_24, %dma_start3A_66] : memref<10112x128xf32, #tpu.memory_space<vmem_shared>> -> memref<64x128xf32, #tpu.memory_space<vmem_shared>>
      %dma_start3A_68 = arith.constant 0 : i32
      %dma_start3A_69 = tpu.memref_slice %arg4[%add3A_24, %dma_start3A_68] : memref<10112x128xf32, #tpu.memory_space<vmem_shared>> -> memref<64x128xf32, #tpu.memory_space<vmem_shared>>
      %dma_start3A_70 = arith.constant 0 : i32
      %dma_start3A_71 = arith.constant 0 : i32
      %dma_start3A_72 = tpu.memref_slice %arg6[%dma_start3A_70, %dma_start3A_71] : memref<128x128xf32, #tpu.memory_space<vmem>> -> memref<64x128xf32, #tpu.memory_space<vmem>>
      tpu.enqueue_dma source(%dma_start3A_72 : memref<64x128xf32, #tpu.memory_space<vmem>>) target(%dma_start3A_69 : memref<64x128xf32, #tpu.memory_space<vmem_shared>>) target_semaphore(%run_scoped3A : memref<!tpu.dma_semaphore, #tpu.memory_space<semaphore_mem>>)
      %dma_wait3A = arith.constant 0 : i32
      %dma_wait3A_73 = arith.constant 0 : i32
      %dma_wait3A_74 = tpu.memref_slice %arg6[%dma_wait3A, %dma_wait3A_73] : memref<128x128xf32, #tpu.memory_space<vmem>> -> memref<64x128xf32, #tpu.memory_space<vmem>>
      %dma_wait3A_75 = arith.constant 0 : i32
      %dma_wait3A_76 = tpu.memref_slice %arg4[%add3A_24, %dma_wait3A_75] : memref<10112x128xf32, #tpu.memory_space<vmem_shared>> -> memref<64x128xf32, #tpu.memory_space<vmem_shared>>
      %dma_wait3A_77 = arith.constant 0 : i32
      %dma_wait3A_78 = tpu.memref_slice %arg4[%add3A_24, %dma_wait3A_77] : memref<10112x128xf32, #tpu.memory_space<vmem_shared>> -> memref<64x128xf32, #tpu.memory_space<vmem_shared>>
      %dma_wait3A_79 = arith.constant 0 : i32
      %dma_wait3A_80 = arith.constant 0 : i32
      %dma_wait3A_81 = tpu.memref_slice %arg6[%dma_wait3A_79, %dma_wait3A_80] : memref<128x128xf32, #tpu.memory_space<vmem>> -> memref<64x128xf32, #tpu.memory_space<vmem>>
      tpu.wait_dma2 semaphore(%run_scoped3A : memref<!tpu.dma_semaphore, #tpu.memory_space<semaphore_mem>>) src(%dma_wait3A_81 : memref<64x128xf32, #tpu.memory_space<vmem>>) dst(%dma_wait3A_78 : memref<64x128xf32, #tpu.memory_space<vmem_shared>>)
      tpu.yield
    }) : () -> ()
    %add3A_25 = arith.constant 448 : i32
    %add3A_26 = arith.addi %mul3A_2, %add3A_25 : i32
    "tpu.region"() ({
      %run_scoped3A = tpu.sem_alloc : memref<!tpu.dma_semaphore, #tpu.memory_space<semaphore_mem>>
      %dma_start3A = arith.constant 0 : i32
      %dma_start3A_64 = arith.constant 0 : i32
      %dma_start3A_65 = tpu.memref_slice %arg6[%dma_start3A, %dma_start3A_64] : memref<128x128xf32, #tpu.memory_space<vmem>> -> memref<64x128xf32, #tpu.memory_space<vmem>>
      %dma_start3A_66 = arith.constant 0 : i32
      %dma_start3A_67 = tpu.memref_slice %arg4[%add3A_26, %dma_start3A_66] : memref<10112x128xf32, #tpu.memory_space<vmem_shared>> -> memref<64x128xf32, #tpu.memory_space<vmem_shared>>
      %dma_start3A_68 = arith.constant 0 : i32
      %dma_start3A_69 = tpu.memref_slice %arg4[%add3A_26, %dma_start3A_68] : memref<10112x128xf32, #tpu.memory_space<vmem_shared>> -> memref<64x128xf32, #tpu.memory_space<vmem_shared>>
      %dma_start3A_70 = arith.constant 0 : i32
      %dma_start3A_71 = arith.constant 0 : i32
      %dma_start3A_72 = tpu.memref_slice %arg6[%dma_start3A_70, %dma_start3A_71] : memref<128x128xf32, #tpu.memory_space<vmem>> -> memref<64x128xf32, #tpu.memory_space<vmem>>
      tpu.enqueue_dma source(%dma_start3A_72 : memref<64x128xf32, #tpu.memory_space<vmem>>) target(%dma_start3A_69 : memref<64x128xf32, #tpu.memory_space<vmem_shared>>) target_semaphore(%run_scoped3A : memref<!tpu.dma_semaphore, #tpu.memory_space<semaphore_mem>>)
      %dma_wait3A = arith.constant 0 : i32
      %dma_wait3A_73 = arith.constant 0 : i32
      %dma_wait3A_74 = tpu.memref_slice %arg6[%dma_wait3A, %dma_wait3A_73] : memref<128x128xf32, #tpu.memory_space<vmem>> -> memref<64x128xf32, #tpu.memory_space<vmem>>
      %dma_wait3A_75 = arith.constant 0 : i32
      %dma_wait3A_76 = tpu.memref_slice %arg4[%add3A_26, %dma_wait3A_75] : memref<10112x128xf32, #tpu.memory_space<vmem_shared>> -> memref<64x128xf32, #tpu.memory_space<vmem_shared>>
      %dma_wait3A_77 = arith.constant 0 : i32
      %dma_wait3A_78 = tpu.memref_slice %arg4[%add3A_26, %dma_wait3A_77] : memref<10112x128xf32, #tpu.memory_space<vmem_shared>> -> memref<64x128xf32, #tpu.memory_space<vmem_shared>>
      %dma_wait3A_79 = arith.constant 0 : i32
      %dma_wait3A_80 = arith.constant 0 : i32
      %dma_wait3A_81 = tpu.memref_slice %arg6[%dma_wait3A_79, %dma_wait3A_80] : memref<128x128xf32, #tpu.memory_space<vmem>> -> memref<64x128xf32, #tpu.memory_space<vmem>>
      tpu.wait_dma2 semaphore(%run_scoped3A : memref<!tpu.dma_semaphore, #tpu.memory_space<semaphore_mem>>) src(%dma_wait3A_81 : memref<64x128xf32, #tpu.memory_space<vmem>>) dst(%dma_wait3A_78 : memref<64x128xf32, #tpu.memory_space<vmem_shared>>)
      tpu.yield
    }) : () -> ()
    %add3A_27 = arith.constant 512 : i32
    %add3A_28 = arith.addi %mul3A_2, %add3A_27 : i32
    "tpu.region"() ({
      %run_scoped3A = tpu.sem_alloc : memref<!tpu.dma_semaphore, #tpu.memory_space<semaphore_mem>>
      %dma_start3A = arith.constant 0 : i32
      %dma_start3A_64 = arith.constant 0 : i32
      %dma_start3A_65 = tpu.memref_slice %arg6[%dma_start3A, %dma_start3A_64] : memref<128x128xf32, #tpu.memory_space<vmem>> -> memref<64x128xf32, #tpu.memory_space<vmem>>
      %dma_start3A_66 = arith.constant 0 : i32
      %dma_start3A_67 = tpu.memref_slice %arg4[%add3A_28, %dma_start3A_66] : memref<10112x128xf32, #tpu.memory_space<vmem_shared>> -> memref<64x128xf32, #tpu.memory_space<vmem_shared>>
      %dma_start3A_68 = arith.constant 0 : i32
      %dma_start3A_69 = tpu.memref_slice %arg4[%add3A_28, %dma_start3A_68] : memref<10112x128xf32, #tpu.memory_space<vmem_shared>> -> memref<64x128xf32, #tpu.memory_space<vmem_shared>>
      %dma_start3A_70 = arith.constant 0 : i32
      %dma_start3A_71 = arith.constant 0 : i32
      %dma_start3A_72 = tpu.memref_slice %arg6[%dma_start3A_70, %dma_start3A_71] : memref<128x128xf32, #tpu.memory_space<vmem>> -> memref<64x128xf32, #tpu.memory_space<vmem>>
      tpu.enqueue_dma source(%dma_start3A_72 : memref<64x128xf32, #tpu.memory_space<vmem>>) target(%dma_start3A_69 : memref<64x128xf32, #tpu.memory_space<vmem_shared>>) target_semaphore(%run_scoped3A : memref<!tpu.dma_semaphore, #tpu.memory_space<semaphore_mem>>)
      %dma_wait3A = arith.constant 0 : i32
      %dma_wait3A_73 = arith.constant 0 : i32
      %dma_wait3A_74 = tpu.memref_slice %arg6[%dma_wait3A, %dma_wait3A_73] : memref<128x128xf32, #tpu.memory_space<vmem>> -> memref<64x128xf32, #tpu.memory_space<vmem>>
      %dma_wait3A_75 = arith.constant 0 : i32
      %dma_wait3A_76 = tpu.memref_slice %arg4[%add3A_28, %dma_wait3A_75] : memref<10112x128xf32, #tpu.memory_space<vmem_shared>> -> memref<64x128xf32, #tpu.memory_space<vmem_shared>>
      %dma_wait3A_77 = arith.constant 0 : i32
      %dma_wait3A_78 = tpu.memref_slice %arg4[%add3A_28, %dma_wait3A_77] : memref<10112x128xf32, #tpu.memory_space<vmem_shared>> -> memref<64x128xf32, #tpu.memory_space<vmem_shared>>
      %dma_wait3A_79 = arith.constant 0 : i32
      %dma_wait3A_80 = arith.constant 0 : i32
      %dma_wait3A_81 = tpu.memref_slice %arg6[%dma_wait3A_79, %dma_wait3A_80] : memref<128x128xf32, #tpu.memory_space<vmem>> -> memref<64x128xf32, #tpu.memory_space<vmem>>
      tpu.wait_dma2 semaphore(%run_scoped3A : memref<!tpu.dma_semaphore, #tpu.memory_space<semaphore_mem>>) src(%dma_wait3A_81 : memref<64x128xf32, #tpu.memory_space<vmem>>) dst(%dma_wait3A_78 : memref<64x128xf32, #tpu.memory_space<vmem_shared>>)
      tpu.yield
    }) : () -> ()
    %add3A_29 = arith.constant 576 : i32
    %add3A_30 = arith.addi %mul3A_2, %add3A_29 : i32
    "tpu.region"() ({
      %run_scoped3A = tpu.sem_alloc : memref<!tpu.dma_semaphore, #tpu.memory_space<semaphore_mem>>
      %dma_start3A = arith.constant 0 : i32
      %dma_start3A_64 = arith.constant 0 : i32
      %dma_start3A_65 = tpu.memref_slice %arg6[%dma_start3A, %dma_start3A_64] : memref<128x128xf32, #tpu.memory_space<vmem>> -> memref<56x128xf32, #tpu.memory_space<vmem>>
      %dma_start3A_66 = arith.constant 0 : i32
      %dma_start3A_67 = tpu.memref_slice %arg4[%add3A_30, %dma_start3A_66] : memref<10112x128xf32, #tpu.memory_space<vmem_shared>> -> memref<56x128xf32, #tpu.memory_space<vmem_shared>>
      %dma_start3A_68 = arith.constant 0 : i32
      %dma_start3A_69 = tpu.memref_slice %arg4[%add3A_30, %dma_start3A_68] : memref<10112x128xf32, #tpu.memory_space<vmem_shared>> -> memref<56x128xf32, #tpu.memory_space<vmem_shared>>
      %dma_start3A_70 = arith.constant 0 : i32
      %dma_start3A_71 = arith.constant 0 : i32
      %dma_start3A_72 = tpu.memref_slice %arg6[%dma_start3A_70, %dma_start3A_71] : memref<128x128xf32, #tpu.memory_space<vmem>> -> memref<56x128xf32, #tpu.memory_space<vmem>>
      tpu.enqueue_dma source(%dma_start3A_72 : memref<56x128xf32, #tpu.memory_space<vmem>>) target(%dma_start3A_69 : memref<56x128xf32, #tpu.memory_space<vmem_shared>>) target_semaphore(%run_scoped3A : memref<!tpu.dma_semaphore, #tpu.memory_space<semaphore_mem>>)
      %dma_wait3A = arith.constant 0 : i32
      %dma_wait3A_73 = arith.constant 0 : i32
      %dma_wait3A_74 = tpu.memref_slice %arg6[%dma_wait3A, %dma_wait3A_73] : memref<128x128xf32, #tpu.memory_space<vmem>> -> memref<56x128xf32, #tpu.memory_space<vmem>>
      %dma_wait3A_75 = arith.constant 0 : i32
      %dma_wait3A_76 = tpu.memref_slice %arg4[%add3A_30, %dma_wait3A_75] : memref<10112x128xf32, #tpu.memory_space<vmem_shared>> -> memref<56x128xf32, #tpu.memory_space<vmem_shared>>
      %dma_wait3A_77 = arith.constant 0 : i32
      %dma_wait3A_78 = tpu.memref_slice %arg4[%add3A_30, %dma_wait3A_77] : memref<10112x128xf32, #tpu.memory_space<vmem_shared>> -> memref<56x128xf32, #tpu.memory_space<vmem_shared>>
      %dma_wait3A_79 = arith.constant 0 : i32
      %dma_wait3A_80 = arith.constant 0 : i32
      %dma_wait3A_81 = tpu.memref_slice %arg6[%dma_wait3A_79, %dma_wait3A_80] : memref<128x128xf32, #tpu.memory_space<vmem>> -> memref<56x128xf32, #tpu.memory_space<vmem>>
      tpu.wait_dma2 semaphore(%run_scoped3A : memref<!tpu.dma_semaphore, #tpu.memory_space<semaphore_mem>>) src(%dma_wait3A_81 : memref<56x128xf32, #tpu.memory_space<vmem>>) dst(%dma_wait3A_78 : memref<56x128xf32, #tpu.memory_space<vmem_shared>>)
      tpu.yield
    }) : () -> ()
    %scan3A_31 = arith.constant 0 : i32
    %scan3A_32 = arith.constant 0 : i32
    %scan3A_33 = arith.constant 128 : i32
    %scan3A_34 = arith.addi %scan3A_32, %scan3A_33 : i32
    %scan3A_35 = arith.constant 1 : i32
    scf.for %scan3A_64 = %scan3A_32 to %scan3A_34 step %scan3A_35  : i32 {
      %swap3A = arith.index_cast %scan3A_64 : i32 to index
      %swap3A_65 = arith.constant 0 : index
      %swap3A_66 = tpu.vector_load %arg6[%swap3A, %swap3A_65] {strides = array<i32>} : memref<128x128xf32, #tpu.memory_space<vmem>>, vector<1x16xf32>,
      %swap3A_67 = vector.shape_cast %swap3A_66 : vector<1x16xf32> to vector<16xf32>
      %swap3A_68 = vector.shape_cast %broadcast_in_dim3A_5 : vector<16xf32> to vector<1x16xf32>
      tpu.vector_store %arg6[%swap3A, %swap3A_65], %swap3A_68 {strides = array<i32>} : memref<128x128xf32, #tpu.memory_space<vmem>>, vector<1x16xf32>,
      %swap3A_69 = arith.index_cast %scan3A_64 : i32 to index
      %swap3A_70 = arith.constant 16 : index
      %swap3A_71 = tpu.vector_load %arg6[%swap3A_69, %swap3A_70] {strides = array<i32>} : memref<128x128xf32, #tpu.memory_space<vmem>>, vector<1x16xf32>,
      %swap3A_72 = vector.shape_cast %swap3A_71 : vector<1x16xf32> to vector<16xf32>
      %swap3A_73 = vector.shape_cast %broadcast_in_dim3A_5 : vector<16xf32> to vector<1x16xf32>
      tpu.vector_store %arg6[%swap3A_69, %swap3A_70], %swap3A_73 {strides = array<i32>} : memref<128x128xf32, #tpu.memory_space<vmem>>, vector<1x16xf32>,
      %swap3A_74 = arith.index_cast %scan3A_64 : i32 to index
      %swap3A_75 = arith.constant 32 : index
      %swap3A_76 = tpu.vector_load %arg6[%swap3A_74, %swap3A_75] {strides = array<i32>} : memref<128x128xf32, #tpu.memory_space<vmem>>, vector<1x16xf32>,
      %swap3A_77 = vector.shape_cast %swap3A_76 : vector<1x16xf32> to vector<16xf32>
      %swap3A_78 = vector.shape_cast %broadcast_in_dim3A_5 : vector<16xf32> to vector<1x16xf32>
      tpu.vector_store %arg6[%swap3A_74, %swap3A_75], %swap3A_78 {strides = array<i32>} : memref<128x128xf32, #tpu.memory_space<vmem>>, vector<1x16xf32>,
      %swap3A_79 = arith.index_cast %scan3A_64 : i32 to index
      %swap3A_80 = arith.constant 48 : index
      %swap3A_81 = tpu.vector_load %arg6[%swap3A_79, %swap3A_80] {strides = array<i32>} : memref<128x128xf32, #tpu.memory_space<vmem>>, vector<1x16xf32>,
      %swap3A_82 = vector.shape_cast %swap3A_81 : vector<1x16xf32> to vector<16xf32>
      %swap3A_83 = vector.shape_cast %broadcast_in_dim3A_5 : vector<16xf32> to vector<1x16xf32>
      tpu.vector_store %arg6[%swap3A_79, %swap3A_80], %swap3A_83 {strides = array<i32>} : memref<128x128xf32, #tpu.memory_space<vmem>>, vector<1x16xf32>,
      %swap3A_84 = arith.index_cast %scan3A_64 : i32 to index
      %swap3A_85 = arith.constant 64 : index
      %swap3A_86 = tpu.vector_load %arg6[%swap3A_84, %swap3A_85] {strides = array<i32>} : memref<128x128xf32, #tpu.memory_space<vmem>>, vector<1x16xf32>,
      %swap3A_87 = vector.shape_cast %swap3A_86 : vector<1x16xf32> to vector<16xf32>
      %swap3A_88 = vector.shape_cast %broadcast_in_dim3A_5 : vector<16xf32> to vector<1x16xf32>
      tpu.vector_store %arg6[%swap3A_84, %swap3A_85], %swap3A_88 {strides = array<i32>} : memref<128x128xf32, #tpu.memory_space<vmem>>, vector<1x16xf32>,
      %swap3A_89 = arith.index_cast %scan3A_64 : i32 to index
      %swap3A_90 = arith.constant 80 : index
      %swap3A_91 = tpu.vector_load %arg6[%swap3A_89, %swap3A_90] {strides = array<i32>} : memref<128x128xf32, #tpu.memory_space<vmem>>, vector<1x16xf32>,
      %swap3A_92 = vector.shape_cast %swap3A_91 : vector<1x16xf32> to vector<16xf32>
      %swap3A_93 = vector.shape_cast %broadcast_in_dim3A_5 : vector<16xf32> to vector<1x16xf32>
      tpu.vector_store %arg6[%swap3A_89, %swap3A_90], %swap3A_93 {strides = array<i32>} : memref<128x128xf32, #tpu.memory_space<vmem>>, vector<1x16xf32>,
      %swap3A_94 = arith.index_cast %scan3A_64 : i32 to index
      %swap3A_95 = arith.constant 96 : index
      %swap3A_96 = tpu.vector_load %arg6[%swap3A_94, %swap3A_95] {strides = array<i32>} : memref<128x128xf32, #tpu.memory_space<vmem>>, vector<1x16xf32>,
      %swap3A_97 = vector.shape_cast %swap3A_96 : vector<1x16xf32> to vector<16xf32>
      %swap3A_98 = vector.shape_cast %broadcast_in_dim3A_5 : vector<16xf32> to vector<1x16xf32>
      tpu.vector_store %arg6[%swap3A_94, %swap3A_95], %swap3A_98 {strides = array<i32>} : memref<128x128xf32, #tpu.memory_space<vmem>>, vector<1x16xf32>,
      %swap3A_99 = arith.index_cast %scan3A_64 : i32 to index
      %swap3A_100 = arith.constant 112 : index
      %swap3A_101 = tpu.vector_load %arg6[%swap3A_99, %swap3A_100] {strides = array<i32>} : memref<128x128xf32, #tpu.memory_space<vmem>>, vector<1x16xf32>,
      %swap3A_102 = vector.shape_cast %swap3A_101 : vector<1x16xf32> to vector<16xf32>
      %swap3A_103 = vector.shape_cast %broadcast_in_dim3A_5 : vector<16xf32> to vector<1x16xf32>
      tpu.vector_store %arg6[%swap3A_99, %swap3A_100], %swap3A_103 {strides = array<i32>} : memref<128x128xf32, #tpu.memory_space<vmem>>, vector<1x16xf32>,
    }
    %scan3A_36 = arith.constant 128 : i32
    "tpu.region"() ({
      %run_scoped3A = tpu.sem_alloc : memref<!tpu.dma_semaphore, #tpu.memory_space<semaphore_mem>>
      %dma_start3A = arith.constant 0 : i32
      %dma_start3A_64 = arith.constant 0 : i32
      %dma_start3A_65 = tpu.memref_slice %arg2[%add3A, %dma_start3A, %dma_start3A_64] : memref<32x79x128xi32, #tpu.memory_space<hbm>> -> memref<1x79x128xi32, #tpu.memory_space<hbm>>
      %dma_start3A_66 = tpu.memref_squeeze %dma_start3A_65 : memref<1x79x128xi32, #tpu.memory_space<hbm>> -> memref<79x128xi32, #tpu.memory_space<hbm>>
      %dma_start3A_67 = arith.constant 0 : i32
      %dma_start3A_68 = arith.constant 0 : i32
      %dma_start3A_69 = tpu.memref_slice %arg2[%add3A, %dma_start3A_67, %dma_start3A_68] : memref<32x79x128xi32, #tpu.memory_space<hbm>> -> memref<1x79x128xi32, #tpu.memory_space<hbm>>
      %dma_start3A_70 = tpu.memref_squeeze %dma_start3A_69 : memref<1x79x128xi32, #tpu.memory_space<hbm>> -> memref<79x128xi32, #tpu.memory_space<hbm>>
      tpu.enqueue_dma source(%dma_start3A_70 : memref<79x128xi32, #tpu.memory_space<hbm>>) target(%arg5 : memref<79x128xi32, #tpu.memory_space<vmem>>) target_semaphore(%run_scoped3A : memref<!tpu.dma_semaphore, #tpu.memory_space<semaphore_mem>>)
      %dma_wait3A = arith.constant 0 : i32
      %dma_wait3A_71 = arith.constant 0 : i32
      %dma_wait3A_72 = tpu.memref_slice %arg2[%add3A, %dma_wait3A, %dma_wait3A_71] : memref<32x79x128xi32, #tpu.memory_space<hbm>> -> memref<1x79x128xi32, #tpu.memory_space<hbm>>
      %dma_wait3A_73 = tpu.memref_squeeze %dma_wait3A_72 : memref<1x79x128xi32, #tpu.memory_space<hbm>> -> memref<79x128xi32, #tpu.memory_space<hbm>>
      %dma_wait3A_74 = arith.constant 0 : i32
      %dma_wait3A_75 = arith.constant 0 : i32
      %dma_wait3A_76 = tpu.memref_slice %arg2[%add3A, %dma_wait3A_74, %dma_wait3A_75] : memref<32x79x128xi32, #tpu.memory_space<hbm>> -> memref<1x79x128xi32, #tpu.memory_space<hbm>>
      %dma_wait3A_77 = tpu.memref_squeeze %dma_wait3A_76 : memref<1x79x128xi32, #tpu.memory_space<hbm>> -> memref<79x128xi32, #tpu.memory_space<hbm>>
      tpu.wait_dma2 semaphore(%run_scoped3A : memref<!tpu.dma_semaphore, #tpu.memory_space<semaphore_mem>>) src(%dma_wait3A_77 : memref<79x128xi32, #tpu.memory_space<hbm>>) dst(%arg5 : memref<79x128xi32, #tpu.memory_space<vmem>>)
      tpu.yield
    }) : () -> ()
    %barrier3A = arith.constant 0 : index
    tpu.barrier barrier_id(%barrier3A)
    %scan3A_37 = arith.constant 0 : i32
    %scan3A_38 = arith.constant 0 : i32
    %scan3A_39 = arith.constant 79 : i32
    %scan3A_40 = arith.addi %scan3A_38, %scan3A_39 : i32
    %scan3A_41 = arith.constant 1 : i32
    scf.for %scan3A_64 = %scan3A_38 to %scan3A_40 step %scan3A_41  : i32 {
      "tpu.region"() ({
        %run_scoped3A = tpu.sem_alloc : memref<!tpu.dma_semaphore, #tpu.memory_space<semaphore_mem>>
        %dma_start3A = arith.constant 0 : i32
        %dma_start3A_65 = tpu.memref_slice %arg5[%scan3A_64, %dma_start3A] : memref<79x128xi32, #tpu.memory_space<vmem>> -> memref<1x128xi32, #tpu.memory_space<vmem>>
        %dma_start3A_66 = tpu.memref_squeeze %dma_start3A_65 : memref<1x128xi32, #tpu.memory_space<vmem>> -> memref<128xi32, #tpu.memory_space<vmem>>
        %dma_start3A_67 = arith.constant 0 : i32
        %dma_start3A_68 = arith.constant 0 : i32
        %dma_start3A_69 = tpu.memref_slice %arg4[%dma_start3A_67, %dma_start3A_68] : memref<10112x128xf32, #tpu.memory_space<vmem_shared>> -> memref<10112x128xf32, #tpu.memory_space<vmem_shared>>
        tpu.enqueue_indirect_dma source(%arg6 : memref<128x128xf32, #tpu.memory_space<vmem>>) target(%dma_start3A_69 : memref<10112x128xf32, #tpu.memory_space<vmem_shared>>) offsets(%dma_start3A_66 : memref<128xi32, #tpu.memory_space<vmem>>) semaphore(%run_scoped3A : memref<!tpu.dma_semaphore, #tpu.memory_space<semaphore_mem>>) {add = true}
        %dma_wait3A = arith.constant 0 : i32
        %dma_wait3A_70 = tpu.memref_slice %arg5[%scan3A_64, %dma_wait3A] : memref<79x128xi32, #tpu.memory_space<vmem>> -> memref<1x128xi32, #tpu.memory_space<vmem>>
        %dma_wait3A_71 = tpu.memref_squeeze %dma_wait3A_70 : memref<1x128xi32, #tpu.memory_space<vmem>> -> memref<128xi32, #tpu.memory_space<vmem>>
        %dma_wait3A_72 = arith.constant 0 : i32
        %dma_wait3A_73 = arith.constant 0 : i32
        %dma_wait3A_74 = tpu.memref_slice %arg4[%dma_wait3A_72, %dma_wait3A_73] : memref<10112x128xf32, #tpu.memory_space<vmem_shared>> -> memref<10112x128xf32, #tpu.memory_space<vmem_shared>>
        tpu.wait_indirect_dma semaphore(%run_scoped3A : memref<!tpu.dma_semaphore, #tpu.memory_space<semaphore_mem>>) src(%arg6 : memref<128x128xf32, #tpu.memory_space<vmem>>) dst(%dma_wait3A_74 : memref<10112x128xf32, #tpu.memory_space<vmem_shared>>)
        tpu.yield
      }) : () -> ()
    }
    %scan3A_42 = arith.constant 79 : i32
    %barrier3A_43 = arith.constant 0 : index
    tpu.barrier barrier_id(%barrier3A_43)
    %add3A_44 = arith.constant 0 : i32
    %add3A_45 = arith.addi %mul3A_2, %add3A_44 : i32
    "tpu.region"() ({
      %run_scoped3A = tpu.sem_alloc : memref<!tpu.dma_semaphore, #tpu.memory_space<semaphore_mem>>
      %dma_start3A = arith.constant 0 : i32
      %dma_start3A_64 = arith.constant 0 : i32
      %dma_start3A_65 = tpu.memref_slice %arg6[%dma_start3A, %dma_start3A_64] : memref<128x128xf32, #tpu.memory_space<vmem>> -> memref<64x128xf32, #tpu.memory_space<vmem>>
      %dma_start3A_66 = arith.constant 0 : i32
      %dma_start3A_67 = tpu.memref_slice %arg4[%add3A_45, %dma_start3A_66] : memref<10112x128xf32, #tpu.memory_space<vmem_shared>> -> memref<64x128xf32, #tpu.memory_space<vmem_shared>>
      %dma_start3A_68 = arith.constant 0 : i32
      %dma_start3A_69 = arith.constant 0 : i32
      %dma_start3A_70 = tpu.memref_slice %arg6[%dma_start3A_68, %dma_start3A_69] : memref<128x128xf32, #tpu.memory_space<vmem>> -> memref<64x128xf32, #tpu.memory_space<vmem>>
      %dma_start3A_71 = arith.constant 0 : i32
      %dma_start3A_72 = tpu.memref_slice %arg4[%add3A_45, %dma_start3A_71] : memref<10112x128xf32, #tpu.memory_space<vmem_shared>> -> memref<64x128xf32, #tpu.memory_space<vmem_shared>>
      tpu.enqueue_dma source(%dma_start3A_72 : memref<64x128xf32, #tpu.memory_space<vmem_shared>>) target(%dma_start3A_70 : memref<64x128xf32, #tpu.memory_space<vmem>>) target_semaphore(%run_scoped3A : memref<!tpu.dma_semaphore, #tpu.memory_space<semaphore_mem>>)
      %dma_wait3A = arith.constant 0 : i32
      %dma_wait3A_73 = arith.constant 0 : i32
      %dma_wait3A_74 = tpu.memref_slice %arg6[%dma_wait3A, %dma_wait3A_73] : memref<128x128xf32, #tpu.memory_space<vmem>> -> memref<64x128xf32, #tpu.memory_space<vmem>>
      %dma_wait3A_75 = arith.constant 0 : i32
      %dma_wait3A_76 = tpu.memref_slice %arg4[%add3A_45, %dma_wait3A_75] : memref<10112x128xf32, #tpu.memory_space<vmem_shared>> -> memref<64x128xf32, #tpu.memory_space<vmem_shared>>
      %dma_wait3A_77 = arith.constant 0 : i32
      %dma_wait3A_78 = arith.constant 0 : i32
      %dma_wait3A_79 = tpu.memref_slice %arg6[%dma_wait3A_77, %dma_wait3A_78] : memref<128x128xf32, #tpu.memory_space<vmem>> -> memref<64x128xf32, #tpu.memory_space<vmem>>
      %dma_wait3A_80 = arith.constant 0 : i32
      %dma_wait3A_81 = tpu.memref_slice %arg4[%add3A_45, %dma_wait3A_80] : memref<10112x128xf32, #tpu.memory_space<vmem_shared>> -> memref<64x128xf32, #tpu.memory_space<vmem_shared>>
      tpu.wait_dma2 semaphore(%run_scoped3A : memref<!tpu.dma_semaphore, #tpu.memory_space<semaphore_mem>>) src(%dma_wait3A_81 : memref<64x128xf32, #tpu.memory_space<vmem_shared>>) dst(%dma_wait3A_79 : memref<64x128xf32, #tpu.memory_space<vmem>>)
      tpu.yield
    }) : () -> ()
    "tpu.region"() ({
      %run_scoped3A = tpu.sem_alloc : memref<!tpu.dma_semaphore, #tpu.memory_space<semaphore_mem>>
      %dma_start3A = arith.constant 0 : i32
      %dma_start3A_64 = arith.constant 0 : i32
      %dma_start3A_65 = tpu.memref_slice %arg6[%dma_start3A, %dma_start3A_64] : memref<128x128xf32, #tpu.memory_space<vmem>> -> memref<64x128xf32, #tpu.memory_space<vmem>>
      %dma_start3A_66 = arith.constant 0 : i32
      %dma_start3A_67 = tpu.memref_slice %arg3[%arg0, %add3A_45, %dma_start3A_66] : memref<2x10112x128xf32, #tpu.memory_space<hbm>> -> memref<1x64x128xf32, #tpu.memory_space<hbm>>
      %dma_start3A_68 = tpu.memref_squeeze %dma_start3A_67 : memref<1x64x128xf32, #tpu.memory_space<hbm>> -> memref<64x128xf32, #tpu.memory_space<hbm>>
      %dma_start3A_69 = arith.constant 0 : i32
      %dma_start3A_70 = tpu.memref_slice %arg3[%arg0, %add3A_45, %dma_start3A_69] : memref<2x10112x128xf32, #tpu.memory_space<hbm>> -> memref<1x64x128xf32, #tpu.memory_space<hbm>>
      %dma_start3A_71 = tpu.memref_squeeze %dma_start3A_70 : memref<1x64x128xf32, #tpu.memory_space<hbm>> -> memref<64x128xf32, #tpu.memory_space<hbm>>
      %dma_start3A_72 = arith.constant 0 : i32
      %dma_start3A_73 = arith.constant 0 : i32
      %dma_start3A_74 = tpu.memref_slice %arg6[%dma_start3A_72, %dma_start3A_73] : memref<128x128xf32, #tpu.memory_space<vmem>> -> memref<64x128xf32, #tpu.memory_space<vmem>>
      tpu.enqueue_dma source(%dma_start3A_74 : memref<64x128xf32, #tpu.memory_space<vmem>>) target(%dma_start3A_71 : memref<64x128xf32, #tpu.memory_space<hbm>>) target_semaphore(%run_scoped3A : memref<!tpu.dma_semaphore, #tpu.memory_space<semaphore_mem>>)
      %dma_wait3A = arith.constant 0 : i32
      %dma_wait3A_75 = arith.constant 0 : i32
      %dma_wait3A_76 = tpu.memref_slice %arg6[%dma_wait3A, %dma_wait3A_75] : memref<128x128xf32, #tpu.memory_space<vmem>> -> memref<64x128xf32, #tpu.memory_space<vmem>>
      %dma_wait3A_77 = arith.constant 0 : i32
      %dma_wait3A_78 = tpu.memref_slice %arg3[%arg0, %add3A_45, %dma_wait3A_77] : memref<2x10112x128xf32, #tpu.memory_space<hbm>> -> memref<1x64x128xf32, #tpu.memory_space<hbm>>
      %dma_wait3A_79 = tpu.memref_squeeze %dma_wait3A_78 : memref<1x64x128xf32, #tpu.memory_space<hbm>> -> memref<64x128xf32, #tpu.memory_space<hbm>>
      %dma_wait3A_80 = arith.constant 0 : i32
      %dma_wait3A_81 = tpu.memref_slice %arg3[%arg0, %add3A_45, %dma_wait3A_80] : memref<2x10112x128xf32, #tpu.memory_space<hbm>> -> memref<1x64x128xf32, #tpu.memory_space<hbm>>
      %dma_wait3A_82 = tpu.memref_squeeze %dma_wait3A_81 : memref<1x64x128xf32, #tpu.memory_space<hbm>> -> memref<64x128xf32, #tpu.memory_space<hbm>>
      %dma_wait3A_83 = arith.constant 0 : i32
      %dma_wait3A_84 = arith.constant 0 : i32
      %dma_wait3A_85 = tpu.memref_slice %arg6[%dma_wait3A_83, %dma_wait3A_84] : memref<128x128xf32, #tpu.memory_space<vmem>> -> memref<64x128xf32, #tpu.memory_space<vmem>>
      tpu.wait_dma2 semaphore(%run_scoped3A : memref<!tpu.dma_semaphore, #tpu.memory_space<semaphore_mem>>) src(%dma_wait3A_85 : memref<64x128xf32, #tpu.memory_space<vmem>>) dst(%dma_wait3A_82 : memref<64x128xf32, #tpu.memory_space<hbm>>)
      tpu.yield
    }) : () -> ()
    %add3A_46 = arith.constant 64 : i32
    %add3A_47 = arith.addi %mul3A_2, %add3A_46 : i32
    "tpu.region"() ({
      %run_scoped3A = tpu.sem_alloc : memref<!tpu.dma_semaphore, #tpu.memory_space<semaphore_mem>>
      %dma_start3A = arith.constant 0 : i32
      %dma_start3A_64 = arith.constant 0 : i32
      %dma_start3A_65 = tpu.memref_slice %arg6[%dma_start3A, %dma_start3A_64] : memref<128x128xf32, #tpu.memory_space<vmem>> -> memref<64x128xf32, #tpu.memory_space<vmem>>
      %dma_start3A_66 = arith.constant 0 : i32
      %dma_start3A_67 = tpu.memref_slice %arg4[%add3A_47, %dma_start3A_66] : memref<10112x128xf32, #tpu.memory_space<vmem_shared>> -> memref<64x128xf32, #tpu.memory_space<vmem_shared>>
      %dma_start3A_68 = arith.constant 0 : i32
      %dma_start3A_69 = arith.constant 0 : i32
      %dma_start3A_70 = tpu.memref_slice %arg6[%dma_start3A_68, %dma_start3A_69] : memref<128x128xf32, #tpu.memory_space<vmem>> -> memref<64x128xf32, #tpu.memory_space<vmem>>
      %dma_start3A_71 = arith.constant 0 : i32
      %dma_start3A_72 = tpu.memref_slice %arg4[%add3A_47, %dma_start3A_71] : memref<10112x128xf32, #tpu.memory_space<vmem_shared>> -> memref<64x128xf32, #tpu.memory_space<vmem_shared>>
      tpu.enqueue_dma source(%dma_start3A_72 : memref<64x128xf32, #tpu.memory_space<vmem_shared>>) target(%dma_start3A_70 : memref<64x128xf32, #tpu.memory_space<vmem>>) target_semaphore(%run_scoped3A : memref<!tpu.dma_semaphore, #tpu.memory_space<semaphore_mem>>)
      %dma_wait3A = arith.constant 0 : i32
      %dma_wait3A_73 = arith.constant 0 : i32
      %dma_wait3A_74 = tpu.memref_slice %arg6[%dma_wait3A, %dma_wait3A_73] : memref<128x128xf32, #tpu.memory_space<vmem>> -> memref<64x128xf32, #tpu.memory_space<vmem>>
      %dma_wait3A_75 = arith.constant 0 : i32
      %dma_wait3A_76 = tpu.memref_slice %arg4[%add3A_47, %dma_wait3A_75] : memref<10112x128xf32, #tpu.memory_space<vmem_shared>> -> memref<64x128xf32, #tpu.memory_space<vmem_shared>>
      %dma_wait3A_77 = arith.constant 0 : i32
      %dma_wait3A_78 = arith.constant 0 : i32
      %dma_wait3A_79 = tpu.memref_slice %arg6[%dma_wait3A_77, %dma_wait3A_78] : memref<128x128xf32, #tpu.memory_space<vmem>> -> memref<64x128xf32, #tpu.memory_space<vmem>>
      %dma_wait3A_80 = arith.constant 0 : i32
      %dma_wait3A_81 = tpu.memref_slice %arg4[%add3A_47, %dma_wait3A_80] : memref<10112x128xf32, #tpu.memory_space<vmem_shared>> -> memref<64x128xf32, #tpu.memory_space<vmem_shared>>
      tpu.wait_dma2 semaphore(%run_scoped3A : memref<!tpu.dma_semaphore, #tpu.memory_space<semaphore_mem>>) src(%dma_wait3A_81 : memref<64x128xf32, #tpu.memory_space<vmem_shared>>) dst(%dma_wait3A_79 : memref<64x128xf32, #tpu.memory_space<vmem>>)
      tpu.yield
    }) : () -> ()
    "tpu.region"() ({
      %run_scoped3A = tpu.sem_alloc : memref<!tpu.dma_semaphore, #tpu.memory_space<semaphore_mem>>
      %dma_start3A = arith.constant 0 : i32
      %dma_start3A_64 = arith.constant 0 : i32
      %dma_start3A_65 = tpu.memref_slice %arg6[%dma_start3A, %dma_start3A_64] : memref<128x128xf32, #tpu.memory_space<vmem>> -> memref<64x128xf32, #tpu.memory_space<vmem>>
      %dma_start3A_66 = arith.constant 0 : i32
      %dma_start3A_67 = tpu.memref_slice %arg3[%arg0, %add3A_47, %dma_start3A_66] : memref<2x10112x128xf32, #tpu.memory_space<hbm>> -> memref<1x64x128xf32, #tpu.memory_space<hbm>>
      %dma_start3A_68 = tpu.memref_squeeze %dma_start3A_67 : memref<1x64x128xf32, #tpu.memory_space<hbm>> -> memref<64x128xf32, #tpu.memory_space<hbm>>
      %dma_start3A_69 = arith.constant 0 : i32
      %dma_start3A_70 = tpu.memref_slice %arg3[%arg0, %add3A_47, %dma_start3A_69] : memref<2x10112x128xf32, #tpu.memory_space<hbm>> -> memref<1x64x128xf32, #tpu.memory_space<hbm>>
      %dma_start3A_71 = tpu.memref_squeeze %dma_start3A_70 : memref<1x64x128xf32, #tpu.memory_space<hbm>> -> memref<64x128xf32, #tpu.memory_space<hbm>>
      %dma_start3A_72 = arith.constant 0 : i32
      %dma_start3A_73 = arith.constant 0 : i32
      %dma_start3A_74 = tpu.memref_slice %arg6[%dma_start3A_72, %dma_start3A_73] : memref<128x128xf32, #tpu.memory_space<vmem>> -> memref<64x128xf32, #tpu.memory_space<vmem>>
      tpu.enqueue_dma source(%dma_start3A_74 : memref<64x128xf32, #tpu.memory_space<vmem>>) target(%dma_start3A_71 : memref<64x128xf32, #tpu.memory_space<hbm>>) target_semaphore(%run_scoped3A : memref<!tpu.dma_semaphore, #tpu.memory_space<semaphore_mem>>)
      %dma_wait3A = arith.constant 0 : i32
      %dma_wait3A_75 = arith.constant 0 : i32
      %dma_wait3A_76 = tpu.memref_slice %arg6[%dma_wait3A, %dma_wait3A_75] : memref<128x128xf32, #tpu.memory_space<vmem>> -> memref<64x128xf32, #tpu.memory_space<vmem>>
      %dma_wait3A_77 = arith.constant 0 : i32
      %dma_wait3A_78 = tpu.memref_slice %arg3[%arg0, %add3A_47, %dma_wait3A_77] : memref<2x10112x128xf32, #tpu.memory_space<hbm>> -> memref<1x64x128xf32, #tpu.memory_space<hbm>>
      %dma_wait3A_79 = tpu.memref_squeeze %dma_wait3A_78 : memref<1x64x128xf32, #tpu.memory_space<hbm>> -> memref<64x128xf32, #tpu.memory_space<hbm>>
      %dma_wait3A_80 = arith.constant 0 : i32
      %dma_wait3A_81 = tpu.memref_slice %arg3[%arg0, %add3A_47, %dma_wait3A_80] : memref<2x10112x128xf32, #tpu.memory_space<hbm>> -> memref<1x64x128xf32, #tpu.memory_space<hbm>>
      %dma_wait3A_82 = tpu.memref_squeeze %dma_wait3A_81 : memref<1x64x128xf32, #tpu.memory_space<hbm>> -> memref<64x128xf32, #tpu.memory_space<hbm>>
      %dma_wait3A_83 = arith.constant 0 : i32
      %dma_wait3A_84 = arith.constant 0 : i32
      %dma_wait3A_85 = tpu.memref_slice %arg6[%dma_wait3A_83, %dma_wait3A_84] : memref<128x128xf32, #tpu.memory_space<vmem>> -> memref<64x128xf32, #tpu.memory_space<vmem>>
      tpu.wait_dma2 semaphore(%run_scoped3A : memref<!tpu.dma_semaphore, #tpu.memory_space<semaphore_mem>>) src(%dma_wait3A_85 : memref<64x128xf32, #tpu.memory_space<vmem>>) dst(%dma_wait3A_82 : memref<64x128xf32, #tpu.memory_space<hbm>>)
      tpu.yield
    }) : () -> ()
    %add3A_48 = arith.constant 128 : i32
    %add3A_49 = arith.addi %mul3A_2, %add3A_48 : i32
    "tpu.region"() ({
      %run_scoped3A = tpu.sem_alloc : memref<!tpu.dma_semaphore, #tpu.memory_space<semaphore_mem>>
      %dma_start3A = arith.constant 0 : i32
      %dma_start3A_64 = arith.constant 0 : i32
      %dma_start3A_65 = tpu.memref_slice %arg6[%dma_start3A, %dma_start3A_64] : memref<128x128xf32, #tpu.memory_space<vmem>> -> memref<64x128xf32, #tpu.memory_space<vmem>>
      %dma_start3A_66 = arith.constant 0 : i32
      %dma_start3A_67 = tpu.memref_slice %arg4[%add3A_49, %dma_start3A_66] : memref<10112x128xf32, #tpu.memory_space<vmem_shared>> -> memref<64x128xf32, #tpu.memory_space<vmem_shared>>
      %dma_start3A_68 = arith.constant 0 : i32
      %dma_start3A_69 = arith.constant 0 : i32
      %dma_start3A_70 = tpu.memref_slice %arg6[%dma_start3A_68, %dma_start3A_69] : memref<128x128xf32, #tpu.memory_space<vmem>> -> memref<64x128xf32, #tpu.memory_space<vmem>>
      %dma_start3A_71 = arith.constant 0 : i32
      %dma_start3A_72 = tpu.memref_slice %arg4[%add3A_49, %dma_start3A_71] : memref<10112x128xf32, #tpu.memory_space<vmem_shared>> -> memref<64x128xf32, #tpu.memory_space<vmem_shared>>
      tpu.enqueue_dma source(%dma_start3A_72 : memref<64x128xf32, #tpu.memory_space<vmem_shared>>) target(%dma_start3A_70 : memref<64x128xf32, #tpu.memory_space<vmem>>) target_semaphore(%run_scoped3A : memref<!tpu.dma_semaphore, #tpu.memory_space<semaphore_mem>>)
      %dma_wait3A = arith.constant 0 : i32
      %dma_wait3A_73 = arith.constant 0 : i32
      %dma_wait3A_74 = tpu.memref_slice %arg6[%dma_wait3A, %dma_wait3A_73] : memref<128x128xf32, #tpu.memory_space<vmem>> -> memref<64x128xf32, #tpu.memory_space<vmem>>
      %dma_wait3A_75 = arith.constant 0 : i32
      %dma_wait3A_76 = tpu.memref_slice %arg4[%add3A_49, %dma_wait3A_75] : memref<10112x128xf32, #tpu.memory_space<vmem_shared>> -> memref<64x128xf32, #tpu.memory_space<vmem_shared>>
      %dma_wait3A_77 = arith.constant 0 : i32
      %dma_wait3A_78 = arith.constant 0 : i32
      %dma_wait3A_79 = tpu.memref_slice %arg6[%dma_wait3A_77, %dma_wait3A_78] : memref<128x128xf32, #tpu.memory_space<vmem>> -> memref<64x128xf32, #tpu.memory_space<vmem>>
      %dma_wait3A_80 = arith.constant 0 : i32
      %dma_wait3A_81 = tpu.memref_slice %arg4[%add3A_49, %dma_wait3A_80] : memref<10112x128xf32, #tpu.memory_space<vmem_shared>> -> memref<64x128xf32, #tpu.memory_space<vmem_shared>>
      tpu.wait_dma2 semaphore(%run_scoped3A : memref<!tpu.dma_semaphore, #tpu.memory_space<semaphore_mem>>) src(%dma_wait3A_81 : memref<64x128xf32, #tpu.memory_space<vmem_shared>>) dst(%dma_wait3A_79 : memref<64x128xf32, #tpu.memory_space<vmem>>)
      tpu.yield
    }) : () -> ()
    "tpu.region"() ({
      %run_scoped3A = tpu.sem_alloc : memref<!tpu.dma_semaphore, #tpu.memory_space<semaphore_mem>>
      %dma_start3A = arith.constant 0 : i32
      %dma_start3A_64 = arith.constant 0 : i32
      %dma_start3A_65 = tpu.memref_slice %arg6[%dma_start3A, %dma_start3A_64] : memref<128x128xf32, #tpu.memory_space<vmem>> -> memref<64x128xf32, #tpu.memory_space<vmem>>
      %dma_start3A_66 = arith.constant 0 : i32
      %dma_start3A_67 = tpu.memref_slice %arg3[%arg0, %add3A_49, %dma_start3A_66] : memref<2x10112x128xf32, #tpu.memory_space<hbm>> -> memref<1x64x128xf32, #tpu.memory_space<hbm>>
      %dma_start3A_68 = tpu.memref_squeeze %dma_start3A_67 : memref<1x64x128xf32, #tpu.memory_space<hbm>> -> memref<64x128xf32, #tpu.memory_space<hbm>>
      %dma_start3A_69 = arith.constant 0 : i32
      %dma_start3A_70 = tpu.memref_slice %arg3[%arg0, %add3A_49, %dma_start3A_69] : memref<2x10112x128xf32, #tpu.memory_space<hbm>> -> memref<1x64x128xf32, #tpu.memory_space<hbm>>
      %dma_start3A_71 = tpu.memref_squeeze %dma_start3A_70 : memref<1x64x128xf32, #tpu.memory_space<hbm>> -> memref<64x128xf32, #tpu.memory_space<hbm>>
      %dma_start3A_72 = arith.constant 0 : i32
      %dma_start3A_73 = arith.constant 0 : i32
      %dma_start3A_74 = tpu.memref_slice %arg6[%dma_start3A_72, %dma_start3A_73] : memref<128x128xf32, #tpu.memory_space<vmem>> -> memref<64x128xf32, #tpu.memory_space<vmem>>
      tpu.enqueue_dma source(%dma_start3A_74 : memref<64x128xf32, #tpu.memory_space<vmem>>) target(%dma_start3A_71 : memref<64x128xf32, #tpu.memory_space<hbm>>) target_semaphore(%run_scoped3A : memref<!tpu.dma_semaphore, #tpu.memory_space<semaphore_mem>>)
      %dma_wait3A = arith.constant 0 : i32
      %dma_wait3A_75 = arith.constant 0 : i32
      %dma_wait3A_76 = tpu.memref_slice %arg6[%dma_wait3A, %dma_wait3A_75] : memref<128x128xf32, #tpu.memory_space<vmem>> -> memref<64x128xf32, #tpu.memory_space<vmem>>
      %dma_wait3A_77 = arith.constant 0 : i32
      %dma_wait3A_78 = tpu.memref_slice %arg3[%arg0, %add3A_49, %dma_wait3A_77] : memref<2x10112x128xf32, #tpu.memory_space<hbm>> -> memref<1x64x128xf32, #tpu.memory_space<hbm>>
      %dma_wait3A_79 = tpu.memref_squeeze %dma_wait3A_78 : memref<1x64x128xf32, #tpu.memory_space<hbm>> -> memref<64x128xf32, #tpu.memory_space<hbm>>
      %dma_wait3A_80 = arith.constant 0 : i32
      %dma_wait3A_81 = tpu.memref_slice %arg3[%arg0, %add3A_49, %dma_wait3A_80] : memref<2x10112x128xf32, #tpu.memory_space<hbm>> -> memref<1x64x128xf32, #tpu.memory_space<hbm>>
      %dma_wait3A_82 = tpu.memref_squeeze %dma_wait3A_81 : memref<1x64x128xf32, #tpu.memory_space<hbm>> -> memref<64x128xf32, #tpu.memory_space<hbm>>
      %dma_wait3A_83 = arith.constant 0 : i32
      %dma_wait3A_84 = arith.constant 0 : i32
      %dma_wait3A_85 = tpu.memref_slice %arg6[%dma_wait3A_83, %dma_wait3A_84] : memref<128x128xf32, #tpu.memory_space<vmem>> -> memref<64x128xf32, #tpu.memory_space<vmem>>
      tpu.wait_dma2 semaphore(%run_scoped3A : memref<!tpu.dma_semaphore, #tpu.memory_space<semaphore_mem>>) src(%dma_wait3A_85 : memref<64x128xf32, #tpu.memory_space<vmem>>) dst(%dma_wait3A_82 : memref<64x128xf32, #tpu.memory_space<hbm>>)
      tpu.yield
    }) : () -> ()
    %add3A_50 = arith.constant 192 : i32
    %add3A_51 = arith.addi %mul3A_2, %add3A_50 : i32
    "tpu.region"() ({
      %run_scoped3A = tpu.sem_alloc : memref<!tpu.dma_semaphore, #tpu.memory_space<semaphore_mem>>
      %dma_start3A = arith.constant 0 : i32
      %dma_start3A_64 = arith.constant 0 : i32
      %dma_start3A_65 = tpu.memref_slice %arg6[%dma_start3A, %dma_start3A_64] : memref<128x128xf32, #tpu.memory_space<vmem>> -> memref<64x128xf32, #tpu.memory_space<vmem>>
      %dma_start3A_66 = arith.constant 0 : i32
      %dma_start3A_67 = tpu.memref_slice %arg4[%add3A_51, %dma_start3A_66] : memref<10112x128xf32, #tpu.memory_space<vmem_shared>> -> memref<64x128xf32, #tpu.memory_space<vmem_shared>>
      %dma_start3A_68 = arith.constant 0 : i32
      %dma_start3A_69 = arith.constant 0 : i32
      %dma_start3A_70 = tpu.memref_slice %arg6[%dma_start3A_68, %dma_start3A_69] : memref<128x128xf32, #tpu.memory_space<vmem>> -> memref<64x128xf32, #tpu.memory_space<vmem>>
      %dma_start3A_71 = arith.constant 0 : i32
      %dma_start3A_72 = tpu.memref_slice %arg4[%add3A_51, %dma_start3A_71] : memref<10112x128xf32, #tpu.memory_space<vmem_shared>> -> memref<64x128xf32, #tpu.memory_space<vmem_shared>>
      tpu.enqueue_dma source(%dma_start3A_72 : memref<64x128xf32, #tpu.memory_space<vmem_shared>>) target(%dma_start3A_70 : memref<64x128xf32, #tpu.memory_space<vmem>>) target_semaphore(%run_scoped3A : memref<!tpu.dma_semaphore, #tpu.memory_space<semaphore_mem>>)
      %dma_wait3A = arith.constant 0 : i32
      %dma_wait3A_73 = arith.constant 0 : i32
      %dma_wait3A_74 = tpu.memref_slice %arg6[%dma_wait3A, %dma_wait3A_73] : memref<128x128xf32, #tpu.memory_space<vmem>> -> memref<64x128xf32, #tpu.memory_space<vmem>>
      %dma_wait3A_75 = arith.constant 0 : i32
      %dma_wait3A_76 = tpu.memref_slice %arg4[%add3A_51, %dma_wait3A_75] : memref<10112x128xf32, #tpu.memory_space<vmem_shared>> -> memref<64x128xf32, #tpu.memory_space<vmem_shared>>
      %dma_wait3A_77 = arith.constant 0 : i32
      %dma_wait3A_78 = arith.constant 0 : i32
      %dma_wait3A_79 = tpu.memref_slice %arg6[%dma_wait3A_77, %dma_wait3A_78] : memref<128x128xf32, #tpu.memory_space<vmem>> -> memref<64x128xf32, #tpu.memory_space<vmem>>
      %dma_wait3A_80 = arith.constant 0 : i32
      %dma_wait3A_81 = tpu.memref_slice %arg4[%add3A_51, %dma_wait3A_80] : memref<10112x128xf32, #tpu.memory_space<vmem_shared>> -> memref<64x128xf32, #tpu.memory_space<vmem_shared>>
      tpu.wait_dma2 semaphore(%run_scoped3A : memref<!tpu.dma_semaphore, #tpu.memory_space<semaphore_mem>>) src(%dma_wait3A_81 : memref<64x128xf32, #tpu.memory_space<vmem_shared>>) dst(%dma_wait3A_79 : memref<64x128xf32, #tpu.memory_space<vmem>>)
      tpu.yield
    }) : () -> ()
    "tpu.region"() ({
      %run_scoped3A = tpu.sem_alloc : memref<!tpu.dma_semaphore, #tpu.memory_space<semaphore_mem>>
      %dma_start3A = arith.constant 0 : i32
      %dma_start3A_64 = arith.constant 0 : i32
      %dma_start3A_65 = tpu.memref_slice %arg6[%dma_start3A, %dma_start3A_64] : memref<128x128xf32, #tpu.memory_space<vmem>> -> memref<64x128xf32, #tpu.memory_space<vmem>>
      %dma_start3A_66 = arith.constant 0 : i32
      %dma_start3A_67 = tpu.memref_slice %arg3[%arg0, %add3A_51, %dma_start3A_66] : memref<2x10112x128xf32, #tpu.memory_space<hbm>> -> memref<1x64x128xf32, #tpu.memory_space<hbm>>
      %dma_start3A_68 = tpu.memref_squeeze %dma_start3A_67 : memref<1x64x128xf32, #tpu.memory_space<hbm>> -> memref<64x128xf32, #tpu.memory_space<hbm>>
      %dma_start3A_69 = arith.constant 0 : i32
      %dma_start3A_70 = tpu.memref_slice %arg3[%arg0, %add3A_51, %dma_start3A_69] : memref<2x10112x128xf32, #tpu.memory_space<hbm>> -> memref<1x64x128xf32, #tpu.memory_space<hbm>>
      %dma_start3A_71 = tpu.memref_squeeze %dma_start3A_70 : memref<1x64x128xf32, #tpu.memory_space<hbm>> -> memref<64x128xf32, #tpu.memory_space<hbm>>
      %dma_start3A_72 = arith.constant 0 : i32
      %dma_start3A_73 = arith.constant 0 : i32
      %dma_start3A_74 = tpu.memref_slice %arg6[%dma_start3A_72, %dma_start3A_73] : memref<128x128xf32, #tpu.memory_space<vmem>> -> memref<64x128xf32, #tpu.memory_space<vmem>>
      tpu.enqueue_dma source(%dma_start3A_74 : memref<64x128xf32, #tpu.memory_space<vmem>>) target(%dma_start3A_71 : memref<64x128xf32, #tpu.memory_space<hbm>>) target_semaphore(%run_scoped3A : memref<!tpu.dma_semaphore, #tpu.memory_space<semaphore_mem>>)
      %dma_wait3A = arith.constant 0 : i32
      %dma_wait3A_75 = arith.constant 0 : i32
      %dma_wait3A_76 = tpu.memref_slice %arg6[%dma_wait3A, %dma_wait3A_75] : memref<128x128xf32, #tpu.memory_space<vmem>> -> memref<64x128xf32, #tpu.memory_space<vmem>>
      %dma_wait3A_77 = arith.constant 0 : i32
      %dma_wait3A_78 = tpu.memref_slice %arg3[%arg0, %add3A_51, %dma_wait3A_77] : memref<2x10112x128xf32, #tpu.memory_space<hbm>> -> memref<1x64x128xf32, #tpu.memory_space<hbm>>
      %dma_wait3A_79 = tpu.memref_squeeze %dma_wait3A_78 : memref<1x64x128xf32, #tpu.memory_space<hbm>> -> memref<64x128xf32, #tpu.memory_space<hbm>>
      %dma_wait3A_80 = arith.constant 0 : i32
      %dma_wait3A_81 = tpu.memref_slice %arg3[%arg0, %add3A_51, %dma_wait3A_80] : memref<2x10112x128xf32, #tpu.memory_space<hbm>> -> memref<1x64x128xf32, #tpu.memory_space<hbm>>
      %dma_wait3A_82 = tpu.memref_squeeze %dma_wait3A_81 : memref<1x64x128xf32, #tpu.memory_space<hbm>> -> memref<64x128xf32, #tpu.memory_space<hbm>>
      %dma_wait3A_83 = arith.constant 0 : i32
      %dma_wait3A_84 = arith.constant 0 : i32
      %dma_wait3A_85 = tpu.memref_slice %arg6[%dma_wait3A_83, %dma_wait3A_84] : memref<128x128xf32, #tpu.memory_space<vmem>> -> memref<64x128xf32, #tpu.memory_space<vmem>>
      tpu.wait_dma2 semaphore(%run_scoped3A : memref<!tpu.dma_semaphore, #tpu.memory_space<semaphore_mem>>) src(%dma_wait3A_85 : memref<64x128xf32, #tpu.memory_space<vmem>>) dst(%dma_wait3A_82 : memref<64x128xf32, #tpu.memory_space<hbm>>)
      tpu.yield
    }) : () -> ()
    %add3A_52 = arith.constant 256 : i32
    %add3A_53 = arith.addi %mul3A_2, %add3A_52 : i32
    "tpu.region"() ({
      %run_scoped3A = tpu.sem_alloc : memref<!tpu.dma_semaphore, #tpu.memory_space<semaphore_mem>>
      %dma_start3A = arith.constant 0 : i32
      %dma_start3A_64 = arith.constant 0 : i32
      %dma_start3A_65 = tpu.memref_slice %arg6[%dma_start3A, %dma_start3A_64] : memref<128x128xf32, #tpu.memory_space<vmem>> -> memref<64x128xf32, #tpu.memory_space<vmem>>
      %dma_start3A_66 = arith.constant 0 : i32
      %dma_start3A_67 = tpu.memref_slice %arg4[%add3A_53, %dma_start3A_66] : memref<10112x128xf32, #tpu.memory_space<vmem_shared>> -> memref<64x128xf32, #tpu.memory_space<vmem_shared>>
      %dma_start3A_68 = arith.constant 0 : i32
      %dma_start3A_69 = arith.constant 0 : i32
      %dma_start3A_70 = tpu.memref_slice %arg6[%dma_start3A_68, %dma_start3A_69] : memref<128x128xf32, #tpu.memory_space<vmem>> -> memref<64x128xf32, #tpu.memory_space<vmem>>
      %dma_start3A_71 = arith.constant 0 : i32
      %dma_start3A_72 = tpu.memref_slice %arg4[%add3A_53, %dma_start3A_71] : memref<10112x128xf32, #tpu.memory_space<vmem_shared>> -> memref<64x128xf32, #tpu.memory_space<vmem_shared>>
      tpu.enqueue_dma source(%dma_start3A_72 : memref<64x128xf32, #tpu.memory_space<vmem_shared>>) target(%dma_start3A_70 : memref<64x128xf32, #tpu.memory_space<vmem>>) target_semaphore(%run_scoped3A : memref<!tpu.dma_semaphore, #tpu.memory_space<semaphore_mem>>)
      %dma_wait3A = arith.constant 0 : i32
      %dma_wait3A_73 = arith.constant 0 : i32
      %dma_wait3A_74 = tpu.memref_slice %arg6[%dma_wait3A, %dma_wait3A_73] : memref<128x128xf32, #tpu.memory_space<vmem>> -> memref<64x128xf32, #tpu.memory_space<vmem>>
      %dma_wait3A_75 = arith.constant 0 : i32
      %dma_wait3A_76 = tpu.memref_slice %arg4[%add3A_53, %dma_wait3A_75] : memref<10112x128xf32, #tpu.memory_space<vmem_shared>> -> memref<64x128xf32, #tpu.memory_space<vmem_shared>>
      %dma_wait3A_77 = arith.constant 0 : i32
      %dma_wait3A_78 = arith.constant 0 : i32
      %dma_wait3A_79 = tpu.memref_slice %arg6[%dma_wait3A_77, %dma_wait3A_78] : memref<128x128xf32, #tpu.memory_space<vmem>> -> memref<64x128xf32, #tpu.memory_space<vmem>>
      %dma_wait3A_80 = arith.constant 0 : i32
      %dma_wait3A_81 = tpu.memref_slice %arg4[%add3A_53, %dma_wait3A_80] : memref<10112x128xf32, #tpu.memory_space<vmem_shared>> -> memref<64x128xf32, #tpu.memory_space<vmem_shared>>
      tpu.wait_dma2 semaphore(%run_scoped3A : memref<!tpu.dma_semaphore, #tpu.memory_space<semaphore_mem>>) src(%dma_wait3A_81 : memref<64x128xf32, #tpu.memory_space<vmem_shared>>) dst(%dma_wait3A_79 : memref<64x128xf32, #tpu.memory_space<vmem>>)
      tpu.yield
    }) : () -> ()
    "tpu.region"() ({
      %run_scoped3A = tpu.sem_alloc : memref<!tpu.dma_semaphore, #tpu.memory_space<semaphore_mem>>
      %dma_start3A = arith.constant 0 : i32
      %dma_start3A_64 = arith.constant 0 : i32
      %dma_start3A_65 = tpu.memref_slice %arg6[%dma_start3A, %dma_start3A_64] : memref<128x128xf32, #tpu.memory_space<vmem>> -> memref<64x128xf32, #tpu.memory_space<vmem>>
      %dma_start3A_66 = arith.constant 0 : i32
      %dma_start3A_67 = tpu.memref_slice %arg3[%arg0, %add3A_53, %dma_start3A_66] : memref<2x10112x128xf32, #tpu.memory_space<hbm>> -> memref<1x64x128xf32, #tpu.memory_space<hbm>>
      %dma_start3A_68 = tpu.memref_squeeze %dma_start3A_67 : memref<1x64x128xf32, #tpu.memory_space<hbm>> -> memref<64x128xf32, #tpu.memory_space<hbm>>
      %dma_start3A_69 = arith.constant 0 : i32
      %dma_start3A_70 = tpu.memref_slice %arg3[%arg0, %add3A_53, %dma_start3A_69] : memref<2x10112x128xf32, #tpu.memory_space<hbm>> -> memref<1x64x128xf32, #tpu.memory_space<hbm>>
      %dma_start3A_71 = tpu.memref_squeeze %dma_start3A_70 : memref<1x64x128xf32, #tpu.memory_space<hbm>> -> memref<64x128xf32, #tpu.memory_space<hbm>>
      %dma_start3A_72 = arith.constant 0 : i32
      %dma_start3A_73 = arith.constant 0 : i32
      %dma_start3A_74 = tpu.memref_slice %arg6[%dma_start3A_72, %dma_start3A_73] : memref<128x128xf32, #tpu.memory_space<vmem>> -> memref<64x128xf32, #tpu.memory_space<vmem>>
      tpu.enqueue_dma source(%dma_start3A_74 : memref<64x128xf32, #tpu.memory_space<vmem>>) target(%dma_start3A_71 : memref<64x128xf32, #tpu.memory_space<hbm>>) target_semaphore(%run_scoped3A : memref<!tpu.dma_semaphore, #tpu.memory_space<semaphore_mem>>)
      %dma_wait3A = arith.constant 0 : i32
      %dma_wait3A_75 = arith.constant 0 : i32
      %dma_wait3A_76 = tpu.memref_slice %arg6[%dma_wait3A, %dma_wait3A_75] : memref<128x128xf32, #tpu.memory_space<vmem>> -> memref<64x128xf32, #tpu.memory_space<vmem>>
      %dma_wait3A_77 = arith.constant 0 : i32
      %dma_wait3A_78 = tpu.memref_slice %arg3[%arg0, %add3A_53, %dma_wait3A_77] : memref<2x10112x128xf32, #tpu.memory_space<hbm>> -> memref<1x64x128xf32, #tpu.memory_space<hbm>>
      %dma_wait3A_79 = tpu.memref_squeeze %dma_wait3A_78 : memref<1x64x128xf32, #tpu.memory_space<hbm>> -> memref<64x128xf32, #tpu.memory_space<hbm>>
      %dma_wait3A_80 = arith.constant 0 : i32
      %dma_wait3A_81 = tpu.memref_slice %arg3[%arg0, %add3A_53, %dma_wait3A_80] : memref<2x10112x128xf32, #tpu.memory_space<hbm>> -> memref<1x64x128xf32, #tpu.memory_space<hbm>>
      %dma_wait3A_82 = tpu.memref_squeeze %dma_wait3A_81 : memref<1x64x128xf32, #tpu.memory_space<hbm>> -> memref<64x128xf32, #tpu.memory_space<hbm>>
      %dma_wait3A_83 = arith.constant 0 : i32
      %dma_wait3A_84 = arith.constant 0 : i32
      %dma_wait3A_85 = tpu.memref_slice %arg6[%dma_wait3A_83, %dma_wait3A_84] : memref<128x128xf32, #tpu.memory_space<vmem>> -> memref<64x128xf32, #tpu.memory_space<vmem>>
      tpu.wait_dma2 semaphore(%run_scoped3A : memref<!tpu.dma_semaphore, #tpu.memory_space<semaphore_mem>>) src(%dma_wait3A_85 : memref<64x128xf32, #tpu.memory_space<vmem>>) dst(%dma_wait3A_82 : memref<64x128xf32, #tpu.memory_space<hbm>>)
      tpu.yield
    }) : () -> ()
    %add3A_54 = arith.constant 320 : i32
    %add3A_55 = arith.addi %mul3A_2, %add3A_54 : i32
    "tpu.region"() ({
      %run_scoped3A = tpu.sem_alloc : memref<!tpu.dma_semaphore, #tpu.memory_space<semaphore_mem>>
      %dma_start3A = arith.constant 0 : i32
      %dma_start3A_64 = arith.constant 0 : i32
      %dma_start3A_65 = tpu.memref_slice %arg6[%dma_start3A, %dma_start3A_64] : memref<128x128xf32, #tpu.memory_space<vmem>> -> memref<64x128xf32, #tpu.memory_space<vmem>>
      %dma_start3A_66 = arith.constant 0 : i32
      %dma_start3A_67 = tpu.memref_slice %arg4[%add3A_55, %dma_start3A_66] : memref<10112x128xf32, #tpu.memory_space<vmem_shared>> -> memref<64x128xf32, #tpu.memory_space<vmem_shared>>
      %dma_start3A_68 = arith.constant 0 : i32
      %dma_start3A_69 = arith.constant 0 : i32
      %dma_start3A_70 = tpu.memref_slice %arg6[%dma_start3A_68, %dma_start3A_69] : memref<128x128xf32, #tpu.memory_space<vmem>> -> memref<64x128xf32, #tpu.memory_space<vmem>>
      %dma_start3A_71 = arith.constant 0 : i32
      %dma_start3A_72 = tpu.memref_slice %arg4[%add3A_55, %dma_start3A_71] : memref<10112x128xf32, #tpu.memory_space<vmem_shared>> -> memref<64x128xf32, #tpu.memory_space<vmem_shared>>
      tpu.enqueue_dma source(%dma_start3A_72 : memref<64x128xf32, #tpu.memory_space<vmem_shared>>) target(%dma_start3A_70 : memref<64x128xf32, #tpu.memory_space<vmem>>) target_semaphore(%run_scoped3A : memref<!tpu.dma_semaphore, #tpu.memory_space<semaphore_mem>>)
      %dma_wait3A = arith.constant 0 : i32
      %dma_wait3A_73 = arith.constant 0 : i32
      %dma_wait3A_74 = tpu.memref_slice %arg6[%dma_wait3A, %dma_wait3A_73] : memref<128x128xf32, #tpu.memory_space<vmem>> -> memref<64x128xf32, #tpu.memory_space<vmem>>
      %dma_wait3A_75 = arith.constant 0 : i32
      %dma_wait3A_76 = tpu.memref_slice %arg4[%add3A_55, %dma_wait3A_75] : memref<10112x128xf32, #tpu.memory_space<vmem_shared>> -> memref<64x128xf32, #tpu.memory_space<vmem_shared>>
      %dma_wait3A_77 = arith.constant 0 : i32
      %dma_wait3A_78 = arith.constant 0 : i32
      %dma_wait3A_79 = tpu.memref_slice %arg6[%dma_wait3A_77, %dma_wait3A_78] : memref<128x128xf32, #tpu.memory_space<vmem>> -> memref<64x128xf32, #tpu.memory_space<vmem>>
      %dma_wait3A_80 = arith.constant 0 : i32
      %dma_wait3A_81 = tpu.memref_slice %arg4[%add3A_55, %dma_wait3A_80] : memref<10112x128xf32, #tpu.memory_space<vmem_shared>> -> memref<64x128xf32, #tpu.memory_space<vmem_shared>>
      tpu.wait_dma2 semaphore(%run_scoped3A : memref<!tpu.dma_semaphore, #tpu.memory_space<semaphore_mem>>) src(%dma_wait3A_81 : memref<64x128xf32, #tpu.memory_space<vmem_shared>>) dst(%dma_wait3A_79 : memref<64x128xf32, #tpu.memory_space<vmem>>)
      tpu.yield
    }) : () -> ()
    "tpu.region"() ({
      %run_scoped3A = tpu.sem_alloc : memref<!tpu.dma_semaphore, #tpu.memory_space<semaphore_mem>>
      %dma_start3A = arith.constant 0 : i32
      %dma_start3A_64 = arith.constant 0 : i32
      %dma_start3A_65 = tpu.memref_slice %arg6[%dma_start3A, %dma_start3A_64] : memref<128x128xf32, #tpu.memory_space<vmem>> -> memref<64x128xf32, #tpu.memory_space<vmem>>
      %dma_start3A_66 = arith.constant 0 : i32
      %dma_start3A_67 = tpu.memref_slice %arg3[%arg0, %add3A_55, %dma_start3A_66] : memref<2x10112x128xf32, #tpu.memory_space<hbm>> -> memref<1x64x128xf32, #tpu.memory_space<hbm>>
      %dma_start3A_68 = tpu.memref_squeeze %dma_start3A_67 : memref<1x64x128xf32, #tpu.memory_space<hbm>> -> memref<64x128xf32, #tpu.memory_space<hbm>>
      %dma_start3A_69 = arith.constant 0 : i32
      %dma_start3A_70 = tpu.memref_slice %arg3[%arg0, %add3A_55, %dma_start3A_69] : memref<2x10112x128xf32, #tpu.memory_space<hbm>> -> memref<1x64x128xf32, #tpu.memory_space<hbm>>
      %dma_start3A_71 = tpu.memref_squeeze %dma_start3A_70 : memref<1x64x128xf32, #tpu.memory_space<hbm>> -> memref<64x128xf32, #tpu.memory_space<hbm>>
      %dma_start3A_72 = arith.constant 0 : i32
      %dma_start3A_73 = arith.constant 0 : i32
      %dma_start3A_74 = tpu.memref_slice %arg6[%dma_start3A_72, %dma_start3A_73] : memref<128x128xf32, #tpu.memory_space<vmem>> -> memref<64x128xf32, #tpu.memory_space<vmem>>
      tpu.enqueue_dma source(%dma_start3A_74 : memref<64x128xf32, #tpu.memory_space<vmem>>) target(%dma_start3A_71 : memref<64x128xf32, #tpu.memory_space<hbm>>) target_semaphore(%run_scoped3A : memref<!tpu.dma_semaphore, #tpu.memory_space<semaphore_mem>>)
      %dma_wait3A = arith.constant 0 : i32
      %dma_wait3A_75 = arith.constant 0 : i32
      %dma_wait3A_76 = tpu.memref_slice %arg6[%dma_wait3A, %dma_wait3A_75] : memref<128x128xf32, #tpu.memory_space<vmem>> -> memref<64x128xf32, #tpu.memory_space<vmem>>
      %dma_wait3A_77 = arith.constant 0 : i32
      %dma_wait3A_78 = tpu.memref_slice %arg3[%arg0, %add3A_55, %dma_wait3A_77] : memref<2x10112x128xf32, #tpu.memory_space<hbm>> -> memref<1x64x128xf32, #tpu.memory_space<hbm>>
      %dma_wait3A_79 = tpu.memref_squeeze %dma_wait3A_78 : memref<1x64x128xf32, #tpu.memory_space<hbm>> -> memref<64x128xf32, #tpu.memory_space<hbm>>
      %dma_wait3A_80 = arith.constant 0 : i32
      %dma_wait3A_81 = tpu.memref_slice %arg3[%arg0, %add3A_55, %dma_wait3A_80] : memref<2x10112x128xf32, #tpu.memory_space<hbm>> -> memref<1x64x128xf32, #tpu.memory_space<hbm>>
      %dma_wait3A_82 = tpu.memref_squeeze %dma_wait3A_81 : memref<1x64x128xf32, #tpu.memory_space<hbm>> -> memref<64x128xf32, #tpu.memory_space<hbm>>
      %dma_wait3A_83 = arith.constant 0 : i32
      %dma_wait3A_84 = arith.constant 0 : i32
      %dma_wait3A_85 = tpu.memref_slice %arg6[%dma_wait3A_83, %dma_wait3A_84] : memref<128x128xf32, #tpu.memory_space<vmem>> -> memref<64x128xf32, #tpu.memory_space<vmem>>
      tpu.wait_dma2 semaphore(%run_scoped3A : memref<!tpu.dma_semaphore, #tpu.memory_space<semaphore_mem>>) src(%dma_wait3A_85 : memref<64x128xf32, #tpu.memory_space<vmem>>) dst(%dma_wait3A_82 : memref<64x128xf32, #tpu.memory_space<hbm>>)
      tpu.yield
    }) : () -> ()
    %add3A_56 = arith.constant 384 : i32
    %add3A_57 = arith.addi %mul3A_2, %add3A_56 : i32
    "tpu.region"() ({
      %run_scoped3A = tpu.sem_alloc : memref<!tpu.dma_semaphore, #tpu.memory_space<semaphore_mem>>
      %dma_start3A = arith.constant 0 : i32
      %dma_start3A_64 = arith.constant 0 : i32
      %dma_start3A_65 = tpu.memref_slice %arg6[%dma_start3A, %dma_start3A_64] : memref<128x128xf32, #tpu.memory_space<vmem>> -> memref<64x128xf32, #tpu.memory_space<vmem>>
      %dma_start3A_66 = arith.constant 0 : i32
      %dma_start3A_67 = tpu.memref_slice %arg4[%add3A_57, %dma_start3A_66] : memref<10112x128xf32, #tpu.memory_space<vmem_shared>> -> memref<64x128xf32, #tpu.memory_space<vmem_shared>>
      %dma_start3A_68 = arith.constant 0 : i32
      %dma_start3A_69 = arith.constant 0 : i32
      %dma_start3A_70 = tpu.memref_slice %arg6[%dma_start3A_68, %dma_start3A_69] : memref<128x128xf32, #tpu.memory_space<vmem>> -> memref<64x128xf32, #tpu.memory_space<vmem>>
      %dma_start3A_71 = arith.constant 0 : i32
      %dma_start3A_72 = tpu.memref_slice %arg4[%add3A_57, %dma_start3A_71] : memref<10112x128xf32, #tpu.memory_space<vmem_shared>> -> memref<64x128xf32, #tpu.memory_space<vmem_shared>>
      tpu.enqueue_dma source(%dma_start3A_72 : memref<64x128xf32, #tpu.memory_space<vmem_shared>>) target(%dma_start3A_70 : memref<64x128xf32, #tpu.memory_space<vmem>>) target_semaphore(%run_scoped3A : memref<!tpu.dma_semaphore, #tpu.memory_space<semaphore_mem>>)
      %dma_wait3A = arith.constant 0 : i32
      %dma_wait3A_73 = arith.constant 0 : i32
      %dma_wait3A_74 = tpu.memref_slice %arg6[%dma_wait3A, %dma_wait3A_73] : memref<128x128xf32, #tpu.memory_space<vmem>> -> memref<64x128xf32, #tpu.memory_space<vmem>>
      %dma_wait3A_75 = arith.constant 0 : i32
      %dma_wait3A_76 = tpu.memref_slice %arg4[%add3A_57, %dma_wait3A_75] : memref<10112x128xf32, #tpu.memory_space<vmem_shared>> -> memref<64x128xf32, #tpu.memory_space<vmem_shared>>
      %dma_wait3A_77 = arith.constant 0 : i32
      %dma_wait3A_78 = arith.constant 0 : i32
      %dma_wait3A_79 = tpu.memref_slice %arg6[%dma_wait3A_77, %dma_wait3A_78] : memref<128x128xf32, #tpu.memory_space<vmem>> -> memref<64x128xf32, #tpu.memory_space<vmem>>
      %dma_wait3A_80 = arith.constant 0 : i32
      %dma_wait3A_81 = tpu.memref_slice %arg4[%add3A_57, %dma_wait3A_80] : memref<10112x128xf32, #tpu.memory_space<vmem_shared>> -> memref<64x128xf32, #tpu.memory_space<vmem_shared>>
      tpu.wait_dma2 semaphore(%run_scoped3A : memref<!tpu.dma_semaphore, #tpu.memory_space<semaphore_mem>>) src(%dma_wait3A_81 : memref<64x128xf32, #tpu.memory_space<vmem_shared>>) dst(%dma_wait3A_79 : memref<64x128xf32, #tpu.memory_space<vmem>>)
      tpu.yield
    }) : () -> ()
    "tpu.region"() ({
      %run_scoped3A = tpu.sem_alloc : memref<!tpu.dma_semaphore, #tpu.memory_space<semaphore_mem>>
      %dma_start3A = arith.constant 0 : i32
      %dma_start3A_64 = arith.constant 0 : i32
      %dma_start3A_65 = tpu.memref_slice %arg6[%dma_start3A, %dma_start3A_64] : memref<128x128xf32, #tpu.memory_space<vmem>> -> memref<64x128xf32, #tpu.memory_space<vmem>>
      %dma_start3A_66 = arith.constant 0 : i32
      %dma_start3A_67 = tpu.memref_slice %arg3[%arg0, %add3A_57, %dma_start3A_66] : memref<2x10112x128xf32, #tpu.memory_space<hbm>> -> memref<1x64x128xf32, #tpu.memory_space<hbm>>
      %dma_start3A_68 = tpu.memref_squeeze %dma_start3A_67 : memref<1x64x128xf32, #tpu.memory_space<hbm>> -> memref<64x128xf32, #tpu.memory_space<hbm>>
      %dma_start3A_69 = arith.constant 0 : i32
      %dma_start3A_70 = tpu.memref_slice %arg3[%arg0, %add3A_57, %dma_start3A_69] : memref<2x10112x128xf32, #tpu.memory_space<hbm>> -> memref<1x64x128xf32, #tpu.memory_space<hbm>>
      %dma_start3A_71 = tpu.memref_squeeze %dma_start3A_70 : memref<1x64x128xf32, #tpu.memory_space<hbm>> -> memref<64x128xf32, #tpu.memory_space<hbm>>
      %dma_start3A_72 = arith.constant 0 : i32
      %dma_start3A_73 = arith.constant 0 : i32
      %dma_start3A_74 = tpu.memref_slice %arg6[%dma_start3A_72, %dma_start3A_73] : memref<128x128xf32, #tpu.memory_space<vmem>> -> memref<64x128xf32, #tpu.memory_space<vmem>>
      tpu.enqueue_dma source(%dma_start3A_74 : memref<64x128xf32, #tpu.memory_space<vmem>>) target(%dma_start3A_71 : memref<64x128xf32, #tpu.memory_space<hbm>>) target_semaphore(%run_scoped3A : memref<!tpu.dma_semaphore, #tpu.memory_space<semaphore_mem>>)
      %dma_wait3A = arith.constant 0 : i32
      %dma_wait3A_75 = arith.constant 0 : i32
      %dma_wait3A_76 = tpu.memref_slice %arg6[%dma_wait3A, %dma_wait3A_75] : memref<128x128xf32, #tpu.memory_space<vmem>> -> memref<64x128xf32, #tpu.memory_space<vmem>>
      %dma_wait3A_77 = arith.constant 0 : i32
      %dma_wait3A_78 = tpu.memref_slice %arg3[%arg0, %add3A_57, %dma_wait3A_77] : memref<2x10112x128xf32, #tpu.memory_space<hbm>> -> memref<1x64x128xf32, #tpu.memory_space<hbm>>
      %dma_wait3A_79 = tpu.memref_squeeze %dma_wait3A_78 : memref<1x64x128xf32, #tpu.memory_space<hbm>> -> memref<64x128xf32, #tpu.memory_space<hbm>>
      %dma_wait3A_80 = arith.constant 0 : i32
      %dma_wait3A_81 = tpu.memref_slice %arg3[%arg0, %add3A_57, %dma_wait3A_80] : memref<2x10112x128xf32, #tpu.memory_space<hbm>> -> memref<1x64x128xf32, #tpu.memory_space<hbm>>
      %dma_wait3A_82 = tpu.memref_squeeze %dma_wait3A_81 : memref<1x64x128xf32, #tpu.memory_space<hbm>> -> memref<64x128xf32, #tpu.memory_space<hbm>>
      %dma_wait3A_83 = arith.constant 0 : i32
      %dma_wait3A_84 = arith.constant 0 : i32
      %dma_wait3A_85 = tpu.memref_slice %arg6[%dma_wait3A_83, %dma_wait3A_84] : memref<128x128xf32, #tpu.memory_space<vmem>> -> memref<64x128xf32, #tpu.memory_space<vmem>>
      tpu.wait_dma2 semaphore(%run_scoped3A : memref<!tpu.dma_semaphore, #tpu.memory_space<semaphore_mem>>) src(%dma_wait3A_85 : memref<64x128xf32, #tpu.memory_space<vmem>>) dst(%dma_wait3A_82 : memref<64x128xf32, #tpu.memory_space<hbm>>)
      tpu.yield
    }) : () -> ()
    %add3A_58 = arith.constant 448 : i32
    %add3A_59 = arith.addi %mul3A_2, %add3A_58 : i32
    "tpu.region"() ({
      %run_scoped3A = tpu.sem_alloc : memref<!tpu.dma_semaphore, #tpu.memory_space<semaphore_mem>>
      %dma_start3A = arith.constant 0 : i32
      %dma_start3A_64 = arith.constant 0 : i32
      %dma_start3A_65 = tpu.memref_slice %arg6[%dma_start3A, %dma_start3A_64] : memref<128x128xf32, #tpu.memory_space<vmem>> -> memref<64x128xf32, #tpu.memory_space<vmem>>
      %dma_start3A_66 = arith.constant 0 : i32
      %dma_start3A_67 = tpu.memref_slice %arg4[%add3A_59, %dma_start3A_66] : memref<10112x128xf32, #tpu.memory_space<vmem_shared>> -> memref<64x128xf32, #tpu.memory_space<vmem_shared>>
      %dma_start3A_68 = arith.constant 0 : i32
      %dma_start3A_69 = arith.constant 0 : i32
      %dma_start3A_70 = tpu.memref_slice %arg6[%dma_start3A_68, %dma_start3A_69] : memref<128x128xf32, #tpu.memory_space<vmem>> -> memref<64x128xf32, #tpu.memory_space<vmem>>
      %dma_start3A_71 = arith.constant 0 : i32
      %dma_start3A_72 = tpu.memref_slice %arg4[%add3A_59, %dma_start3A_71] : memref<10112x128xf32, #tpu.memory_space<vmem_shared>> -> memref<64x128xf32, #tpu.memory_space<vmem_shared>>
      tpu.enqueue_dma source(%dma_start3A_72 : memref<64x128xf32, #tpu.memory_space<vmem_shared>>) target(%dma_start3A_70 : memref<64x128xf32, #tpu.memory_space<vmem>>) target_semaphore(%run_scoped3A : memref<!tpu.dma_semaphore, #tpu.memory_space<semaphore_mem>>)
      %dma_wait3A = arith.constant 0 : i32
      %dma_wait3A_73 = arith.constant 0 : i32
      %dma_wait3A_74 = tpu.memref_slice %arg6[%dma_wait3A, %dma_wait3A_73] : memref<128x128xf32, #tpu.memory_space<vmem>> -> memref<64x128xf32, #tpu.memory_space<vmem>>
      %dma_wait3A_75 = arith.constant 0 : i32
      %dma_wait3A_76 = tpu.memref_slice %arg4[%add3A_59, %dma_wait3A_75] : memref<10112x128xf32, #tpu.memory_space<vmem_shared>> -> memref<64x128xf32, #tpu.memory_space<vmem_shared>>
      %dma_wait3A_77 = arith.constant 0 : i32
      %dma_wait3A_78 = arith.constant 0 : i32
      %dma_wait3A_79 = tpu.memref_slice %arg6[%dma_wait3A_77, %dma_wait3A_78] : memref<128x128xf32, #tpu.memory_space<vmem>> -> memref<64x128xf32, #tpu.memory_space<vmem>>
      %dma_wait3A_80 = arith.constant 0 : i32
      %dma_wait3A_81 = tpu.memref_slice %arg4[%add3A_59, %dma_wait3A_80] : memref<10112x128xf32, #tpu.memory_space<vmem_shared>> -> memref<64x128xf32, #tpu.memory_space<vmem_shared>>
      tpu.wait_dma2 semaphore(%run_scoped3A : memref<!tpu.dma_semaphore, #tpu.memory_space<semaphore_mem>>) src(%dma_wait3A_81 : memref<64x128xf32, #tpu.memory_space<vmem_shared>>) dst(%dma_wait3A_79 : memref<64x128xf32, #tpu.memory_space<vmem>>)
      tpu.yield
    }) : () -> ()
    "tpu.region"() ({
      %run_scoped3A = tpu.sem_alloc : memref<!tpu.dma_semaphore, #tpu.memory_space<semaphore_mem>>
      %dma_start3A = arith.constant 0 : i32
      %dma_start3A_64 = arith.constant 0 : i32
      %dma_start3A_65 = tpu.memref_slice %arg6[%dma_start3A, %dma_start3A_64] : memref<128x128xf32, #tpu.memory_space<vmem>> -> memref<64x128xf32, #tpu.memory_space<vmem>>
      %dma_start3A_66 = arith.constant 0 : i32
      %dma_start3A_67 = tpu.memref_slice %arg3[%arg0, %add3A_59, %dma_start3A_66] : memref<2x10112x128xf32, #tpu.memory_space<hbm>> -> memref<1x64x128xf32, #tpu.memory_space<hbm>>
      %dma_start3A_68 = tpu.memref_squeeze %dma_start3A_67 : memref<1x64x128xf32, #tpu.memory_space<hbm>> -> memref<64x128xf32, #tpu.memory_space<hbm>>
      %dma_start3A_69 = arith.constant 0 : i32
      %dma_start3A_70 = tpu.memref_slice %arg3[%arg0, %add3A_59, %dma_start3A_69] : memref<2x10112x128xf32, #tpu.memory_space<hbm>> -> memref<1x64x128xf32, #tpu.memory_space<hbm>>
      %dma_start3A_71 = tpu.memref_squeeze %dma_start3A_70 : memref<1x64x128xf32, #tpu.memory_space<hbm>> -> memref<64x128xf32, #tpu.memory_space<hbm>>
      %dma_start3A_72 = arith.constant 0 : i32
      %dma_start3A_73 = arith.constant 0 : i32
      %dma_start3A_74 = tpu.memref_slice %arg6[%dma_start3A_72, %dma_start3A_73] : memref<128x128xf32, #tpu.memory_space<vmem>> -> memref<64x128xf32, #tpu.memory_space<vmem>>
      tpu.enqueue_dma source(%dma_start3A_74 : memref<64x128xf32, #tpu.memory_space<vmem>>) target(%dma_start3A_71 : memref<64x128xf32, #tpu.memory_space<hbm>>) target_semaphore(%run_scoped3A : memref<!tpu.dma_semaphore, #tpu.memory_space<semaphore_mem>>)
      %dma_wait3A = arith.constant 0 : i32
      %dma_wait3A_75 = arith.constant 0 : i32
      %dma_wait3A_76 = tpu.memref_slice %arg6[%dma_wait3A, %dma_wait3A_75] : memref<128x128xf32, #tpu.memory_space<vmem>> -> memref<64x128xf32, #tpu.memory_space<vmem>>
      %dma_wait3A_77 = arith.constant 0 : i32
      %dma_wait3A_78 = tpu.memref_slice %arg3[%arg0, %add3A_59, %dma_wait3A_77] : memref<2x10112x128xf32, #tpu.memory_space<hbm>> -> memref<1x64x128xf32, #tpu.memory_space<hbm>>
      %dma_wait3A_79 = tpu.memref_squeeze %dma_wait3A_78 : memref<1x64x128xf32, #tpu.memory_space<hbm>> -> memref<64x128xf32, #tpu.memory_space<hbm>>
      %dma_wait3A_80 = arith.constant 0 : i32
      %dma_wait3A_81 = tpu.memref_slice %arg3[%arg0, %add3A_59, %dma_wait3A_80] : memref<2x10112x128xf32, #tpu.memory_space<hbm>> -> memref<1x64x128xf32, #tpu.memory_space<hbm>>
      %dma_wait3A_82 = tpu.memref_squeeze %dma_wait3A_81 : memref<1x64x128xf32, #tpu.memory_space<hbm>> -> memref<64x128xf32, #tpu.memory_space<hbm>>
      %dma_wait3A_83 = arith.constant 0 : i32
      %dma_wait3A_84 = arith.constant 0 : i32
      %dma_wait3A_85 = tpu.memref_slice %arg6[%dma_wait3A_83, %dma_wait3A_84] : memref<128x128xf32, #tpu.memory_space<vmem>> -> memref<64x128xf32, #tpu.memory_space<vmem>>
      tpu.wait_dma2 semaphore(%run_scoped3A : memref<!tpu.dma_semaphore, #tpu.memory_space<semaphore_mem>>) src(%dma_wait3A_85 : memref<64x128xf32, #tpu.memory_space<vmem>>) dst(%dma_wait3A_82 : memref<64x128xf32, #tpu.memory_space<hbm>>)
      tpu.yield
    }) : () -> ()
    %add3A_60 = arith.constant 512 : i32
    %add3A_61 = arith.addi %mul3A_2, %add3A_60 : i32
    "tpu.region"() ({
      %run_scoped3A = tpu.sem_alloc : memref<!tpu.dma_semaphore, #tpu.memory_space<semaphore_mem>>
      %dma_start3A = arith.constant 0 : i32
      %dma_start3A_64 = arith.constant 0 : i32
      %dma_start3A_65 = tpu.memref_slice %arg6[%dma_start3A, %dma_start3A_64] : memref<128x128xf32, #tpu.memory_space<vmem>> -> memref<64x128xf32, #tpu.memory_space<vmem>>
      %dma_start3A_66 = arith.constant 0 : i32
      %dma_start3A_67 = tpu.memref_slice %arg4[%add3A_61, %dma_start3A_66] : memref<10112x128xf32, #tpu.memory_space<vmem_shared>> -> memref<64x128xf32, #tpu.memory_space<vmem_shared>>
      %dma_start3A_68 = arith.constant 0 : i32
      %dma_start3A_69 = arith.constant 0 : i32
      %dma_start3A_70 = tpu.memref_slice %arg6[%dma_start3A_68, %dma_start3A_69] : memref<128x128xf32, #tpu.memory_space<vmem>> -> memref<64x128xf32, #tpu.memory_space<vmem>>
      %dma_start3A_71 = arith.constant 0 : i32
      %dma_start3A_72 = tpu.memref_slice %arg4[%add3A_61, %dma_start3A_71] : memref<10112x128xf32, #tpu.memory_space<vmem_shared>> -> memref<64x128xf32, #tpu.memory_space<vmem_shared>>
      tpu.enqueue_dma source(%dma_start3A_72 : memref<64x128xf32, #tpu.memory_space<vmem_shared>>) target(%dma_start3A_70 : memref<64x128xf32, #tpu.memory_space<vmem>>) target_semaphore(%run_scoped3A : memref<!tpu.dma_semaphore, #tpu.memory_space<semaphore_mem>>)
      %dma_wait3A = arith.constant 0 : i32
      %dma_wait3A_73 = arith.constant 0 : i32
      %dma_wait3A_74 = tpu.memref_slice %arg6[%dma_wait3A, %dma_wait3A_73] : memref<128x128xf32, #tpu.memory_space<vmem>> -> memref<64x128xf32, #tpu.memory_space<vmem>>
      %dma_wait3A_75 = arith.constant 0 : i32
      %dma_wait3A_76 = tpu.memref_slice %arg4[%add3A_61, %dma_wait3A_75] : memref<10112x128xf32, #tpu.memory_space<vmem_shared>> -> memref<64x128xf32, #tpu.memory_space<vmem_shared>>
      %dma_wait3A_77 = arith.constant 0 : i32
      %dma_wait3A_78 = arith.constant 0 : i32
      %dma_wait3A_79 = tpu.memref_slice %arg6[%dma_wait3A_77, %dma_wait3A_78] : memref<128x128xf32, #tpu.memory_space<vmem>> -> memref<64x128xf32, #tpu.memory_space<vmem>>
      %dma_wait3A_80 = arith.constant 0 : i32
      %dma_wait3A_81 = tpu.memref_slice %arg4[%add3A_61, %dma_wait3A_80] : memref<10112x128xf32, #tpu.memory_space<vmem_shared>> -> memref<64x128xf32, #tpu.memory_space<vmem_shared>>
      tpu.wait_dma2 semaphore(%run_scoped3A : memref<!tpu.dma_semaphore, #tpu.memory_space<semaphore_mem>>) src(%dma_wait3A_81 : memref<64x128xf32, #tpu.memory_space<vmem_shared>>) dst(%dma_wait3A_79 : memref<64x128xf32, #tpu.memory_space<vmem>>)
      tpu.yield
    }) : () -> ()
    "tpu.region"() ({
      %run_scoped3A = tpu.sem_alloc : memref<!tpu.dma_semaphore, #tpu.memory_space<semaphore_mem>>
      %dma_start3A = arith.constant 0 : i32
      %dma_start3A_64 = arith.constant 0 : i32
      %dma_start3A_65 = tpu.memref_slice %arg6[%dma_start3A, %dma_start3A_64] : memref<128x128xf32, #tpu.memory_space<vmem>> -> memref<64x128xf32, #tpu.memory_space<vmem>>
      %dma_start3A_66 = arith.constant 0 : i32
      %dma_start3A_67 = tpu.memref_slice %arg3[%arg0, %add3A_61, %dma_start3A_66] : memref<2x10112x128xf32, #tpu.memory_space<hbm>> -> memref<1x64x128xf32, #tpu.memory_space<hbm>>
      %dma_start3A_68 = tpu.memref_squeeze %dma_start3A_67 : memref<1x64x128xf32, #tpu.memory_space<hbm>> -> memref<64x128xf32, #tpu.memory_space<hbm>>
      %dma_start3A_69 = arith.constant 0 : i32
      %dma_start3A_70 = tpu.memref_slice %arg3[%arg0, %add3A_61, %dma_start3A_69] : memref<2x10112x128xf32, #tpu.memory_space<hbm>> -> memref<1x64x128xf32, #tpu.memory_space<hbm>>
      %dma_start3A_71 = tpu.memref_squeeze %dma_start3A_70 : memref<1x64x128xf32, #tpu.memory_space<hbm>> -> memref<64x128xf32, #tpu.memory_space<hbm>>
      %dma_start3A_72 = arith.constant 0 : i32
      %dma_start3A_73 = arith.constant 0 : i32
      %dma_start3A_74 = tpu.memref_slice %arg6[%dma_start3A_72, %dma_start3A_73] : memref<128x128xf32, #tpu.memory_space<vmem>> -> memref<64x128xf32, #tpu.memory_space<vmem>>
      tpu.enqueue_dma source(%dma_start3A_74 : memref<64x128xf32, #tpu.memory_space<vmem>>) target(%dma_start3A_71 : memref<64x128xf32, #tpu.memory_space<hbm>>) target_semaphore(%run_scoped3A : memref<!tpu.dma_semaphore, #tpu.memory_space<semaphore_mem>>)
      %dma_wait3A = arith.constant 0 : i32
      %dma_wait3A_75 = arith.constant 0 : i32
      %dma_wait3A_76 = tpu.memref_slice %arg6[%dma_wait3A, %dma_wait3A_75] : memref<128x128xf32, #tpu.memory_space<vmem>> -> memref<64x128xf32, #tpu.memory_space<vmem>>
      %dma_wait3A_77 = arith.constant 0 : i32
      %dma_wait3A_78 = tpu.memref_slice %arg3[%arg0, %add3A_61, %dma_wait3A_77] : memref<2x10112x128xf32, #tpu.memory_space<hbm>> -> memref<1x64x128xf32, #tpu.memory_space<hbm>>
      %dma_wait3A_79 = tpu.memref_squeeze %dma_wait3A_78 : memref<1x64x128xf32, #tpu.memory_space<hbm>> -> memref<64x128xf32, #tpu.memory_space<hbm>>
      %dma_wait3A_80 = arith.constant 0 : i32
      %dma_wait3A_81 = tpu.memref_slice %arg3[%arg0, %add3A_61, %dma_wait3A_80] : memref<2x10112x128xf32, #tpu.memory_space<hbm>> -> memref<1x64x128xf32, #tpu.memory_space<hbm>>
      %dma_wait3A_82 = tpu.memref_squeeze %dma_wait3A_81 : memref<1x64x128xf32, #tpu.memory_space<hbm>> -> memref<64x128xf32, #tpu.memory_space<hbm>>
      %dma_wait3A_83 = arith.constant 0 : i32
      %dma_wait3A_84 = arith.constant 0 : i32
      %dma_wait3A_85 = tpu.memref_slice %arg6[%dma_wait3A_83, %dma_wait3A_84] : memref<128x128xf32, #tpu.memory_space<vmem>> -> memref<64x128xf32, #tpu.memory_space<vmem>>
      tpu.wait_dma2 semaphore(%run_scoped3A : memref<!tpu.dma_semaphore, #tpu.memory_space<semaphore_mem>>) src(%dma_wait3A_85 : memref<64x128xf32, #tpu.memory_space<vmem>>) dst(%dma_wait3A_82 : memref<64x128xf32, #tpu.memory_space<hbm>>)
      tpu.yield
    }) : () -> ()
    %add3A_62 = arith.constant 576 : i32
    %add3A_63 = arith.addi %mul3A_2, %add3A_62 : i32
    "tpu.region"() ({
      %run_scoped3A = tpu.sem_alloc : memref<!tpu.dma_semaphore, #tpu.memory_space<semaphore_mem>>
      %dma_start3A = arith.constant 0 : i32
      %dma_start3A_64 = arith.constant 0 : i32
      %dma_start3A_65 = tpu.memref_slice %arg6[%dma_start3A, %dma_start3A_64] : memref<128x128xf32, #tpu.memory_space<vmem>> -> memref<56x128xf32, #tpu.memory_space<vmem>>
      %dma_start3A_66 = arith.constant 0 : i32
      %dma_start3A_67 = tpu.memref_slice %arg4[%add3A_63, %dma_start3A_66] : memref<10112x128xf32, #tpu.memory_space<vmem_shared>> -> memref<56x128xf32, #tpu.memory_space<vmem_shared>>
      %dma_start3A_68 = arith.constant 0 : i32
      %dma_start3A_69 = arith.constant 0 : i32
      %dma_start3A_70 = tpu.memref_slice %arg6[%dma_start3A_68, %dma_start3A_69] : memref<128x128xf32, #tpu.memory_space<vmem>> -> memref<56x128xf32, #tpu.memory_space<vmem>>
      %dma_start3A_71 = arith.constant 0 : i32
      %dma_start3A_72 = tpu.memref_slice %arg4[%add3A_63, %dma_start3A_71] : memref<10112x128xf32, #tpu.memory_space<vmem_shared>> -> memref<56x128xf32, #tpu.memory_space<vmem_shared>>
      tpu.enqueue_dma source(%dma_start3A_72 : memref<56x128xf32, #tpu.memory_space<vmem_shared>>) target(%dma_start3A_70 : memref<56x128xf32, #tpu.memory_space<vmem>>) target_semaphore(%run_scoped3A : memref<!tpu.dma_semaphore, #tpu.memory_space<semaphore_mem>>)
      %dma_wait3A = arith.constant 0 : i32
      %dma_wait3A_73 = arith.constant 0 : i32
      %dma_wait3A_74 = tpu.memref_slice %arg6[%dma_wait3A, %dma_wait3A_73] : memref<128x128xf32, #tpu.memory_space<vmem>> -> memref<56x128xf32, #tpu.memory_space<vmem>>
      %dma_wait3A_75 = arith.constant 0 : i32
      %dma_wait3A_76 = tpu.memref_slice %arg4[%add3A_63, %dma_wait3A_75] : memref<10112x128xf32, #tpu.memory_space<vmem_shared>> -> memref<56x128xf32, #tpu.memory_space<vmem_shared>>
      %dma_wait3A_77 = arith.constant 0 : i32
      %dma_wait3A_78 = arith.constant 0 : i32
      %dma_wait3A_79 = tpu.memref_slice %arg6[%dma_wait3A_77, %dma_wait3A_78] : memref<128x128xf32, #tpu.memory_space<vmem>> -> memref<56x128xf32, #tpu.memory_space<vmem>>
      %dma_wait3A_80 = arith.constant 0 : i32
      %dma_wait3A_81 = tpu.memref_slice %arg4[%add3A_63, %dma_wait3A_80] : memref<10112x128xf32, #tpu.memory_space<vmem_shared>> -> memref<56x128xf32, #tpu.memory_space<vmem_shared>>
      tpu.wait_dma2 semaphore(%run_scoped3A : memref<!tpu.dma_semaphore, #tpu.memory_space<semaphore_mem>>) src(%dma_wait3A_81 : memref<56x128xf32, #tpu.memory_space<vmem_shared>>) dst(%dma_wait3A_79 : memref<56x128xf32, #tpu.memory_space<vmem>>)
      tpu.yield
    }) : () -> ()
    "tpu.region"() ({
      %run_scoped3A = tpu.sem_alloc : memref<!tpu.dma_semaphore, #tpu.memory_space<semaphore_mem>>
      %dma_start3A = arith.constant 0 : i32
      %dma_start3A_64 = arith.constant 0 : i32
      %dma_start3A_65 = tpu.memref_slice %arg6[%dma_start3A, %dma_start3A_64] : memref<128x128xf32, #tpu.memory_space<vmem>> -> memref<56x128xf32, #tpu.memory_space<vmem>>
      %dma_start3A_66 = arith.constant 0 : i32
      %dma_start3A_67 = tpu.memref_slice %arg3[%arg0, %add3A_63, %dma_start3A_66] : memref<2x10112x128xf32, #tpu.memory_space<hbm>> -> memref<1x56x128xf32, #tpu.memory_space<hbm>>
      %dma_start3A_68 = tpu.memref_squeeze %dma_start3A_67 : memref<1x56x128xf32, #tpu.memory_space<hbm>> -> memref<56x128xf32, #tpu.memory_space<hbm>>
      %dma_start3A_69 = arith.constant 0 : i32
      %dma_start3A_70 = tpu.memref_slice %arg3[%arg0, %add3A_63, %dma_start3A_69] : memref<2x10112x128xf32, #tpu.memory_space<hbm>> -> memref<1x56x128xf32, #tpu.memory_space<hbm>>
      %dma_start3A_71 = tpu.memref_squeeze %dma_start3A_70 : memref<1x56x128xf32, #tpu.memory_space<hbm>> -> memref<56x128xf32, #tpu.memory_space<hbm>>
      %dma_start3A_72 = arith.constant 0 : i32
      %dma_start3A_73 = arith.constant 0 : i32
      %dma_start3A_74 = tpu.memref_slice %arg6[%dma_start3A_72, %dma_start3A_73] : memref<128x128xf32, #tpu.memory_space<vmem>> -> memref<56x128xf32, #tpu.memory_space<vmem>>
      tpu.enqueue_dma source(%dma_start3A_74 : memref<56x128xf32, #tpu.memory_space<vmem>>) target(%dma_start3A_71 : memref<56x128xf32, #tpu.memory_space<hbm>>) target_semaphore(%run_scoped3A : memref<!tpu.dma_semaphore, #tpu.memory_space<semaphore_mem>>)
      %dma_wait3A = arith.constant 0 : i32
      %dma_wait3A_75 = arith.constant 0 : i32
      %dma_wait3A_76 = tpu.memref_slice %arg6[%dma_wait3A, %dma_wait3A_75] : memref<128x128xf32, #tpu.memory_space<vmem>> -> memref<56x128xf32, #tpu.memory_space<vmem>>
      %dma_wait3A_77 = arith.constant 0 : i32
      %dma_wait3A_78 = tpu.memref_slice %arg3[%arg0, %add3A_63, %dma_wait3A_77] : memref<2x10112x128xf32, #tpu.memory_space<hbm>> -> memref<1x56x128xf32, #tpu.memory_space<hbm>>
      %dma_wait3A_79 = tpu.memref_squeeze %dma_wait3A_78 : memref<1x56x128xf32, #tpu.memory_space<hbm>> -> memref<56x128xf32, #tpu.memory_space<hbm>>
      %dma_wait3A_80 = arith.constant 0 : i32
      %dma_wait3A_81 = tpu.memref_slice %arg3[%arg0, %add3A_63, %dma_wait3A_80] : memref<2x10112x128xf32, #tpu.memory_space<hbm>> -> memref<1x56x128xf32, #tpu.memory_space<hbm>>
      %dma_wait3A_82 = tpu.memref_squeeze %dma_wait3A_81 : memref<1x56x128xf32, #tpu.memory_space<hbm>> -> memref<56x128xf32, #tpu.memory_space<hbm>>
      %dma_wait3A_83 = arith.constant 0 : i32
      %dma_wait3A_84 = arith.constant 0 : i32
      %dma_wait3A_85 = tpu.memref_slice %arg6[%dma_wait3A_83, %dma_wait3A_84] : memref<128x128xf32, #tpu.memory_space<vmem>> -> memref<56x128xf32, #tpu.memory_space<vmem>>
      tpu.wait_dma2 semaphore(%run_scoped3A : memref<!tpu.dma_semaphore, #tpu.memory_space<semaphore_mem>>) src(%dma_wait3A_85 : memref<56x128xf32, #tpu.memory_space<vmem>>) dst(%dma_wait3A_82 : memref<56x128xf32, #tpu.memory_space<hbm>>)
      tpu.yield
    }) : () -> ()
    return
  }
}

module attributes {stable_mosaic.version = 14 : i64} {
  func.func @body(%arg0: i32, %arg1: memref<1000x128xf32, #tpu.memory_space<vmem>>, %arg2: memref<1000x128xf32, #tpu.memory_space<vmem>>, %arg3: memref<1000x128xf32, #tpu.memory_space<vmem>>, %arg4: memref<1000x128xf32, #tpu.memory_space<vmem>>, %arg5: memref<128x128xf32, #tpu.memory_space<vmem>>, %arg6: memref<1x128xf32, #tpu.memory_space<vmem>>, %arg7: memref<1x128xf32, #tpu.memory_space<vmem>>, %arg8: memref<1x128xf32, #tpu.memory_space<vmem>>, %arg9: memref<1000x128xf32, #tpu.memory_space<vmem>>) attributes {dimension_semantics = [#tpu.dimension_semantics<arbitrary>], iteration_bounds = array<i64: 10>, scalar_prefetch = 0 : i64, scratch_operands = 0 : i64, tpu.core_type = #tpu.core_type<tc>, window_params = [{transform_indices = @transform_0, window_bounds = array<i64: 1000, 128>}, {transform_indices = @transform_1, window_bounds = array<i64: 1000, 128>}, {transform_indices = @transform_2, window_bounds = array<i64: 1000, 128>}, {transform_indices = @transform_3, window_bounds = array<i64: 1000, 128>}, {pipeline_mode = #tpu.pipeline_mode<synchronous>, transform_indices = @transform_4, window_bounds = array<i64: 128, 128>}, {pipeline_mode = #tpu.pipeline_mode<synchronous>, transform_indices = @transform_5, window_bounds = array<i64: 1, 128>}, {pipeline_mode = #tpu.pipeline_mode<synchronous>, transform_indices = @transform_6, window_bounds = array<i64: 1, 128>}, {pipeline_mode = #tpu.pipeline_mode<synchronous>, transform_indices = @transform_7, window_bounds = array<i64: 1, 128>}, {transform_indices = @transform_8, window_bounds = array<i64: 1000, 128>}]} {
    %get3A = arith.constant 0 : index
    %get3A_0 = arith.constant 0 : index
    %get3A_1 = vector.load %arg1[%get3A, %get3A_0] : memref<1000x128xf32, #tpu.memory_space<vmem>>, vector<1000x128xf32>
    %get3A_2 = arith.constant 0 : index
    %get3A_3 = arith.constant 0 : index
    %get3A_4 = vector.load %arg2[%get3A_2, %get3A_3] : memref<1000x128xf32, #tpu.memory_space<vmem>>, vector<1000x128xf32>
    %add3A = arith.addf %get3A_1, %get3A_4 : vector<1000x128xf32>
    %get3A_5 = arith.constant 0 : index
    %get3A_6 = arith.constant 0 : index
    %get3A_7 = vector.load %arg3[%get3A_5, %get3A_6] : memref<1000x128xf32, #tpu.memory_space<vmem>>, vector<1000x128xf32>
    %get3A_8 = arith.constant 0 : index
    %get3A_9 = arith.constant 0 : index
    %get3A_10 = vector.load %arg4[%get3A_8, %get3A_9] : memref<1000x128xf32, #tpu.memory_space<vmem>>, vector<1000x128xf32>
    %add3A_11 = arith.addf %get3A_7, %get3A_10 : vector<1000x128xf32>
    %get3A_12 = arith.constant 0 : index
    %get3A_13 = arith.constant 0 : index
    %get3A_14 = vector.load %arg5[%get3A_12, %get3A_13] : memref<128x128xf32, #tpu.memory_space<vmem>>, vector<128x128xf32>
    %dot_general3A = arith.constant dense<0.000000e+00> : vector<1000x128xf32>
    %dot_general3A_15 = tpu.matmul %add3A, %get3A_14, %dot_general3A {dimension_numbers = #tpu.dot_dimension_numbers<[1], [1], [0], [0], [0, 0, 1, 0], [], []>, transpose_lhs_hint = false} : vector<1000x128xf32>, vector<128x128xf32>, vector<1000x128xf32> -> vector<1000x128xf32>
    %get3A_16 = arith.constant 0 : index
    %get3A_17 = arith.constant 0 : index
    %get3A_18 = vector.load %arg6[%get3A_16, %get3A_17] : memref<1x128xf32, #tpu.memory_space<vmem>>, vector<1x128xf32>
    %mul3A = vector.broadcast %get3A_18 : vector<1x128xf32> to vector<1000x128xf32>
    %mul3A_19 = arith.mulf %add3A_11, %mul3A : vector<1000x128xf32>
    %add3A_20 = arith.addf %dot_general3A_15, %mul3A_19 : vector<1000x128xf32>
    %add3A_21 = arith.constant 9.99999997E-7 : f32
    %add3A_22 = vector.broadcast %add3A_21 : f32 to vector<1000x128xf32>
    %add3A_23 = arith.addf %add3A_11, %add3A_22 : vector<1000x128xf32>
    %div3A = arith.divf %add3A_20, %add3A_23 : vector<1000x128xf32>
    %max3A = arith.constant 0.000000e+00 : f32
    %max3A_24 = vector.broadcast %max3A : f32 to vector<1000x128xf32>
    %max3A_25 = arith.maximumf %div3A, %max3A_24 : vector<1000x128xf32>
    %reduce_sum3A = arith.constant dense<0.000000e+00> : vector<1000xf32>
    %reduce_sum3A_26 = vector.multi_reduction <add>, %max3A_25, %reduce_sum3A [1] : vector<1000x128xf32> to vector<1000xf32>
    %broadcast_in_dim3A = vector.shape_cast %reduce_sum3A_26 : vector<1000xf32> to vector<1000x1xf32>
    %div3A_27 = arith.constant 1.280000e+02 : f32
    %div3A_28 = vector.broadcast %div3A_27 : f32 to vector<1000x1xf32>
    %div3A_29 = arith.divf %broadcast_in_dim3A, %div3A_28 : vector<1000x1xf32>
    %sub3A = vector.broadcast %div3A_29 : vector<1000x1xf32> to vector<1000x128xf32>
    %sub3A_30 = arith.subf %max3A_25, %sub3A : vector<1000x128xf32>
    %mul3A_31 = arith.mulf %sub3A_30, %sub3A_30 : vector<1000x128xf32>
    %reduce_sum3A_32 = arith.constant dense<0.000000e+00> : vector<1000xf32>
    %reduce_sum3A_33 = vector.multi_reduction <add>, %mul3A_31, %reduce_sum3A_32 [1] : vector<1000x128xf32> to vector<1000xf32>
    %broadcast_in_dim3A_34 = vector.shape_cast %reduce_sum3A_33 : vector<1000xf32> to vector<1000x1xf32>
    %div3A_35 = arith.constant 1.280000e+02 : f32
    %div3A_36 = vector.broadcast %div3A_35 : f32 to vector<1000x1xf32>
    %div3A_37 = arith.divf %broadcast_in_dim3A_34, %div3A_36 : vector<1000x1xf32>
    %add3A_38 = arith.constant 9.99999974E-6 : f32
    %add3A_39 = vector.broadcast %add3A_38 : f32 to vector<1000x1xf32>
    %add3A_40 = arith.addf %div3A_37, %add3A_39 : vector<1000x1xf32>
    %rsqrt3A = math.rsqrt %add3A_40 : vector<1000x1xf32>
    %mul3A_41 = vector.broadcast %rsqrt3A : vector<1000x1xf32> to vector<1000x128xf32>
    %mul3A_42 = arith.mulf %sub3A_30, %mul3A_41 : vector<1000x128xf32>
    %get3A_43 = arith.constant 0 : index
    %get3A_44 = arith.constant 0 : index
    %get3A_45 = vector.load %arg7[%get3A_43, %get3A_44] : memref<1x128xf32, #tpu.memory_space<vmem>>, vector<1x128xf32>
    %mul3A_46 = vector.broadcast %get3A_45 : vector<1x128xf32> to vector<1000x128xf32>
    %mul3A_47 = arith.mulf %mul3A_42, %mul3A_46 : vector<1000x128xf32>
    %get3A_48 = arith.constant 0 : index
    %get3A_49 = arith.constant 0 : index
    %get3A_50 = vector.load %arg8[%get3A_48, %get3A_49] : memref<1x128xf32, #tpu.memory_space<vmem>>, vector<1x128xf32>
    %add3A_51 = vector.broadcast %get3A_50 : vector<1x128xf32> to vector<1000x128xf32>
    %add3A_52 = arith.addf %mul3A_47, %add3A_51 : vector<1000x128xf32>
    %swap3A = arith.constant 0 : index
    %swap3A_53 = arith.constant 0 : index
    %swap3A_54 = vector.load %arg9[%swap3A, %swap3A_53] : memref<1000x128xf32, #tpu.memory_space<vmem>>, vector<1000x128xf32>
    tpu.vector_store %arg9[%swap3A, %swap3A_53], %add3A_52 {strides = array<i32>} : memref<1000x128xf32, #tpu.memory_space<vmem>>, vector<1000x128xf32>,
    return
  }
  func.func @transform_0(%arg0: i32) -> (i32, i32) {
    %c0_i32 = arith.constant 0 : i32
    %c0_i32_0 = arith.constant 0 : i32
    return %arg0, %c0_i32 : i32, i32
  }
  func.func @transform_1(%arg0: i32) -> (i32, i32) {
    %c0_i32 = arith.constant 0 : i32
    %c0_i32_0 = arith.constant 0 : i32
    return %arg0, %c0_i32 : i32, i32
  }
  func.func @transform_2(%arg0: i32) -> (i32, i32) {
    %c0_i32 = arith.constant 0 : i32
    %c0_i32_0 = arith.constant 0 : i32
    return %arg0, %c0_i32 : i32, i32
  }
  func.func @transform_3(%arg0: i32) -> (i32, i32) {
    %c0_i32 = arith.constant 0 : i32
    %c0_i32_0 = arith.constant 0 : i32
    return %arg0, %c0_i32 : i32, i32
  }
  func.func @transform_4(%arg0: i32) -> (i32, i32) {
    %c0_i32 = arith.constant 0 : i32
    %c0_i32_0 = arith.constant 0 : i32
    %c0_i32_1 = arith.constant 0 : i32
    return %c0_i32, %c0_i32_0 : i32, i32
  }
  func.func @transform_5(%arg0: i32) -> (i32, i32) {
    %c0_i32 = arith.constant 0 : i32
    %c0_i32_0 = arith.constant 0 : i32
    %c0_i32_1 = arith.constant 0 : i32
    return %c0_i32, %c0_i32_0 : i32, i32
  }
  func.func @transform_6(%arg0: i32) -> (i32, i32) {
    %c0_i32 = arith.constant 0 : i32
    %c0_i32_0 = arith.constant 0 : i32
    %c0_i32_1 = arith.constant 0 : i32
    return %c0_i32, %c0_i32_0 : i32, i32
  }
  func.func @transform_7(%arg0: i32) -> (i32, i32) {
    %c0_i32 = arith.constant 0 : i32
    %c0_i32_0 = arith.constant 0 : i32
    %c0_i32_1 = arith.constant 0 : i32
    return %c0_i32, %c0_i32_0 : i32, i32
  }
  func.func @transform_8(%arg0: i32) -> (i32, i32) {
    %c0_i32 = arith.constant 0 : i32
    %c0_i32_0 = arith.constant 0 : i32
    return %arg0, %c0_i32 : i32, i32
  }
}

</mosaic_0001>

<sc_bundles>
// kernel: kernel.5.cloned.1.call-start
scs
__scs_entry_jumppad:
0x0: {  	(pc) =	sbr.rel $0x88, $3  }
0x1: {  	(tag) =	ssettag $0x0;
	lr =	simm.s32 $0x1  }
0x2: {  	[smem:$0x3F9A] =	sst lr;
	_ =	strace $0xD0000000  }
0x3: {  	_ = 	snop  }
0x4: {  	_ = 	snop  }
0x5: {  	_ = 	snop  }
0x6: {  	_ = 	snop  }
0x7: {  	_ = 	snop  }
__scs_overlays_trampoline_lowered:
0x8: {  	[smem:$0x3FA9] =	sst s0  }
0x9: {  	[smem:$0x3FAA] =	sst s1  }
0xa: {  	[smem:$0x3FAB] =	sst s2  }
0xb: {  	[smem:$0x3FAC] =	sst s3  }
0xc: {  	[smem:$0x3FAD] =	sst s4  }
0xd: {  	[smem:$0x3FAE] =	sst s5  }
0xe: {  	[smem:$0x3FAF] =	sst s6  }
0xf: {  	[smem:$0x3FB0] =	sst s7  }
0x10: {  	[smem:$0x3FB1] =	sst s8  }
0x11: {  	[smem:$0x3FB2] =	sst s9;
	s0 =	simm.s32 @!p0 $0x0  }
0x12: {  	s1 =	sld [smem:$0x3F98];
	s0 =	simm.s32 @p0 $0x1  }
0x13: {  	[smem:$0x3FB3] =	sst s0;
	s0 =	simm.s32 @!p1 $0x0  }
0x14: {  	s2 =	sld [smem:$0x3F97];
	s0 =	simm.s32 @p1 $0x1  }
0x15: {  	[smem:$0x3FB4] =	sst s0;
	s0 =	simm.s32 @!p2 $0x0  }
0x16: {  	s3 =	sld [smem:$0x3FDB];
	s0 =	simm.s32 @p2 $0x1  }
0x17: {  	s4 =	simm.s32 $0x1BF5;
	[smem:$0x3FB6] =	sst s0  }
0x18: {  	s0 =	sld [smem:$0x3F99];
	_ =	swait.ge [sflag:s4], $0x0  }
0x19: {  	s7 =	sld [smem:$0x3F9A]  }
0x1a: {  	s8 =	sadd.s32 $0xFFFFE003, lr  }
0x1b: {  	s9 =	sadd.s32 $0xFFFFFEF7, lr;
	s5 =	simm.s32 $0xFFFFFFFF;
	p2 =	slt.u32 s8, $0xFFFFF086  }
0x1c: {  	p1 =	slt.u32 s9, $0xF7A;
	s5 =	simm.s32 @!p2 $0x0  }
0x1d: {  	s5 =	simm.s32 @p1 $0x1;
	p0 =	seq.s32 s7, s2  }
0x1e: {  	s7 =	smul.u32 @!p0 $0xF7A, s2;
	p2 =	seq.s32 @!p0 s5, $0x0  }
0x1f: {  	s9 =	smul.u32 $0xF7A, s1;
	s8 =	simm.s32 @!p0 $0x1BF5;
	p2 =	por !p2, p0  }
0x20: {  	[sflag:s8] =	ssyncset.s32 @!p0 $0xFFFFF086;
	s6 =	sadd.s32 @!p0 s3, s7;
	s7 =	simm.s32 @!p0 $0x108  }
0x21: {  	s3 =	sadd.s32 s3, s9;
	s6 =	sadd.s32 @!p0 $0x88, s6;
	s7 =	simm.s32 @p2 $0x1082  }
0x22: {  	[simem:s7], [sflag:s8] =	dma.local @!p0 [hbm:s6], $0xF7A  }
0x23: {  	s9 =	sor.u32 $0xD0000000, s2;
	s6 =	simm.s32 $0x108;
	_ =	swait.ge @!p0 [sflag:s8], $0x0  }
0x24: {  	s3 =	sadd.s32 $0x88, s3;
	s6 =	simm.s32 @!p1 $0x1082;
	[sflag:s4] =	ssyncset.s32 $0xFFFFF086  }
0x25: {  	[simem:s6], [sflag:s4] =	dma.local [hbm:s3], $0xF7A  }
0x26: {  	[smem:$0x3F9A] =	sst s1;
	(tag) =	ssettag s2;
	_ =	strace s9  }
0x27: {  	s1 =	sld [smem:$0x3FAA]  }
0x28: {  	s2 =	sld [smem:$0x3FAB]  }
0x29: {  	s4 =	sld [smem:$0x3FAD]  }
0x2a: {  	p0 =	seq.s32 s5, $0x0;
	s5 =	sld [smem:$0x3FAE]  }
0x2b: {  	s6 =	sld [smem:$0x3FAF]  }
0x2c: {  	s7 =	sld [smem:$0x3FB0]  }
0x2d: {  	s3 =	simm.s32 $0x108;
	s8 =	sld [smem:$0x3FB1]  }
0x2e: {  	s3 =	simm.s32 @!p0 $0x1082;
	s9 =	sld [smem:$0x3FB2]  }
0x2f: {  	lr =	sadd.s32 s0, s3;
	s0 =	sld [smem:$0x3FA9]  }
0x30: {  	s3 =	sld [smem:$0x3FAC]  }
0x31: {  	[smem:$0x3FB5] =	sst s10  }
0x32: {  	s10 =	sld [smem:$0x3FB3];
	_ =	sdelay $0x3  }
0x33: {  	p0 =	seq.s32 s10, $0x1;
	s10 =	sld [smem:$0x3FB5];
	_ =	sdelay $0x3  }
0x34: {  	[smem:$0x3FB5] =	sst s10  }
0x35: {  	s10 =	sld [smem:$0x3FB4];
	_ =	sdelay $0x3  }
0x36: {  	p1 =	seq.s32 s10, $0x1;
	s10 =	sld [smem:$0x3FB5];
	_ =	sdelay $0x3  }
0x37: {  	[smem:$0x3FB5] =	sst s10  }
0x38: {  	s10 =	sld [smem:$0x3FB6]  }
0x39: {  	_ = 	snop;
	(pc) =	sbr.ind lr, $3  }
0x3a: {  	_ = 	snop  }
0x3b: {  	_ = 	snop  }
0x3c: {  	p2 =	seq.s32 s10, $0x1;
	s10 =	sld [smem:$0x3FB5]  }
0x3d: {  	_ =	shalt  }
0x3e: {  	_ =	shalt  }
0x3f: {  	_ =	shalt  }
0x40: {  	_ =	shalt  }
0x41: {  	_ =	shalt  }
0x42: {  	_ =	shalt  }
0x43: {  	_ =	shalt  }
0x44: {  	_ =	shalt  }
0x45: {  	_ =	shalt  }
0x46: {  	_ =	shalt  }
0x47: {  	_ =	shalt  }
0x48: {  	_ =	shalt  }
0x49: {  	_ =	shalt  }
0x4a: {  	_ =	shalt  }
0x4b: {  	_ =	shalt  }
0x4c: {  	_ =	shalt  }
0x4d: {  	_ =	shalt  }
0x4e: {  	_ =	shalt  }
0x4f: {  	_ =	shalt  }
0x50: {  	_ =	shalt  }
0x51: {  	_ =	shalt  }
0x52: {  	_ =	shalt  }
0x53: {  	_ =	shalt  }
0x54: {  	_ =	shalt  }
0x55: {  	_ =	shalt  }
0x56: {  	_ =	shalt  }
0x57: {  	_ =	shalt  }
0x58: {  	_ =	shalt  }
0x59: {  	_ =	shalt  }
0x5a: {  	_ =	shalt  }
0x5b: {  	_ =	shalt  }
0x5c: {  	_ =	shalt  }
0x5d: {  	_ =	shalt  }
0x5e: {  	_ =	shalt  }
0x5f: {  	_ =	shalt  }
0x60: {  	_ =	shalt  }
0x61: {  	_ =	shalt  }
0x62: {  	_ =	shalt  }
0x63: {  	_ =	shalt  }
0x64: {  	_ =	shalt  }
0x65: {  	_ =	shalt  }
0x66: {  	_ =	shalt  }
0x67: {  	_ =	shalt  }
0x68: {  	_ =	shalt  }
0x69: {  	_ =	shalt  }
0x6a: {  	_ =	shalt  }
0x6b: {  	_ =	shalt  }
0x6c: {  	_ =	shalt  }
0x6d: {  	_ =	shalt  }
0x6e: {  	_ =	shalt  }
0x6f: {  	_ =	shalt  }
0x70: {  	_ =	shalt  }
0x71: {  	_ =	shalt  }
0x72: {  	_ =	shalt  }
0x73: {  	_ =	shalt  }
0x74: {  	_ =	shalt  }
0x75: {  	_ =	shalt  }
0x76: {  	_ =	shalt  }
0x77: {  	_ =	shalt  }
0x78: {  	_ =	shalt  }
0x79: {  	_ =	shalt  }
0x7a: {  	_ =	shalt  }
0x7b: {  	_ =	shalt  }
0x7c: {  	_ =	shalt  }
0x7d: {  	_ =	shalt  }
0x7e: {  	_ =	shalt  }
0x7f: {  	_ =	shalt  }
0x80: {  	_ =	shalt  }
0x81: {  	_ =	shalt  }
0x82: {  	_ =	shalt  }
0x83: {  	_ =	shalt  }
0x84: {  	_ =	shalt  }
0x85: {  	_ =	shalt  }
0x86: {  	_ =	shalt  }
0x87: {  	_ =	shalt  }
.Lfunc_end0:
.L_simem_size_0:
called_computation_lowered:
.L_overlay_start_0:
0x88: {  	s2 =	sld [smem:$0x3FD9]  }
0x89: {  	s3 =	sld [smem:$0x3FFE];
	_ =	sdelay $0x1  }
0x8a: {  	s1 =	srdreg.scid  }
0x8b: {  	s0 =	sand.u32 $0x1, s1  }
0x8c: {  	s17 =	sshll.u32 s0, $0xA;
	s2 =	sadd.s32 s3, s2  }
0x8d: {  	s2 =	sadd.s32 s2, s17  }
0x8e: {  	[smem:$0x3FC1] =	sst s2  }
0x8f: {  	_ = 	snop  }
0x90: {  	s2 =	sld [smem:$0x3FC9]  }
0x91: {  	s18 =	sld [smem:$0x3FD0];
	(tm) =	ssettm $0x1  }
0x92: {  	s4 =	sld [smem:$0x3FFB];
	_ =	sdelay $0x3  }
0x93: {  	_ =	strace s4  }
0x94: {  	s4 =	sld [smem:$0x3FFC];
	_ =	sdelay $0x3  }
0x95: {  	_ =	strace s4  }
0x96: {  	s4 =	sld [smem:$0x3FFD];
	_ =	sdelay $0x3  }
0x97: {  	_ =	strace s4  }
0x98: {  	_ =	strace $0x8FFFFFFF  }
0x99: {  	s19 =	sld [smem:$0x3FDB];
	_ =	sdelay $0x1  }
0x9a: {  	s5 =	simm.s32 $_scs_section_size  }
0x9b: {  	s6 =	simm.s32 $_size__tile_overlayer_lowered;
	s7 =	simm.s32 $_tile_overlayer_lowered  }
0x9c: {  	s22 =	simm.s32 $0x1BFF;
	s21 =	sshll.u32 s7, $0x1;
	s4 =	sadd.s32 s5, s19  }
0x9d: {  	s8 =	simm.s32 $0x0;
	s20 =	sshll.u32 s6, $0x1;
	s6 =	sadd.s32 s21, s4  }
0x9e: {  	[timem:s8], [sflag:s22] =	dma.local [hbm:s6], s20  }
0x9f: {  	_ =	swait.ge [sflag:s22], s20  }
0xa0: {  	s5 =	ssub.s32 $0x0, s20;
	[sflag:s22] =	ssyncset.done $0x0  }
0xa1: {  	[sflag:s22] =	ssyncadd.s32 s5;
	_ =	sdelay $0x1  }
0xa2: {  	s23 =	simm.s32 $0x1B8B  }
0xa3: {  	_ =	swait.ge [sflag:s23], $0x1  }
0xa4: {  	[sflag:s23] =	ssyncset.done $0x0  }
0xa5: {  	s25 =	simm.s32 $0x1B8E;
	s24 =	sld [smem:$0x3FFE];
	[sflag:s23] =	ssyncadd.s32 $0xFFFFFFFF  }
0xa6: {  	s26 =	simm.s32 $execute0_lowered;
	[smem:$0x3FD2] =	sst s25  }
0xa7: {  	s6 =	sshll.u32 s26, $0x1;
	_ =	strace $0x80000046;
	[dreg:$0x1] =	wrdreg $0xFFFFFFFF  }
0xa8: {  	s28 =	simm.s32 $_size_execute0_lowered;
	s4 =	sadd.s32 s4, s6;
	[dreg:$0x0] =	wrdreg $0x0  }
0xa9: {  	s6 =	sshll.u32 s28, $0x1;
	[dreg:$0x2] =	wrdreg s4  }
0xaa: {  	[dreg:$0x3] =	wrdreg s6  }
0xab: {  	[dreg:$0x4] =	wrdreg $0xC0  }
0xac: {  	_ =	task [dreg:s8], $0x5FFFF  }
0xad: {  	[dreg:$0x1] =	wrdreg $0xFFFFFFFF  }
0xae: {  	[dreg:$0x0] =	wrdreg $0x60  }
0xaf: {  	[dreg:$0x2] =	wrdreg s2  }
0xb0: {  	[dreg:$0x3] =	wrdreg s18  }
0xb1: {  	[dreg:$0x4] =	wrdreg s24  }
0xb2: {  	[dreg:$0x5] =	wrdreg $0x0  }
0xb3: {  	[dreg:$0x6] =	wrdreg $0x9  }
0xb4: {  	_ =	task.clear_ibuf [dreg:s8], $0x7FFFF;
	_ =	strace $0x90000046  }
0xb5: {  	s29 =	simm.s32 $0x9;
	_ =	strace $0x80000048  }
0xb6: {  	_ =	swait.ge [sflag:s29], $0x1  }
0xb7: {  	[sflag:s29] =	ssyncadd.s32 $0xFFFFFFFF  }
0xb8: {  	_ =	strace $0x90000048  }
0xb9: {  	_ =	sfence  }
0xba: {  	s30 =	sld [smem:$0x0];
	_ =	sdelay $0x2  }
0xbb: {  	s31 =	sshll.u32 s1, $0xD;
	s1 =	sshrl.u32 s1, $0x2  }
0xbc: {  	s3 =	sand.u32 $0x4000, s31;
	s1 =	sadd.s32 s1, s30  }
0xbd: {  	s0 =	sor.u32 s3, s0;
	s1 =	sshll.u32 s1, $0x11  }
0xbe: {  	s0 =	sor.u32 s1, s0  }
0xbf: {  	s0 =	sadd.s32 $0x8F2B, s0  }
0xc0: {  	[sflag:s0] =	ssyncadd.remote.s32 $0x1  }
0xc1: {  	_ =	sfence.sel $0xFFFF  }
0xc2: {  	[dreg:$0x0] =	wrdreg $0xFFFFFFFF;
	(pc) =	sbr.abs _section_cstart, $3  }
0xc3: {  	[dreg:$0x1] =	wrdreg $0xFFFFFFFF  }
0xc4: {  	_ =	task.clear_ibuf [dreg:s8], $0x2FFFF;
	_ =	strace $0x9FFFFFFF  }
0xc5: {  	(tm) =	ssettm $0x7FFFFFFF  }
tec
execute0_lowered:
.L_overlay_start_1:
0x0: {  	(tag) =	ssettag $0x1  }
0x1: {  	s1 =	rddreg [dreg:$0x0]  }
0x2: {  	s0 =	srdreg.scid;
	s3 =	rddreg [dreg:$0x1]  }
0x3: {  	s9 =	stileid.u32;
	s5 =	rddreg [dreg:$0x2];
	s29 =	simm.s32 $0x1DC00  }
0x4: {  	s30 =	simm.s32 $0x2;
	s31 =	simm.s32 $0x1;
	s7 =	smul.u32 $0x4F000, s9  }
0x5: {  	s0 =	sand.u32 $0x1, s0;
	s2 =	sshll.u32 s9, $0x1;
	s9 =	smul.u32 $0x13C00, s9  }
0x6: {  	s4 =	sor.u32 s0, s2;
	s6 =	ssub.s32 $0x2, s0;
	s0 =	smul.u32 $0x13C000, s0  }
0x7: {  	s15 =	sadd.s32 $0x14A00, s5;
	s2 =	simm.s32 $0x0;
	s4 =	smul.u32 $0xA00, s4  }
0x8: {  	[smem:$0x7FF] =	sst s2;
	s8 =	sshrl.u32 s6, $0x1;
	s16 =	sshrl.u32 s7, $0x2  }
0x9: {  	s17 =	sadd.s32 $0x2000, s9;
	s18 =	sadd.s32 $0x4000, s9;
	s19 =	sadd.s32 $0x6000, s9  }
0xa: {  	s20 =	sadd.s32 $0x8000, s9;
	s21 =	sadd.s32 $0xA000, s9;
	s22 =	sadd.s32 $0xC000, s9  }
0xb: {  	s23 =	sadd.s32 $0xE000, s9;
	s24 =	sadd.s32 $0x10000, s9;
	s25 =	sadd.s32 $0x12000, s9  }
0xc: {  	s28 =	ssub.s32 s6, s8;
	s10 =	sadd.s32 s9, s0;
	s11 =	sadd.s32 s0, s17  }
0xd: {  	s6 =	sadd.s32 s0, s20;
	s12 =	sadd.s32 s4, s5;
	s3 =	sadd.s32 s3, s4  }
0xe: {  	s13 =	sshrl.u32 s10, $0x3;
	s14 =	sshrl.u32 s11, $0x3;
	s4 =	sadd.s32 s0, s18  }
0xf: {  	s5 =	sadd.s32 s0, s19;
	s9 =	sshrl.u32 s6, $0x3;
	s10 =	sadd.s32 s0, s21  }
0x10: {  	s11 =	sadd.s32 s0, s22;
	s28 =	smax.u32 s28, $0x1;
	[dreg:$0x5] =	wrdreg s3  }
0x11: {  	s3 =	sadd.s32 s15, s13;
	s26 =	sadd.s32 s15, s14;
	s8 =	sshrl.u32 s5, $0x3  }
0x12: {  	s13 =	sshrl.u32 s11, $0x3;
	[dreg:$0x6] =	wrdreg s3;
	s3 =	sshrl.u32 s4, $0x3  }
0x13: {  	[dreg:$0x7] =	wrdreg s26;
	s26 =	sadd.s32 s0, s24;
	s3 =	sadd.s32 s15, s3  }
0x14: {  	[dreg:$0x8] =	wrdreg s3;
	s3 =	sadd.s32 s15, s8;
	s8 =	sadd.s32 s15, s9  }
0x15: {  	[dreg:$0x9] =	wrdreg s3;
	s3 =	sshrl.u32 s10, $0x3;
	s10 =	sadd.s32 s0, s23  }
0x16: {  	s0 =	sadd.s32 s0, s25;
	s9 =	sadd.s32 s15, s3;
	s14 =	sshrl.u32 s10, $0x3  }
0x17: {  	s10 =	sadd.s32 s15, s13;
	s3 =	sshrl.u32 s26, $0x3;
	s13 =	rddreg [dreg:$0x3]  }
0x18: {  	s0 =	sshrl.u32 s0, $0x3;
	_ =	strace $0x80000047;
	s26 =	sadd.s32 $0xA00, s12  }
0x19: {  	s12 =	simm.s32 $0x0;
	s11 =	sadd.s32 s15, s14;
	s14 =	sadd.s32 s15, s3  }
0x1a: {  	s15 =	sadd.s32 s15, s0;
	s16 =	sadd.s32 s16, s13;
	s17 =	sadd.s32 s17, s13  }
0x1b: {  	s18 =	sadd.s32 s18, s13;
	s19 =	sadd.s32 s19, s13;
	s20 =	sadd.s32 s20, s13  }
0x1c: {  	s21 =	sadd.s32 s21, s13;
	s22 =	sadd.s32 s22, s13;
	s23 =	sadd.s32 s23, s13  }
0x1d: {  	v0 =	vimm.f32 $0.0e+00;
	s24 =	sadd.s32 s24, s13;
	s25 =	sadd.s32 s25, s13;
	s0 =	simm.s32 $0x40  }
.LBB2_1:
0x1e: {  	s3 =	simm.s32 $0x0;
	s4 =	simm.s32 $0x200  }
.LBB2_2:
0x1f: {  	p0 =	sne.s32 s4, $0x7E00;
	[tilespmem:s3+$0x1DC70] =	vst v0  }
0x20: {  	[tilespmem:s3+$0x1DC00] =	vst v0  }
0x21: {  	[tilespmem:s3+$0x1DC10] =	vst v0  }
.Ltmp0:
0x22: {  	[tilespmem:s3+$0x1DC20] =	vst v0;
	(pc) =	sbr.rel @p0 .LBB2_2-.Ltmp0, $4  }
0x23: {  	[tilespmem:s3+$0x1DC30] =	vst v0  }
0x24: {  	[tilespmem:s3+$0x1DC40] =	vst v0  }
0x25: {  	[tilespmem:s3+$0x1DC50] =	vst v0  }
0x26: {  	[tilespmem:s3+$0x1DC60] =	vst v0;
	s3 =	sshra.s32 s4, $0x2;
	s4 =	sadd.s32 $0x200, s4  }
0x27: {  	[tilespmem:s3+$0x1DC70] =	vst v0  }
0x28: {  	[tilespmem:s3+$0x1DC00] =	vst v0  }
0x29: {  	[tilespmem:s3+$0x1DC10] =	vst v0  }
0x2a: {  	[tilespmem:s3+$0x1DC20] =	vst v0  }
0x2b: {  	[tilespmem:s3+$0x1DC30] =	vst v0  }
0x2c: {  	[tilespmem:s3+$0x1DC40] =	vst v0  }
0x2d: {  	[tilespmem:s3+$0x1DC50] =	vst v0  }
0x2e: {  	[tilespmem:s3+$0x1DC60] =	vst v0  }
0x2f: {  	[spmem:s16] =	stream.linear.scatter [tilespmem:s29], [sflag:$0x2], $0x2000, $0x38;
	[tilespmem:$0x1FC00] =	vst v63  }
0x30: {  	_ =	swait.ge [sflag:s30], $0x2000  }
0x31: {  	[sflag:s30] =	ssyncset.done $0x0  }
0x32: {  	[sflag:s30] =	ssyncadd.s32 $0xFFFFE000  }
0x33: {  	[spmem:s17] =	stream.linear.scatter [tilespmem:s29], [sflag:$0x2], $0x2000, $0x38;
	[tilespmem:$0x1FC00] =	vst v63  }
0x34: {  	_ =	swait.ge [sflag:s30], $0x2000  }
0x35: {  	[sflag:s30] =	ssyncset.done $0x0  }
0x36: {  	[sflag:s30] =	ssyncadd.s32 $0xFFFFE000  }
0x37: {  	[spmem:s18] =	stream.linear.scatter [tilespmem:s29], [sflag:$0x2], $0x2000, $0x38;
	[tilespmem:$0x1FC00] =	vst v63  }
0x38: {  	_ =	swait.ge [sflag:s30], $0x2000  }
0x39: {  	[sflag:s30] =	ssyncset.done $0x0  }
0x3a: {  	[sflag:s30] =	ssyncadd.s32 $0xFFFFE000  }
0x3b: {  	[spmem:s19] =	stream.linear.scatter [tilespmem:s29], [sflag:$0x2], $0x2000, $0x38;
	[tilespmem:$0x1FC00] =	vst v63  }
0x3c: {  	_ =	swait.ge [sflag:s30], $0x2000  }
0x3d: {  	[sflag:s30] =	ssyncset.done $0x0  }
0x3e: {  	[sflag:s30] =	ssyncadd.s32 $0xFFFFE000  }
0x3f: {  	[spmem:s20] =	stream.linear.scatter [tilespmem:s29], [sflag:$0x2], $0x2000, $0x38;
	[tilespmem:$0x1FC00] =	vst v63  }
0x40: {  	_ =	swait.ge [sflag:s30], $0x2000  }
0x41: {  	[sflag:s30] =	ssyncset.done $0x0  }
0x42: {  	[sflag:s30] =	ssyncadd.s32 $0xFFFFE000  }
0x43: {  	[spmem:s21] =	stream.linear.scatter [tilespmem:s29], [sflag:$0x2], $0x2000, $0x38;
	[tilespmem:$0x1FC00] =	vst v63  }
0x44: {  	_ =	swait.ge [sflag:s30], $0x2000  }
0x45: {  	[sflag:s30] =	ssyncset.done $0x0  }
0x46: {  	[sflag:s30] =	ssyncadd.s32 $0xFFFFE000  }
0x47: {  	[spmem:s22] =	stream.linear.scatter [tilespmem:s29], [sflag:$0x2], $0x2000, $0x38;
	[tilespmem:$0x1FC00] =	vst v63  }
0x48: {  	_ =	swait.ge [sflag:s30], $0x2000  }
0x49: {  	[sflag:s30] =	ssyncset.done $0x0  }
0x4a: {  	[sflag:s30] =	ssyncadd.s32 $0xFFFFE000  }
0x4b: {  	[spmem:s23] =	stream.linear.scatter [tilespmem:s29], [sflag:$0x2], $0x2000, $0x38;
	[tilespmem:$0x1FC00] =	vst v63  }
0x4c: {  	_ =	swait.ge [sflag:s30], $0x2000  }
0x4d: {  	[sflag:s30] =	ssyncset.done $0x0  }
0x4e: {  	[sflag:s30] =	ssyncadd.s32 $0xFFFFE000  }
0x4f: {  	[spmem:s24] =	stream.linear.scatter [tilespmem:s29], [sflag:$0x2], $0x2000, $0x38;
	[tilespmem:$0x1FC00] =	vst v63  }
0x50: {  	_ =	swait.ge [sflag:s30], $0x2000  }
0x51: {  	[sflag:s30] =	ssyncset.done $0x0  }
0x52: {  	[sflag:s30] =	ssyncadd.s32 $0xFFFFE000  }
0x53: {  	[spmem:s25] =	stream.linear.scatter [tilespmem:s29], [sflag:$0x2], $0x1C00, $0x38;
	[tilespmem:$0x1FC00] =	vst v63  }
0x54: {  	_ =	swait.ge [sflag:s30], $0x1C00  }
0x55: {  	s7 =	simm.s32 $0x0;
	[sflag:s30] =	ssyncset.done $0x0  }
0x56: {  	s5 =	simm.s32 $0x13C00;
	s4 =	rddreg [dreg:$0x5];
	[sflag:s30] =	ssyncadd.s32 $0xFFFFE400  }
0x57: {  	[tilespmem:s5], [sflag:$0x2] =	stream.linear.gather [hbm4b:s4+s7], $0x4E80, $0x38;
	[tilespmem:$0x1FC00] =	vst v63  }
0x58: {  	_ =	swait.ge [sflag:s30], $0x4E80  }
0x59: {  	[sflag:s30] =	ssyncset.done $0x0  }
0x5a: {  	s5 =	simm.s32 $0x18C00;
	[sflag:s30] =	ssyncadd.s32 $0xFFFFB180  }
0x5b: {  	[tilespmem:s5], [sflag:$0x2] =	stream.linear.gather [hbm4b:s26+s7], $0x4E80, $0x38;
	[tilespmem:$0x1FC00] =	vst v63  }
0x5c: {  	_ =	swait.ge [sflag:s30], $0x4E80  }
0x5d: {  	[sflag:s30] =	ssyncset.done $0x0  }
0x5e: {  	[sflag:s30] =	ssyncadd.s32 $0xFFFFB180  }
0x5f: {  	s6 =	simm.s32 $0x13C00;
	[bflag:$0x0] =	sbarrier.arrive $0xFFFF  }
0x60: {  	[tilespmem:s29], [sflag:$0x1] =	stream.indirect.gather [hbm4b:s1+s0], $0x80, s6, s0, $0xb8;
	[tilespmem:$0x1FC00] =	vst v63  }
0x61: {  	_ =	swait.ge [sflag:s31], $0x2000  }
0x62: {  	[sflag:s31] =	ssyncset.done $0x0  }
0x63: {  	s7 =	simm.s32 $0x18C00;
	[sflag:s31] =	ssyncadd.s32 $0xFFFFE000  }
0x64: {  	[spmem:s13] =	stream.indirect.scatter.add.f32 [tilespmem:s29], [sflag:$0x2], $0x80, s7, s0, $0xb8;
	[tilespmem:$0x1FC00] =	vst v63  }
0x65: {  	_ =	swait.ge [sflag:s30], $0x2000  }
0x66: {  	s3 =	simm.s32 $0x80;
	s4 =	simm.s32 $0x400;
	[sflag:s30] =	ssyncset.done $0x0  }
.LBB2_4:
0x67: {  	s5 =	sadd.s32 $0x13C00, s3  }
0x68: {  	[sflag:s30] =	ssyncadd.s32 $0xFFFFE000;
	s6 =	smov.u32 s4;
	s7 =	sadd.s32 $0x200, s4  }
0x69: {  	[tilespmem:s29], [sflag:$0x1] =	stream.indirect.gather [hbm4b:s1+s0], $0x80, s5, s0, $0xb8;
	[tilespmem:$0x1FC00] =	vst v63  }
0x6a: {  	p0 =	sne.s32 s4, $0x13800;
	_ =	swait.ge [sflag:s31], $0x2000  }
.Ltmp1:
0x6b: {  	[sflag:s31] =	ssyncset.done $0x0;
	(pc) =	sbr.rel @p0 .LBB2_4-.Ltmp1, $4  }
0x6c: {  	s3 =	sadd.s32 $0x18C00, s3;
	[sflag:s31] =	ssyncadd.s32 $0xFFFFE000  }
0x6d: {  	[spmem:s13] =	stream.indirect.scatter.add.f32 [tilespmem:s29], [sflag:$0x2], $0x80, s3, s0, $0xb8;
	[tilespmem:$0x1FC00] =	vst v63  }
0x6e: {  	_ =	swait.ge [sflag:s30], $0x2000  }
0x6f: {  	s4 =	smov.u32 s7;
	s3 =	sshra.s32 s6, $0x2;
	[sflag:s30] =	ssyncset.done $0x0  }
0x70: {  	s4 =	sadd.s32 $0x13C00, s3;
	[sflag:s30] =	ssyncadd.s32 $0xFFFFE000  }
0x71: {  	[tilespmem:s29], [sflag:$0x1] =	stream.indirect.gather [hbm4b:s1+s0], $0x80, s4, s0, $0xb8;
	[tilespmem:$0x1FC00] =	vst v63  }
0x72: {  	_ =	swait.ge [sflag:s31], $0x2000  }
0x73: {  	[sflag:s31] =	ssyncset.done $0x0  }
0x74: {  	s7 =	sadd.s32 $0x18C00, s3;
	[sflag:s31] =	ssyncadd.s32 $0xFFFFE000  }
0x75: {  	[spmem:s13] =	stream.indirect.scatter.add.f32 [tilespmem:s29], [sflag:$0x2], $0x80, s7, s0, $0xb8;
	[tilespmem:$0x1FC00] =	vst v63  }
0x76: {  	_ =	swait.ge [sflag:s30], $0x2000  }
0x77: {  	[sflag:s30] =	ssyncset.done $0x0  }
0x78: {  	[sflag:s30] =	ssyncadd.s32 $0xFFFFE000  }
0x79: {  	[bflag:$0x0] =	sbarrier.arrive $0xFFFF  }
0x7a: {  	[tilespmem:s29], [sflag:$0x2] =	stream.linear.gather [spmem:s16], $0x2000, $0x38;
	[tilespmem:$0x1FC00] =	vst v63  }
0x7b: {  	_ =	swait.ge [sflag:s30], $0x2000  }
0x7c: {  	[sflag:s30] =	ssyncset.done $0x0  }
0x7d: {  	s4 =	rddreg [dreg:$0x6];
	[sflag:s30] =	ssyncadd.s32 $0xFFFFE000  }
0x7e: {  	[hbm4b:s4+s2] =	stream.linear.scatter [tilespmem:s29], [sflag:$0x2], $0x2000, $0x38;
	[tilespmem:$0x1FC00] =	vst v63  }
0x7f: {  	_ =	swait.ge [sflag:s30], $0x2000  }
0x80: {  	[sflag:s30] =	ssyncset.done $0x0  }
0x81: {  	[sflag:s30] =	ssyncadd.s32 $0xFFFFE000  }
0x82: {  	[tilespmem:s29], [sflag:$0x2] =	stream.linear.gather [spmem:s17], $0x2000, $0x38;
	[tilespmem:$0x1FC00] =	vst v63  }
0x83: {  	_ =	swait.ge [sflag:s30], $0x2000  }
0x84: {  	[sflag:s30] =	ssyncset.done $0x0  }
0x85: {  	s5 =	rddreg [dreg:$0x7];
	[sflag:s30] =	ssyncadd.s32 $0xFFFFE000  }
0x86: {  	[hbm4b:s5+s2] =	stream.linear.scatter [tilespmem:s29], [sflag:$0x2], $0x2000, $0x38;
	[tilespmem:$0x1FC00] =	vst v63  }
0x87: {  	_ =	swait.ge [sflag:s30], $0x2000  }
0x88: {  	[sflag:s30] =	ssyncset.done $0x0  }
0x89: {  	[sflag:s30] =	ssyncadd.s32 $0xFFFFE000  }
0x8a: {  	[tilespmem:s29], [sflag:$0x2] =	stream.linear.gather [spmem:s18], $0x2000, $0x38;
	[tilespmem:$0x1FC00] =	vst v63  }
0x8b: {  	_ =	swait.ge [sflag:s30], $0x2000  }
0x8c: {  	[sflag:s30] =	ssyncset.done $0x0  }
0x8d: {  	s6 =	rddreg [dreg:$0x8];
	[sflag:s30] =	ssyncadd.s32 $0xFFFFE000  }
0x8e: {  	[hbm4b:s6+s2] =	stream.linear.scatter [tilespmem:s29], [sflag:$0x2], $0x2000, $0x38;
	[tilespmem:$0x1FC00] =	vst v63  }
0x8f: {  	_ =	swait.ge [sflag:s30], $0x2000  }
0x90: {  	[sflag:s30] =	ssyncset.done $0x0  }
0x91: {  	[sflag:s30] =	ssyncadd.s32 $0xFFFFE000  }
0x92: {  	[tilespmem:s29], [sflag:$0x2] =	stream.linear.gather [spmem:s19], $0x2000, $0x38;
	[tilespmem:$0x1FC00] =	vst v63  }
0x93: {  	_ =	swait.ge [sflag:s30], $0x2000  }
0x94: {  	[sflag:s30] =	ssyncset.done $0x0  }
0x95: {  	s7 =	rddreg [dreg:$0x9];
	[sflag:s30] =	ssyncadd.s32 $0xFFFFE000  }
0x96: {  	[hbm4b:s7+s2] =	stream.linear.scatter [tilespmem:s29], [sflag:$0x2], $0x2000, $0x38;
	[tilespmem:$0x1FC00] =	vst v63  }
0x97: {  	_ =	swait.ge [sflag:s30], $0x2000  }
0x98: {  	[sflag:s30] =	ssyncset.done $0x0  }
0x99: {  	[sflag:s30] =	ssyncadd.s32 $0xFFFFE000  }
0x9a: {  	[tilespmem:s29], [sflag:$0x2] =	stream.linear.gather [spmem:s20], $0x2000, $0x38;
	[tilespmem:$0x1FC00] =	vst v63  }
0x9b: {  	_ =	swait.ge [sflag:s30], $0x2000  }
0x9c: {  	[sflag:s30] =	ssyncset.done $0x0  }
0x9d: {  	[sflag:s30] =	ssyncadd.s32 $0xFFFFE000  }
0x9e: {  	[hbm4b:s8+s2] =	stream.linear.scatter [tilespmem:s29], [sflag:$0x2], $0x2000, $0x38;
	[tilespmem:$0x1FC00] =	vst v63  }
0x9f: {  	_ =	swait.ge [sflag:s30], $0x2000  }
0xa0: {  	[sflag:s30] =	ssyncset.done $0x0  }
0xa1: {  	[sflag:s30] =	ssyncadd.s32 $0xFFFFE000  }
0xa2: {  	[tilespmem:s29], [sflag:$0x2] =	stream.linear.gather [spmem:s21], $0x2000, $0x38;
	[tilespmem:$0x1FC00] =	vst v63  }
0xa3: {  	_ =	swait.ge [sflag:s30], $0x2000  }
0xa4: {  	[sflag:s30] =	ssyncset.done $0x0  }
0xa5: {  	[sflag:s30] =	ssyncadd.s32 $0xFFFFE000  }
0xa6: {  	[hbm4b:s9+s2] =	stream.linear.scatter [tilespmem:s29], [sflag:$0x2], $0x2000, $0x38;
	[tilespmem:$0x1FC00] =	vst v63  }
0xa7: {  	_ =	swait.ge [sflag:s30], $0x2000  }
0xa8: {  	[sflag:s30] =	ssyncset.done $0x0  }
0xa9: {  	[sflag:s30] =	ssyncadd.s32 $0xFFFFE000  }
0xaa: {  	[tilespmem:s29], [sflag:$0x2] =	stream.linear.gather [spmem:s22], $0x2000, $0x38;
	[tilespmem:$0x1FC00] =	vst v63  }
0xab: {  	_ =	swait.ge [sflag:s30], $0x2000  }
0xac: {  	[sflag:s30] =	ssyncset.done $0x0  }
0xad: {  	[sflag:s30] =	ssyncadd.s32 $0xFFFFE000  }
0xae: {  	[hbm4b:s10+s2] =	stream.linear.scatter [tilespmem:s29], [sflag:$0x2], $0x2000, $0x38;
	[tilespmem:$0x1FC00] =	vst v63  }
0xaf: {  	_ =	swait.ge [sflag:s30], $0x2000  }
0xb0: {  	[sflag:s30] =	ssyncset.done $0x0  }
0xb1: {  	[sflag:s30] =	ssyncadd.s32 $0xFFFFE000  }
0xb2: {  	[tilespmem:s29], [sflag:$0x2] =	stream.linear.gather [spmem:s23], $0x2000, $0x38;
	[tilespmem:$0x1FC00] =	vst v63  }
0xb3: {  	_ =	swait.ge [sflag:s30], $0x2000  }
0xb4: {  	[sflag:s30] =	ssyncset.done $0x0  }
0xb5: {  	[sflag:s30] =	ssyncadd.s32 $0xFFFFE000  }
0xb6: {  	[hbm4b:s11+s2] =	stream.linear.scatter [tilespmem:s29], [sflag:$0x2], $0x2000, $0x38;
	[tilespmem:$0x1FC00] =	vst v63  }
0xb7: {  	_ =	swait.ge [sflag:s30], $0x2000  }
0xb8: {  	[sflag:s30] =	ssyncset.done $0x0  }
0xb9: {  	[sflag:s30] =	ssyncadd.s32 $0xFFFFE000  }
0xba: {  	[tilespmem:s29], [sflag:$0x2] =	stream.linear.gather [spmem:s24], $0x2000, $0x38;
	[tilespmem:$0x1FC00] =	vst v63  }
0xbb: {  	_ =	swait.ge [sflag:s30], $0x2000  }
0xbc: {  	[sflag:s30] =	ssyncset.done $0x0  }
0xbd: {  	[sflag:s30] =	ssyncadd.s32 $0xFFFFE000  }
0xbe: {  	[hbm4b:s14+s2] =	stream.linear.scatter [tilespmem:s29], [sflag:$0x2], $0x2000, $0x38;
	[tilespmem:$0x1FC00] =	vst v63  }
0xbf: {  	_ =	swait.ge [sflag:s30], $0x2000  }
0xc0: {  	[sflag:s30] =	ssyncset.done $0x0  }
0xc1: {  	[sflag:s30] =	ssyncadd.s32 $0xFFFFE000  }
0xc2: {  	[tilespmem:s29], [sflag:$0x2] =	stream.linear.gather [spmem:s25], $0x1C00, $0x38;
	[tilespmem:$0x1FC00] =	vst v63  }
0xc3: {  	s12 =	sadd.s32 $0x1, s12;
	_ =	swait.ge [sflag:s30], $0x1C00  }
0xc4: {  	p0 =	sne.s32 s12, s28;
	[sflag:s30] =	ssyncset.done $0x0  }
.Ltmp2:
0xc5: {  	[sflag:s30] =	ssyncadd.s32 $0xFFFFE400;
	(pc) =	sbr.rel @p0 .LBB2_1-.Ltmp2, $4  }
0xc6: {  	[hbm4b:s15+s2] =	stream.linear.scatter [tilespmem:s29], [sflag:$0x2], $0x1C00, $0x38;
	[tilespmem:$0x1FC00] =	vst v63  }
0xc7: {  	_ =	swait.ge [sflag:s30], $0x1C00  }
0xc8: {  	[sflag:s30] =	ssyncset.done $0x0  }
0xc9: {  	[sflag:s30] =	ssyncadd.s32 $0xFFFFE400  }
0xca: {  	_ =	sfence.sel $0x180000  }
0xcb: {  	[bflag:$0x0] =	sbarrier.arrive $0xFFFF  }
0xcc: {  	_ =	strace $0x90000047  }
0xcd: {  	s0 =	stileid.u32;
	[bflag:$0x2] =	sbarrier.arrive $0xFFFF  }
0xce: {  	p0 =	sne.s32 s0, $0x0;
	s0 =	rddreg [dreg:$0x4]  }
0xcf: {  	s0 =	sadd.s32 @!p0 $0x100000, s0  }
0xd0: {  	[sflag:s0] =	ssyncadd.tile.s32 @!p0 $0x1;
	_ =	shalt  }
.Lfunc_end2:
_tile_overlayer_lowered:
.L_overlay_start_2:
0xd1: {  	(tag) =	ssettag $0x2  }
0xd2: {  	s0 =	rddreg [dreg:$0x0];
	s2 =	stileid.u32  }
0xd3: {  	s1 =	rddreg [dreg:$0x1];
	p0 =	sne.s32 s2, $0x0  }
0xd4: {  	s3 =	rddreg [dreg:$0x2];
	[bflag:$0x3] =	sbarrier.arrive $0xFFFF;
	s2 =	simm.s32 @!p0 $0x1C02  }
0xd5: {  	[timem:s3], [sflag:s2] =	dma.local @!p0 [hbm:s0], s1  }
0xd6: {  	s0 =	simm.s32 @!p0 $0x2  }
0xd7: {  	_ =	swait.ge @!p0 [sflag:s0], s1  }
0xd8: {  	s1 =	ssub.s32 @!p0 $0x0, s1;
	[sflag:s0] =	ssyncset.done @!p0 $0x0  }
0xd9: {  	[sflag:s0] =	ssyncadd.s32 @!p0 s1  }
0xda: {  	[bflag:$0x3] =	sbarrier.arrive $0xFFFF  }
0xdb: {  	_ =	shalt  }

// kernel: kernel.8.cloned.1.call-start
scs
__scs_entry_jumppad:
0x0: {  	(pc) =	sbr.rel $0x88, $3  }
0x1: {  	(tag) =	ssettag $0x0;
	lr =	simm.s32 $0x1  }
0x2: {  	[smem:$0x3F9A] =	sst lr;
	_ =	strace $0xD0000000  }
0x3: {  	_ = 	snop  }
0x4: {  	_ = 	snop  }
0x5: {  	_ = 	snop  }
0x6: {  	_ = 	snop  }
0x7: {  	_ = 	snop  }
__scs_overlays_trampoline_lowered:
0x8: {  	[smem:$0x3FA9] =	sst s0  }
0x9: {  	[smem:$0x3FAA] =	sst s1  }
0xa: {  	[smem:$0x3FAB] =	sst s2  }
0xb: {  	[smem:$0x3FAC] =	sst s3  }
0xc: {  	[smem:$0x3FAD] =	sst s4  }
0xd: {  	[smem:$0x3FAE] =	sst s5  }
0xe: {  	[smem:$0x3FAF] =	sst s6  }
0xf: {  	[smem:$0x3FB0] =	sst s7  }
0x10: {  	[smem:$0x3FB1] =	sst s8  }
0x11: {  	[smem:$0x3FB2] =	sst s9;
	s0 =	simm.s32 @!p0 $0x0  }
0x12: {  	s1 =	sld [smem:$0x3F98];
	s0 =	simm.s32 @p0 $0x1  }
0x13: {  	[smem:$0x3FB3] =	sst s0;
	s0 =	simm.s32 @!p1 $0x0  }
0x14: {  	s2 =	sld [smem:$0x3F97];
	s0 =	simm.s32 @p1 $0x1  }
0x15: {  	[smem:$0x3FB4] =	sst s0;
	s0 =	simm.s32 @!p2 $0x0  }
0x16: {  	s3 =	sld [smem:$0x3FDB];
	s0 =	simm.s32 @p2 $0x1  }
0x17: {  	s4 =	simm.s32 $0x1BF5;
	[smem:$0x3FB6] =	sst s0  }
0x18: {  	s0 =	sld [smem:$0x3F99];
	_ =	swait.ge [sflag:s4], $0x0  }
0x19: {  	s7 =	sld [smem:$0x3F9A]  }
0x1a: {  	s8 =	sadd.s32 $0xFFFFE003, lr  }
0x1b: {  	s9 =	sadd.s32 $0xFFFFFEF7, lr;
	s5 =	simm.s32 $0xFFFFFFFF;
	p2 =	slt.u32 s8, $0xFFFFF086  }
0x1c: {  	p1 =	slt.u32 s9, $0xF7A;
	s5 =	simm.s32 @!p2 $0x0  }
0x1d: {  	s5 =	simm.s32 @p1 $0x1;
	p0 =	seq.s32 s7, s2  }
0x1e: {  	s7 =	smul.u32 @!p0 $0xF7A, s2;
	p2 =	seq.s32 @!p0 s5, $0x0  }
0x1f: {  	s9 =	smul.u32 $0xF7A, s1;
	s8 =	simm.s32 @!p0 $0x1BF5;
	p2 =	por !p2, p0  }
0x20: {  	[sflag:s8] =	ssyncset.s32 @!p0 $0xFFFFF086;
	s6 =	sadd.s32 @!p0 s3, s7;
	s7 =	simm.s32 @!p0 $0x108  }
0x21: {  	s3 =	sadd.s32 s3, s9;
	s6 =	sadd.s32 @!p0 $0x88, s6;
	s7 =	simm.s32 @p2 $0x1082  }
0x22: {  	[simem:s7], [sflag:s8] =	dma.local @!p0 [hbm:s6], $0xF7A  }
0x23: {  	s9 =	sor.u32 $0xD0000000, s2;
	s6 =	simm.s32 $0x108;
	_ =	swait.ge @!p0 [sflag:s8], $0x0  }
0x24: {  	s3 =	sadd.s32 $0x88, s3;
	s6 =	simm.s32 @!p1 $0x1082;
	[sflag:s4] =	ssyncset.s32 $0xFFFFF086  }
0x25: {  	[simem:s6], [sflag:s4] =	dma.local [hbm:s3], $0xF7A  }
0x26: {  	[smem:$0x3F9A] =	sst s1;
	(tag) =	ssettag s2;
	_ =	strace s9  }
0x27: {  	s1 =	sld [smem:$0x3FAA]  }
0x28: {  	s2 =	sld [smem:$0x3FAB]  }
0x29: {  	s4 =	sld [smem:$0x3FAD]  }
0x2a: {  	p0 =	seq.s32 s5, $0x0;
	s5 =	sld [smem:$0x3FAE]  }
0x2b: {  	s6 =	sld [smem:$0x3FAF]  }
0x2c: {  	s7 =	sld [smem:$0x3FB0]  }
0x2d: {  	s3 =	simm.s32 $0x108;
	s8 =	sld [smem:$0x3FB1]  }
0x2e: {  	s3 =	simm.s32 @!p0 $0x1082;
	s9 =	sld [smem:$0x3FB2]  }
0x2f: {  	lr =	sadd.s32 s0, s3;
	s0 =	sld [smem:$0x3FA9]  }
0x30: {  	s3 =	sld [smem:$0x3FAC]  }
0x31: {  	[smem:$0x3FB5] =	sst s10  }
0x32: {  	s10 =	sld [smem:$0x3FB3];
	_ =	sdelay $0x3  }
0x33: {  	p0 =	seq.s32 s10, $0x1;
	s10 =	sld [smem:$0x3FB5];
	_ =	sdelay $0x3  }
0x34: {  	[smem:$0x3FB5] =	sst s10  }
0x35: {  	s10 =	sld [smem:$0x3FB4];
	_ =	sdelay $0x3  }
0x36: {  	p1 =	seq.s32 s10, $0x1;
	s10 =	sld [smem:$0x3FB5];
	_ =	sdelay $0x3  }
0x37: {  	[smem:$0x3FB5] =	sst s10  }
0x38: {  	s10 =	sld [smem:$0x3FB6]  }
0x39: {  	_ = 	snop;
	(pc) =	sbr.ind lr, $3  }
0x3a: {  	_ = 	snop  }
0x3b: {  	_ = 	snop  }
0x3c: {  	p2 =	seq.s32 s10, $0x1;
	s10 =	sld [smem:$0x3FB5]  }
0x3d: {  	_ =	shalt  }
0x3e: {  	_ =	shalt  }
0x3f: {  	_ =	shalt  }
0x40: {  	_ =	shalt  }
0x41: {  	_ =	shalt  }
0x42: {  	_ =	shalt  }
0x43: {  	_ =	shalt  }
0x44: {  	_ =	shalt  }
0x45: {  	_ =	shalt  }
0x46: {  	_ =	shalt  }
0x47: {  	_ =	shalt  }
0x48: {  	_ =	shalt  }
0x49: {  	_ =	shalt  }
0x4a: {  	_ =	shalt  }
0x4b: {  	_ =	shalt  }
0x4c: {  	_ =	shalt  }
0x4d: {  	_ =	shalt  }
0x4e: {  	_ =	shalt  }
0x4f: {  	_ =	shalt  }
0x50: {  	_ =	shalt  }
0x51: {  	_ =	shalt  }
0x52: {  	_ =	shalt  }
0x53: {  	_ =	shalt  }
0x54: {  	_ =	shalt  }
0x55: {  	_ =	shalt  }
0x56: {  	_ =	shalt  }
0x57: {  	_ =	shalt  }
0x58: {  	_ =	shalt  }
0x59: {  	_ =	shalt  }
0x5a: {  	_ =	shalt  }
0x5b: {  	_ =	shalt  }
0x5c: {  	_ =	shalt  }
0x5d: {  	_ =	shalt  }
0x5e: {  	_ =	shalt  }
0x5f: {  	_ =	shalt  }
0x60: {  	_ =	shalt  }
0x61: {  	_ =	shalt  }
0x62: {  	_ =	shalt  }
0x63: {  	_ =	shalt  }
0x64: {  	_ =	shalt  }
0x65: {  	_ =	shalt  }
0x66: {  	_ =	shalt  }
0x67: {  	_ =	shalt  }
0x68: {  	_ =	shalt  }
0x69: {  	_ =	shalt  }
0x6a: {  	_ =	shalt  }
0x6b: {  	_ =	shalt  }
0x6c: {  	_ =	shalt  }
0x6d: {  	_ =	shalt  }
0x6e: {  	_ =	shalt  }
0x6f: {  	_ =	shalt  }
0x70: {  	_ =	shalt  }
0x71: {  	_ =	shalt  }
0x72: {  	_ =	shalt  }
0x73: {  	_ =	shalt  }
0x74: {  	_ =	shalt  }
0x75: {  	_ =	shalt  }
0x76: {  	_ =	shalt  }
0x77: {  	_ =	shalt  }
0x78: {  	_ =	shalt  }
0x79: {  	_ =	shalt  }
0x7a: {  	_ =	shalt  }
0x7b: {  	_ =	shalt  }
0x7c: {  	_ =	shalt  }
0x7d: {  	_ =	shalt  }
0x7e: {  	_ =	shalt  }
0x7f: {  	_ =	shalt  }
0x80: {  	_ =	shalt  }
0x81: {  	_ =	shalt  }
0x82: {  	_ =	shalt  }
0x83: {  	_ =	shalt  }
0x84: {  	_ =	shalt  }
0x85: {  	_ =	shalt  }
0x86: {  	_ =	shalt  }
0x87: {  	_ =	shalt  }
.Lfunc_end0:
.L_simem_size_0:
called_computation.1_lowered:
.L_overlay_start_0:
0x88: {  	s2 =	sld [smem:$0x3FD9]  }
0x89: {  	s3 =	sld [smem:$0x3FFE];
	_ =	sdelay $0x1  }
0x8a: {  	s1 =	srdreg.scid  }
0x8b: {  	s0 =	sand.u32 $0x1, s1  }
0x8c: {  	s17 =	sshll.u32 s0, $0xA;
	s2 =	sadd.s32 s3, s2  }
0x8d: {  	s2 =	sadd.s32 s2, s17  }
0x8e: {  	[smem:$0x3FC1] =	sst s2  }
0x8f: {  	_ = 	snop  }
0x90: {  	(tm) =	ssettm $0x1  }
0x91: {  	s18 =	sld [smem:$0x3FFB];
	_ =	sdelay $0x3  }
0x92: {  	_ =	strace s18  }
0x93: {  	s2 =	sld [smem:$0x3FFC];
	_ =	sdelay $0x3  }
0x94: {  	_ =	strace s2  }
0x95: {  	s2 =	sld [smem:$0x3FFD];
	_ =	sdelay $0x3  }
0x96: {  	_ =	strace s2  }
0x97: {  	_ =	strace $0x8FFFFFFF  }
0x98: {  	s19 =	sld [smem:$0x3FDB];
	_ =	sdelay $0x1  }
0x99: {  	s20 =	simm.s32 $_scs_section_size  }
0x9a: {  	s4 =	simm.s32 $_size__tile_overlayer_lowered;
	s5 =	simm.s32 $_tile_overlayer_lowered  }
0x9b: {  	s6 =	simm.s32 $0x1BFF;
	s21 =	sshll.u32 s5, $0x1;
	s3 =	sadd.s32 s20, s19  }
0x9c: {  	s22 =	simm.s32 $0x0;
	s4 =	sshll.u32 s4, $0x1;
	s5 =	sadd.s32 s21, s3  }
0x9d: {  	[timem:s22], [sflag:s6] =	dma.local [hbm:s5], s4  }
0x9e: {  	_ =	swait.ge [sflag:s6], s4  }
0x9f: {  	s4 =	ssub.s32 $0x0, s4;
	[sflag:s6] =	ssyncset.done $0x0  }
0xa0: {  	[sflag:s6] =	ssyncadd.s32 s4;
	_ =	sdelay $0x1  }
0xa1: {  	s23 =	simm.s32 $0x1B8B  }
0xa2: {  	_ =	swait.ge [sflag:s23], $0x1  }
0xa3: {  	[sflag:s23] =	ssyncset.done $0x0  }
0xa4: {  	[sflag:s23] =	ssyncadd.s32 $0xFFFFFFFF  }
0xa5: {  	s4 =	sld [smem:$0x0]  }
0xa6: {  	s5 =	sand.u32 $0xFFFFFFFE, s1  }
0xa7: {  	p0 =	sne.s32 s1, s5  }
0xa8: {  	s5 =	sshll.u32 @p0 s5, $0xE  }
0xa9: {  	s5 =	sadd.s32 @p0 $0x11B8D, s5;
	s6 =	sshll.u32 @p0 s4, $0x11  }
0xaa: {  	s5 =	sor.u32 @p0 s6, s5  }
0xab: {  	[sflag:s5] =	ssyncadd.remote.s32 @p0 $0x1;
	_ =	sdelay $0x1  }
0xac: {  	s5 =	simm.s32 @p0 $0x1B8D  }
0xad: {  	_ =	swait.eq @p0 [sflag:s5], $0x1  }
0xae: {  	[sflag:s5] =	ssyncadd.s32 @p0 $0xFFFFFFFF  }
0xaf: {  	s6 =	sshll.u32 @!p0 s1, $0xE  }
0xb0: {  	s6 =	sor.u32 @!p0 $0x4000, s6;
	s5 =	simm.s32 @!p0 $0x1B8D  }
0xb1: {  	s4 =	sshll.u32 @!p0 s4, $0x11;
	s6 =	sadd.s32 @!p0 $0x11B8D, s6;
	_ =	swait.eq @!p0 [sflag:s5], $0x1  }
0xb2: {  	s4 =	sor.u32 @!p0 s4, s6;
	[sflag:s5] =	ssyncadd.s32 @!p0 $0xFFFFFFFF  }
0xb3: {  	s25 =	simm.s32 $0x1B8E;
	s24 =	sld [smem:$0x3FFE];
	[sflag:s4] =	ssyncadd.remote.s32 @!p0 $0x1  }
0xb4: {  	s26 =	simm.s32 $execute0_lowered;
	[smem:$0x3FD2] =	sst s25  }
0xb5: {  	s5 =	sshll.u32 s26, $0x1;
	_ =	strace $0x80000049;
	[dreg:$0x1] =	wrdreg $0xFFFFFFFF  }
0xb6: {  	s28 =	simm.s32 $_size_execute0_lowered;
	s3 =	sadd.s32 s3, s5;
	[dreg:$0x0] =	wrdreg $0x0  }
0xb7: {  	s5 =	sshll.u32 s28, $0x1;
	[dreg:$0x2] =	wrdreg s3  }
0xb8: {  	[dreg:$0x3] =	wrdreg s5  }
0xb9: {  	[dreg:$0x4] =	wrdreg $0xC0  }
0xba: {  	_ =	task [dreg:s22], $0x5FFFF  }
0xbb: {  	[dreg:$0x1] =	wrdreg $0xFFFFFFFF  }
0xbc: {  	[dreg:$0x0] =	wrdreg $0x60  }
0xbd: {  	[dreg:$0x2] =	wrdreg s24  }
0xbe: {  	[dreg:$0x3] =	wrdreg $0x0  }
0xbf: {  	[dreg:$0x4] =	wrdreg $0xA  }
0xc0: {  	_ =	task.clear_ibuf [dreg:s22], $0x5FFFF;
	_ =	strace $0x90000049  }
0xc1: {  	s29 =	simm.s32 $0xA;
	_ =	strace $0x8000004B  }
0xc2: {  	_ =	swait.ge [sflag:s29], $0x1  }
0xc3: {  	[sflag:s29] =	ssyncadd.s32 $0xFFFFFFFF  }
0xc4: {  	_ =	strace $0x9000004B  }
0xc5: {  	_ =	sfence  }
0xc6: {  	s30 =	sld [smem:$0x0];
	_ =	sdelay $0x2  }
0xc7: {  	s31 =	sshll.u32 s1, $0xD;
	s1 =	sshrl.u32 s1, $0x2  }
0xc8: {  	s4 =	sand.u32 $0x4000, s31;
	s1 =	sadd.s32 s1, s30  }
0xc9: {  	s0 =	sor.u32 s4, s0;
	s1 =	sshll.u32 s1, $0x11  }
0xca: {  	s0 =	sor.u32 s1, s0  }
0xcb: {  	s0 =	sadd.s32 $0x8F2B, s0  }
0xcc: {  	[sflag:s0] =	ssyncadd.remote.s32 $0x1  }
0xcd: {  	_ =	sfence.sel $0xFFFF  }
0xce: {  	[dreg:$0x0] =	wrdreg $0xFFFFFFFF;
	(pc) =	sbr.abs _section_cstart, $3  }
0xcf: {  	[dreg:$0x1] =	wrdreg $0xFFFFFFFF  }
0xd0: {  	_ =	task.clear_ibuf [dreg:s22], $0x2FFFF;
	_ =	strace $0x9FFFFFFF  }
0xd1: {  	(tm) =	ssettm $0x7FFFFFFF  }
tec
execute0_lowered:
.L_overlay_start_1:
0x0: {  	(tag) =	ssettag $0x1  }
0x1: {  	s0 =	srdreg.scid;
	s3 =	rddreg [dreg:$0x0]  }
0x2: {  	s6 =	stileid.u32;
	s2 =	rddreg [dreg:$0x1]  }
0x3: {  	s28 =	simm.s32 $0x1;
	s29 =	simm.s32 $0x13C00;
	s30 =	simm.s32 $0x80  }
0x4: {  	s31 =	simm.s32 $0x0;
	s0 =	sand.u32 $0x1, s0;
	s5 =	smul.u32 $0x13C00, s6  }
0x5: {  	s1 =	sshll.u32 s6, $0x1;
	s13 =	sadd.s32 $0x6DA00, s3;
	s14 =	smul.u32 $0x4F000, s6  }
0x6: {  	s1 =	sor.u32 s0, s1;
	s4 =	ssub.s32 $0x2, s0;
	s0 =	smul.u32 $0x13C000, s0  }
0x7: {  	s1 =	smul.u32 $0x500, s1;
	s9 =	sshrl.u32 s4, $0x1;
	s15 =	sadd.s32 $0x2000, s5  }
0x8: {  	s16 =	sadd.s32 $0x4000, s5;
	s17 =	sadd.s32 $0x6000, s5;
	s18 =	sadd.s32 $0x8000, s5  }
0x9: {  	s19 =	sadd.s32 $0xA000, s5;
	s20 =	sadd.s32 $0xC000, s5;
	s21 =	sadd.s32 $0xE000, s5  }
0xa: {  	s22 =	sadd.s32 $0x10000, s5;
	s23 =	sadd.s32 $0x12000, s5;
	s26 =	sshrl.u32 s14, $0x2  }
0xb: {  	s25 =	ssub.s32 s4, s9;
	s10 =	sadd.s32 s5, s0;
	s11 =	sadd.s32 s0, s15  }
0xc: {  	s12 =	sadd.s32 s0, s16;
	s24 =	sadd.s32 s0, s17;
	s7 =	sadd.s32 s0, s18  }
0xd: {  	s8 =	sadd.s32 s0, s19;
	s9 =	sadd.s32 s0, s20;
	s14 =	sadd.s32 s26, s2  }
0xe: {  	s15 =	sadd.s32 s15, s2;
	s16 =	sadd.s32 s16, s2;
	s17 =	sadd.s32 s17, s2  }
0xf: {  	s18 =	sadd.s32 s18, s2;
	s19 =	sadd.s32 s19, s2;
	s20 =	sadd.s32 s20, s2  }
0x10: {  	s26 =	simm.s32 $0x16400;
	s1 =	sadd.s32 s1, s3;
	s3 =	sshrl.u32 s10, $0x3  }
0x11: {  	s4 =	sshrl.u32 s11, $0x3;
	s5 =	sshrl.u32 s12, $0x3;
	s6 =	sshrl.u32 s24, $0x3  }
0x12: {  	s7 =	sshrl.u32 s7, $0x3;
	s8 =	sshrl.u32 s8, $0x3;
	s9 =	sshrl.u32 s9, $0x3  }
0x13: {  	s10 =	sadd.s32 s0, s21;
	s11 =	sadd.s32 s0, s22;
	s0 =	sadd.s32 s0, s23  }
0x14: {  	s12 =	simm.s32 $0x0;
	s21 =	sadd.s32 s21, s2;
	s22 =	sadd.s32 s22, s2  }
0x15: {  	s23 =	sadd.s32 s23, s2;
	s25 =	smax.u32 s25, $0x1;
	s3 =	sadd.s32 s13, s3  }
0x16: {  	s4 =	sadd.s32 s13, s4;
	s5 =	sadd.s32 s13, s5;
	s6 =	sadd.s32 s13, s6  }
0x17: {  	s7 =	sadd.s32 s13, s7;
	s8 =	sadd.s32 s13, s8;
	s9 =	sadd.s32 s13, s9  }
0x18: {  	s10 =	sshrl.u32 s10, $0x3;
	s11 =	sshrl.u32 s11, $0x3;
	s0 =	sshrl.u32 s0, $0x3  }
0x19: {  	[smem:$0x7FF] =	sst s12;
	s24 =	sadd.s32 $0x63A00, s1;
	s10 =	sadd.s32 s13, s10  }
0x1a: {  	v0 =	vimm.f32 $0.0e+00;
	v1 =	vimm.f32 $1.000000000e+00;
	s11 =	sadd.s32 s13, s11;
	s13 =	sadd.s32 s13, s0;
	_ =	strace $0x8000004A  }
.LBB2_1:
0x1b: {  	s1 =	simm.s32 $0x0;
	s0 =	simm.s32 $0x200  }
.LBB2_2:
0x1c: {  	p0 =	sne.s32 s0, $0xFE00;
	[tilespmem:s1+$0x16470] =	vst v0  }
0x1d: {  	[tilespmem:s1+$0x16400] =	vst v0  }
0x1e: {  	[tilespmem:s1+$0x16410] =	vst v0  }
.Ltmp0:
0x1f: {  	[tilespmem:s1+$0x16420] =	vst v0;
	(pc) =	sbr.rel @p0 .LBB2_2-.Ltmp0, $4  }
0x20: {  	[tilespmem:s1+$0x16430] =	vst v0  }
0x21: {  	[tilespmem:s1+$0x16440] =	vst v0  }
0x22: {  	[tilespmem:s1+$0x16450] =	vst v0  }
0x23: {  	[tilespmem:s1+$0x16460] =	vst v0;
	s1 =	sshra.s32 s0, $0x2;
	s0 =	sadd.s32 $0x200, s0  }
0x24: {  	[tilespmem:s1+$0x16470] =	vst v0  }
0x25: {  	[tilespmem:s1+$0x16400] =	vst v0  }
0x26: {  	[tilespmem:s1+$0x16410] =	vst v0  }
0x27: {  	[tilespmem:s1+$0x16420] =	vst v0  }
0x28: {  	[tilespmem:s1+$0x16430] =	vst v0  }
0x29: {  	[tilespmem:s1+$0x16440] =	vst v0  }
0x2a: {  	[tilespmem:s1+$0x16450] =	vst v0  }
0x2b: {  	[tilespmem:s1+$0x16460] =	vst v0  }
0x2c: {  	[spmem:s14] =	stream.linear.scatter [tilespmem:s26], [sflag:$0x1], $0x2000, $0x38;
	[tilespmem:$0x1A400] =	vst v63  }
0x2d: {  	_ =	swait.ge [sflag:s28], $0x2000  }
0x2e: {  	[sflag:s28] =	ssyncset.done $0x0  }
0x2f: {  	[sflag:s28] =	ssyncadd.s32 $0xFFFFE000  }
0x30: {  	[spmem:s15] =	stream.linear.scatter [tilespmem:s26], [sflag:$0x1], $0x2000, $0x38;
	[tilespmem:$0x1A400] =	vst v63  }
0x31: {  	_ =	swait.ge [sflag:s28], $0x2000  }
0x32: {  	[sflag:s28] =	ssyncset.done $0x0  }
0x33: {  	[sflag:s28] =	ssyncadd.s32 $0xFFFFE000  }
0x34: {  	[spmem:s16] =	stream.linear.scatter [tilespmem:s26], [sflag:$0x1], $0x2000, $0x38;
	[tilespmem:$0x1A400] =	vst v63  }
0x35: {  	_ =	swait.ge [sflag:s28], $0x2000  }
0x36: {  	[sflag:s28] =	ssyncset.done $0x0  }
0x37: {  	[sflag:s28] =	ssyncadd.s32 $0xFFFFE000  }
0x38: {  	[spmem:s17] =	stream.linear.scatter [tilespmem:s26], [sflag:$0x1], $0x2000, $0x38;
	[tilespmem:$0x1A400] =	vst v63  }
0x39: {  	_ =	swait.ge [sflag:s28], $0x2000  }
0x3a: {  	[sflag:s28] =	ssyncset.done $0x0  }
0x3b: {  	[sflag:s28] =	ssyncadd.s32 $0xFFFFE000  }
0x3c: {  	[spmem:s18] =	stream.linear.scatter [tilespmem:s26], [sflag:$0x1], $0x2000, $0x38;
	[tilespmem:$0x1A400] =	vst v63  }
0x3d: {  	_ =	swait.ge [sflag:s28], $0x2000  }
0x3e: {  	[sflag:s28] =	ssyncset.done $0x0  }
0x3f: {  	[sflag:s28] =	ssyncadd.s32 $0xFFFFE000  }
0x40: {  	[spmem:s19] =	stream.linear.scatter [tilespmem:s26], [sflag:$0x1], $0x2000, $0x38;
	[tilespmem:$0x1A400] =	vst v63  }
0x41: {  	_ =	swait.ge [sflag:s28], $0x2000  }
0x42: {  	[sflag:s28] =	ssyncset.done $0x0  }
0x43: {  	[sflag:s28] =	ssyncadd.s32 $0xFFFFE000  }
0x44: {  	[spmem:s20] =	stream.linear.scatter [tilespmem:s26], [sflag:$0x1], $0x2000, $0x38;
	[tilespmem:$0x1A400] =	vst v63  }
0x45: {  	_ =	swait.ge [sflag:s28], $0x2000  }
0x46: {  	[sflag:s28] =	ssyncset.done $0x0  }
0x47: {  	[sflag:s28] =	ssyncadd.s32 $0xFFFFE000  }
0x48: {  	[spmem:s21] =	stream.linear.scatter [tilespmem:s26], [sflag:$0x1], $0x2000, $0x38;
	[tilespmem:$0x1A400] =	vst v63  }
0x49: {  	_ =	swait.ge [sflag:s28], $0x2000  }
0x4a: {  	[sflag:s28] =	ssyncset.done $0x0  }
0x4b: {  	[sflag:s28] =	ssyncadd.s32 $0xFFFFE000  }
0x4c: {  	[spmem:s22] =	stream.linear.scatter [tilespmem:s26], [sflag:$0x1], $0x2000, $0x38;
	[tilespmem:$0x1A400] =	vst v63  }
0x4d: {  	_ =	swait.ge [sflag:s28], $0x2000  }
0x4e: {  	[sflag:s28] =	ssyncset.done $0x0  }
0x4f: {  	[sflag:s28] =	ssyncadd.s32 $0xFFFFE000  }
0x50: {  	[spmem:s23] =	stream.linear.scatter [tilespmem:s26], [sflag:$0x1], $0x1C00, $0x38;
	[tilespmem:$0x1A400] =	vst v63  }
0x51: {  	_ =	swait.ge [sflag:s28], $0x1C00  }
0x52: {  	[sflag:s28] =	ssyncset.done $0x0  }
0x53: {  	s1 =	simm.s32 $0x0;
	s0 =	simm.s32 $0x200;
	[sflag:s28] =	ssyncadd.s32 $0xFFFFE400  }
.LBB2_4:
0x54: {  	p0 =	sne.s32 s0, $0xFE00;
	[tilespmem:s1+$0x16470] =	vst v1  }
0x55: {  	[tilespmem:s1+$0x16400] =	vst v1  }
0x56: {  	[tilespmem:s1+$0x16410] =	vst v1  }
.Ltmp1:
0x57: {  	[tilespmem:s1+$0x16420] =	vst v1;
	(pc) =	sbr.rel @p0 .LBB2_4-.Ltmp1, $4  }
0x58: {  	[tilespmem:s1+$0x16430] =	vst v1  }
0x59: {  	[tilespmem:s1+$0x16440] =	vst v1  }
0x5a: {  	[tilespmem:s1+$0x16450] =	vst v1  }
0x5b: {  	[tilespmem:s1+$0x16460] =	vst v1;
	s1 =	sshra.s32 s0, $0x2;
	s0 =	sadd.s32 $0x200, s0  }
0x5c: {  	[tilespmem:s1+$0x16470] =	vst v1  }
0x5d: {  	[tilespmem:s1+$0x16400] =	vst v1  }
0x5e: {  	[tilespmem:s1+$0x16410] =	vst v1  }
0x5f: {  	[tilespmem:s1+$0x16420] =	vst v1  }
0x60: {  	[tilespmem:s1+$0x16430] =	vst v1  }
0x61: {  	[tilespmem:s1+$0x16440] =	vst v1  }
0x62: {  	[tilespmem:s1+$0x16450] =	vst v1  }
0x63: {  	[tilespmem:s1+$0x16460] =	vst v1;
	s0 =	simm.s32 $0x0  }
0x64: {  	[tilespmem:s29], [sflag:$0x1] =	stream.linear.gather [hbm4b:s24+s0], $0x2780, $0x38;
	[tilespmem:$0x1A400] =	vst v63  }
0x65: {  	_ =	swait.ge [sflag:s28], $0x2780  }
0x66: {  	[sflag:s28] =	ssyncset.done $0x0  }
0x67: {  	[sflag:s28] =	ssyncadd.s32 $0xFFFFD880  }
0x68: {  	s1 =	simm.s32 $0x13C00;
	[bflag:$0x0] =	sbarrier.arrive $0xFFFF  }
0x69: {  	[spmem:s2] =	stream.indirect.scatter.add.f32 [tilespmem:s26], [sflag:$0x1], $0x80, s1, s30, $0xb8;
	[tilespmem:$0x1A400] =	vst v63  }
0x6a: {  	s0 =	simm.s32 $0x200;
	_ =	swait.ge [sflag:s28], $0x4000  }
.LBB2_6:
0x6b: {  	s1 =	sshra.s32 s0, $0x2;
	[sflag:s28] =	ssyncset.done $0x0;
	p0 =	sne.s32 s0, $0x9C00  }
.Ltmp2:
0x6c: {  	s1 =	sadd.s32 $0x13C00, s1;
	[sflag:s28] =	ssyncadd.s32 $0xFFFFC000;
	(pc) =	sbr.rel @p0 .LBB2_6-.Ltmp2, $3  }
0x6d: {  	[spmem:s2] =	stream.indirect.scatter.add.f32 [tilespmem:s26], [sflag:$0x1], $0x80, s1, s30, $0xb8;
	[tilespmem:$0x1A400] =	vst v63  }
0x6e: {  	s0 =	sadd.s32 $0x200, s0;
	_ =	sdelay $0x1  }
0x6f: {  	_ =	swait.ge [sflag:s28], $0x4000  }
0x70: {  	[sflag:s28] =	ssyncset.done $0x0  }
0x71: {  	[sflag:s28] =	ssyncadd.s32 $0xFFFFC000  }
0x72: {  	[bflag:$0x0] =	sbarrier.arrive $0xFFFF  }
0x73: {  	[tilespmem:s26], [sflag:$0x1] =	stream.linear.gather [spmem:s14], $0x2000, $0x38;
	[tilespmem:$0x1A400] =	vst v63  }
0x74: {  	_ =	swait.ge [sflag:s28], $0x2000  }
0x75: {  	[sflag:s28] =	ssyncset.done $0x0  }
0x76: {  	[sflag:s28] =	ssyncadd.s32 $0xFFFFE000  }
0x77: {  	[hbm4b:s3+s12] =	stream.linear.scatter [tilespmem:s26], [sflag:$0x1], $0x2000, $0x38;
	[tilespmem:$0x1A400] =	vst v63  }
0x78: {  	_ =	swait.ge [sflag:s28], $0x2000  }
0x79: {  	[sflag:s28] =	ssyncset.done $0x0  }
0x7a: {  	[sflag:s28] =	ssyncadd.s32 $0xFFFFE000  }
0x7b: {  	[tilespmem:s26], [sflag:$0x1] =	stream.linear.gather [spmem:s15], $0x2000, $0x38;
	[tilespmem:$0x1A400] =	vst v63  }
0x7c: {  	_ =	swait.ge [sflag:s28], $0x2000  }
0x7d: {  	[sflag:s28] =	ssyncset.done $0x0  }
0x7e: {  	[sflag:s28] =	ssyncadd.s32 $0xFFFFE000  }
0x7f: {  	[hbm4b:s4+s12] =	stream.linear.scatter [tilespmem:s26], [sflag:$0x1], $0x2000, $0x38;
	[tilespmem:$0x1A400] =	vst v63  }
0x80: {  	_ =	swait.ge [sflag:s28], $0x2000  }
0x81: {  	[sflag:s28] =	ssyncset.done $0x0  }
0x82: {  	[sflag:s28] =	ssyncadd.s32 $0xFFFFE000  }
0x83: {  	[tilespmem:s26], [sflag:$0x1] =	stream.linear.gather [spmem:s16], $0x2000, $0x38;
	[tilespmem:$0x1A400] =	vst v63  }
0x84: {  	_ =	swait.ge [sflag:s28], $0x2000  }
0x85: {  	[sflag:s28] =	ssyncset.done $0x0  }
0x86: {  	[sflag:s28] =	ssyncadd.s32 $0xFFFFE000  }
0x87: {  	[hbm4b:s5+s12] =	stream.linear.scatter [tilespmem:s26], [sflag:$0x1], $0x2000, $0x38;
	[tilespmem:$0x1A400] =	vst v63  }
0x88: {  	_ =	swait.ge [sflag:s28], $0x2000  }
0x89: {  	[sflag:s28] =	ssyncset.done $0x0  }
0x8a: {  	[sflag:s28] =	ssyncadd.s32 $0xFFFFE000  }
0x8b: {  	[tilespmem:s26], [sflag:$0x1] =	stream.linear.gather [spmem:s17], $0x2000, $0x38;
	[tilespmem:$0x1A400] =	vst v63  }
0x8c: {  	_ =	swait.ge [sflag:s28], $0x2000  }
0x8d: {  	[sflag:s28] =	ssyncset.done $0x0  }
0x8e: {  	[sflag:s28] =	ssyncadd.s32 $0xFFFFE000  }
0x8f: {  	[hbm4b:s6+s12] =	stream.linear.scatter [tilespmem:s26], [sflag:$0x1], $0x2000, $0x38;
	[tilespmem:$0x1A400] =	vst v63  }
0x90: {  	_ =	swait.ge [sflag:s28], $0x2000  }
0x91: {  	[sflag:s28] =	ssyncset.done $0x0  }
0x92: {  	[sflag:s28] =	ssyncadd.s32 $0xFFFFE000  }
0x93: {  	[tilespmem:s26], [sflag:$0x1] =	stream.linear.gather [spmem:s18], $0x2000, $0x38;
	[tilespmem:$0x1A400] =	vst v63  }
0x94: {  	_ =	swait.ge [sflag:s28], $0x2000  }
0x95: {  	[sflag:s28] =	ssyncset.done $0x0  }
0x96: {  	[sflag:s28] =	ssyncadd.s32 $0xFFFFE000  }
0x97: {  	[hbm4b:s7+s12] =	stream.linear.scatter [tilespmem:s26], [sflag:$0x1], $0x2000, $0x38;
	[tilespmem:$0x1A400] =	vst v63  }
0x98: {  	_ =	swait.ge [sflag:s28], $0x2000  }
0x99: {  	[sflag:s28] =	ssyncset.done $0x0  }
0x9a: {  	[sflag:s28] =	ssyncadd.s32 $0xFFFFE000  }
0x9b: {  	[tilespmem:s26], [sflag:$0x1] =	stream.linear.gather [spmem:s19], $0x2000, $0x38;
	[tilespmem:$0x1A400] =	vst v63  }
0x9c: {  	_ =	swait.ge [sflag:s28], $0x2000  }
0x9d: {  	[sflag:s28] =	ssyncset.done $0x0  }
0x9e: {  	[sflag:s28] =	ssyncadd.s32 $0xFFFFE000  }
0x9f: {  	[hbm4b:s8+s12] =	stream.linear.scatter [tilespmem:s26], [sflag:$0x1], $0x2000, $0x38;
	[tilespmem:$0x1A400] =	vst v63  }
0xa0: {  	_ =	swait.ge [sflag:s28], $0x2000  }
0xa1: {  	[sflag:s28] =	ssyncset.done $0x0  }
0xa2: {  	[sflag:s28] =	ssyncadd.s32 $0xFFFFE000  }
0xa3: {  	[tilespmem:s26], [sflag:$0x1] =	stream.linear.gather [spmem:s20], $0x2000, $0x38;
	[tilespmem:$0x1A400] =	vst v63  }
0xa4: {  	_ =	swait.ge [sflag:s28], $0x2000  }
0xa5: {  	[sflag:s28] =	ssyncset.done $0x0  }
0xa6: {  	[sflag:s28] =	ssyncadd.s32 $0xFFFFE000  }
0xa7: {  	[hbm4b:s9+s12] =	stream.linear.scatter [tilespmem:s26], [sflag:$0x1], $0x2000, $0x38;
	[tilespmem:$0x1A400] =	vst v63  }
0xa8: {  	_ =	swait.ge [sflag:s28], $0x2000  }
0xa9: {  	[sflag:s28] =	ssyncset.done $0x0  }
0xaa: {  	[sflag:s28] =	ssyncadd.s32 $0xFFFFE000  }
0xab: {  	[tilespmem:s26], [sflag:$0x1] =	stream.linear.gather [spmem:s21], $0x2000, $0x38;
	[tilespmem:$0x1A400] =	vst v63  }
0xac: {  	_ =	swait.ge [sflag:s28], $0x2000  }
0xad: {  	[sflag:s28] =	ssyncset.done $0x0  }
0xae: {  	[sflag:s28] =	ssyncadd.s32 $0xFFFFE000  }
0xaf: {  	[hbm4b:s10+s12] =	stream.linear.scatter [tilespmem:s26], [sflag:$0x1], $0x2000, $0x38;
	[tilespmem:$0x1A400] =	vst v63  }
0xb0: {  	_ =	swait.ge [sflag:s28], $0x2000  }
0xb1: {  	[sflag:s28] =	ssyncset.done $0x0  }
0xb2: {  	[sflag:s28] =	ssyncadd.s32 $0xFFFFE000  }
0xb3: {  	[tilespmem:s26], [sflag:$0x1] =	stream.linear.gather [spmem:s22], $0x2000, $0x38;
	[tilespmem:$0x1A400] =	vst v63  }
0xb4: {  	_ =	swait.ge [sflag:s28], $0x2000  }
0xb5: {  	[sflag:s28] =	ssyncset.done $0x0  }
0xb6: {  	[sflag:s28] =	ssyncadd.s32 $0xFFFFE000  }
0xb7: {  	[hbm4b:s11+s12] =	stream.linear.scatter [tilespmem:s26], [sflag:$0x1], $0x2000, $0x38;
	[tilespmem:$0x1A400] =	vst v63  }
0xb8: {  	_ =	swait.ge [sflag:s28], $0x2000  }
0xb9: {  	[sflag:s28] =	ssyncset.done $0x0  }
0xba: {  	[sflag:s28] =	ssyncadd.s32 $0xFFFFE000  }
0xbb: {  	[tilespmem:s26], [sflag:$0x1] =	stream.linear.gather [spmem:s23], $0x1C00, $0x38;
	[tilespmem:$0x1A400] =	vst v63  }
0xbc: {  	s31 =	sadd.s32 $0x1, s31;
	_ =	swait.ge [sflag:s28], $0x1C00  }
0xbd: {  	p0 =	sne.s32 s31, s25;
	[sflag:s28] =	ssyncset.done $0x0  }
.Ltmp3:
0xbe: {  	[sflag:s28] =	ssyncadd.s32 $0xFFFFE400;
	(pc) =	sbr.rel @p0 .LBB2_1-.Ltmp3, $4  }
0xbf: {  	[hbm4b:s13+s12] =	stream.linear.scatter [tilespmem:s26], [sflag:$0x1], $0x1C00, $0x38;
	[tilespmem:$0x1A400] =	vst v63  }
0xc0: {  	_ =	swait.ge [sflag:s28], $0x1C00  }
0xc1: {  	[sflag:s28] =	ssyncset.done $0x0  }
0xc2: {  	[sflag:s28] =	ssyncadd.s32 $0xFFFFE400  }
0xc3: {  	_ =	sfence.sel $0x180000  }
0xc4: {  	[bflag:$0x0] =	sbarrier.arrive $0xFFFF  }
0xc5: {  	_ =	strace $0x9000004A  }
0xc6: {  	s0 =	stileid.u32;
	[bflag:$0x2] =	sbarrier.arrive $0xFFFF  }
0xc7: {  	p0 =	sne.s32 s0, $0x0;
	s0 =	rddreg [dreg:$0x2]  }
0xc8: {  	s0 =	sadd.s32 @!p0 $0x100000, s0  }
0xc9: {  	[sflag:s0] =	ssyncadd.tile.s32 @!p0 $0x1;
	_ =	shalt  }
.Lfunc_end2:
_tile_overlayer_lowered:
.L_overlay_start_2:
0xca: {  	(tag) =	ssettag $0x2  }
0xcb: {  	s0 =	rddreg [dreg:$0x0];
	s2 =	stileid.u32  }
0xcc: {  	s1 =	rddreg [dreg:$0x1];
	p0 =	sne.s32 s2, $0x0  }
0xcd: {  	s3 =	rddreg [dreg:$0x2];
	[bflag:$0x3] =	sbarrier.arrive $0xFFFF;
	s2 =	simm.s32 @!p0 $0x1C01  }
0xce: {  	[timem:s3], [sflag:s2] =	dma.local @!p0 [hbm:s0], s1  }
0xcf: {  	s0 =	simm.s32 @!p0 $0x1  }
0xd0: {  	_ =	swait.ge @!p0 [sflag:s0], s1  }
0xd1: {  	s1 =	ssub.s32 @!p0 $0x0, s1;
	[sflag:s0] =	ssyncset.done @!p0 $0x0  }
0xd2: {  	[sflag:s0] =	ssyncadd.s32 @!p0 s1  }
0xd3: {  	[bflag:$0x3] =	sbarrier.arrive $0xFFFF  }
0xd4: {  	_ =	shalt  }

</sc_bundles>
